<compile_context>
chip_gen: v7x
topology: tpu7x:2x2x1
jax: 0.10.2.dev20260603
libtpu: 0.0.44.dev20260713+nightly
codegen_flags: <defaults>
</compile_context>

<pallas_src>
import functools

import jax
import jax.numpy as jnp
from jax import lax
from jax.experimental import pallas as pl
from jax.experimental.pallas import tpu as pltpu
from jax.experimental.pallas import tpu_sc as plsc

NUM_NEIGHBOURS = 50
DELTA = 1e-3

A = 8
C = 100000
CPAD = 102400
BC = 12800
NBLK = CPAD // BC
Q = 64
D = 64
SPB = BC // 128
NSLAB = CPAD // 128
GPAD = 128
NG = NBLK * GPAD
SEL = 64
K = NUM_NEIGHBOURS
PAD_VAL = 3.0e7
BIG = 3.0e38

NW = 32
ROWS = A * Q
RPW = ROWS // NW



def _dist_kernel(obs_ref, w_ref, b_ref, keys_ref, d2_ref, gm_ref):
    j = pl.program_id(1)
    h = jnp.dot(obs_ref[...], w_ref[...],
                preferred_element_type=jnp.float32) + b_ref[...][None, :]
    kt = keys_ref[0]
    k2 = jnp.sum(kt * kt, axis=0)
    q2 = jnp.sum(h * h, axis=1, keepdims=True)
    hk = lax.dot_general(h, kt, (((1,), (0,)), ((), ())),
                         preferred_element_type=jnp.float32)
    d2 = q2 - 2.0 * hk + k2[None, :]
    ci = lax.broadcasted_iota(jnp.int32, (Q, BC), 1) + j * BC
    d2 = jnp.where(ci < C, d2, BIG)
    d2_ref[0] = d2
    m1 = jnp.min(d2.reshape(Q, SPB, 128), axis=-1)
    gm_ref[0, 0] = jnp.concatenate(
        [m1, jnp.full((Q, GPAD - SPB), BIG, jnp.float32)], axis=1)


def _distances(observations, W_emb, b_emb, dnd_keys):
    keys_t = jnp.swapaxes(dnd_keys, 1, 2)
    return pl.pallas_call(
        _dist_kernel,
        grid=(A, NBLK),
        in_specs=[
            pl.BlockSpec((Q, 128), lambda a, j: (0, 0)),
            pl.BlockSpec((128, D), lambda a, j: (0, 0)),
            pl.BlockSpec((D,), lambda a, j: (0,)),
            pl.BlockSpec((1, D, BC), lambda a, j: (a, 0, j)),
        ],
        out_specs=[
            pl.BlockSpec((1, Q, BC), lambda a, j: (a, 0, j)),
            pl.BlockSpec((1, 1, Q, GPAD), lambda a, j: (a, j, 0, 0)),
        ],
        out_shape=[
            jax.ShapeDtypeStruct((A, Q, CPAD), jnp.float32),
            jax.ShapeDtypeStruct((A, NBLK, Q, GPAD), jnp.float32),
        ],
    )(observations, W_emb, b_emb, keys_t)


def _vt_kernel(vt_ref, out_ref):
    v = jnp.swapaxes(vt_ref[0], 0, 1)
    out_ref[0] = jnp.concatenate(
        [v, jnp.zeros((BC, 128 - D), jnp.float32)], axis=1)


def _transpose_values(dnd_values):
    vals_t = jnp.swapaxes(dnd_values, 1, 2)
    return pl.pallas_call(
        _vt_kernel,
        grid=(A, NBLK),
        in_specs=[pl.BlockSpec((1, D, BC), lambda a, j: (a, 0, j))],
        out_specs=pl.BlockSpec((1, BC, 128), lambda a, j: (a, j, 0)),
        out_shape=jax.ShapeDtypeStruct((A, CPAD, 128), jnp.float32),
    )(vals_t)



def _scal(x):
    return x if getattr(x, "ndim", 0) == 0 else jnp.max(x)


def _ffs(b):
    return _scal(plsc.all_reduce_ffs(b))


def _sc_body(d2_hbm, gm_hbm, vals_hbm, out_hbm,
             cand_v, gm_v, cm1_v, cm_v, vidx_v, vbuf, obuf, wbuf_v,
             selc_smem, sem, sem2):
    lane = lax.iota(jnp.int32, 16)
    lane0 = lane == 0

    def set1f(ref, pos, val):
        plsc.store_scatter(ref, [jnp.full((16,), pos, jnp.int32)],
                           jnp.full((16,), val, jnp.float32), mask=lane0)

    def set1i(ref, pos, val):
        plsc.store_scatter(ref, [jnp.full((16,), pos, jnp.int32)],
                           jnp.full((16,), val, jnp.int32), mask=lane0)

    wid = lax.axis_index("s") * 2 + lax.axis_index("c")

    def row_body(r, _):
        row = wid * RPW + r
        a = row >> 6
        q = row & (Q - 1)

        for j in range(NBLK):
            pltpu.sync_copy(gm_hbm.at[a, j, q],
                            gm_v.at[pl.ds(j * GPAD, GPAD)])

        for v in range(NG // 16):
            set1f(cm1_v, v, jnp.min(gm_v[pl.ds(v * 16, 16)]))

        def ext1(i, _c):
            v0 = cm1_v[pl.ds(0, 16)]
            v1 = cm1_v[pl.ds(16, 16)]
            v2 = cm1_v[pl.ds(32, 16)]
            v3 = cm1_v[pl.ds(48, 16)]
            m = jnp.min(jnp.minimum(jnp.minimum(v0, v1),
                                    jnp.minimum(v2, v3)))
            f0 = _ffs(v0 == m)
            f1 = _ffs(v1 == m)
            f2 = _ffs(v2 == m)
            f3 = _ffs(v3 == m)
            s3 = jnp.where(f0 < 16, f0,
                           jnp.where(f1 < 16, 16 + f1,
                                     jnp.where(f2 < 16, 32 + f2, 48 + f3)))
            gv = gm_v[pl.ds(s3 * 16, 16)]
            l1 = _ffs(gv == m)
            gidx = s3 * 16 + l1
            jb = gidx >> 7
            u = gidx & (GPAD - 1)
            cb = jb * BC + u * 128
            selc_smem[i] = cb
            pltpu.async_copy(d2_hbm.at[a, q, pl.ds(cb, 128)],
                             cand_v.at[i], sem)
            set1f(cm_v, i, m)
            set1f(gm_v, gidx, BIG)
            set1f(cm1_v, s3, jnp.min(gm_v[pl.ds(s3 * 16, 16)]))
            return 0

        lax.fori_loop(0, SEL, ext1, 0)

        for v in range(SEL // 16):
            vidx_v[pl.ds(v * 16, 16)] = a * CPAD + lane + v * 16
            wbuf_v[pl.ds(v * 16, 16)] = jnp.zeros((16,), jnp.float32)

        pltpu.make_async_copy(d2_hbm.at[0, pl.ds(0, SEL), pl.ds(0, 128)],
                              cand_v, sem).wait()

        def ext2(i, _c):
            c0 = cm_v[pl.ds(0, 16)]
            c1 = cm_v[pl.ds(16, 16)]
            c2 = cm_v[pl.ds(32, 16)]
            c3 = cm_v[pl.ds(48, 16)]
            m = jnp.min(jnp.minimum(jnp.minimum(c0, c1),
                                    jnp.minimum(c2, c3)))
            f0 = _ffs(c0 == m)
            f1 = _ffs(c1 == m)
            f2 = _ffs(c2 == m)
            f3 = _ffs(c3 == m)
            s = jnp.where(f0 < 16, f0,
                          jnp.where(f1 < 16, 16 + f1,
                                    jnp.where(f2 < 16, 32 + f2, 48 + f3)))
            cb = selc_smem[s]
            srow = jnp.full((16,), s, jnp.int32)
            col = jnp.int32(-1)
            for p in range(8):
                cv = plsc.load_gather(cand_v, [srow, lane + p * 16])
                fp = _ffs(cv == m)
                col = jnp.where((col < 0) & (fp < 16), p * 16 + fp, col)
            c_local = cb + col
            v_glob = a * CPAD + jnp.minimum(c_local, C - 1)
            set1i(vidx_v, i, v_glob)
            wv = 1.0 / (jnp.full((16,), jnp.maximum(m, 0.0) + DELTA,
                                 jnp.float32))
            plsc.store_scatter(wbuf_v, [jnp.full((16,), i, jnp.int32)],
                               wv, mask=lane0)
            plsc.store_scatter(cand_v, [srow, jnp.full((16,), col, jnp.int32)],
                               jnp.full((16,), BIG, jnp.float32), mask=lane0)
            nm = plsc.load_gather(cand_v, [srow, lane])
            for p in range(1, 8):
                nm = jnp.minimum(nm,
                                 plsc.load_gather(cand_v, [srow, lane + p * 16]))
            set1f(cm_v, s, jnp.min(nm))
            return 0

        lax.fori_loop(0, K, ext2, 0)

        pltpu.async_copy(vals_hbm.at[vidx_v], vbuf, sem).wait()

        def wsloop(i, acc):
            irow = jnp.full((16,), i, jnp.int32)
            wv = plsc.load_gather(wbuf_v, [irow])
            return tuple(
                acc[dv] + wv * plsc.load_gather(vbuf,
                                                [irow, lane + dv * 16])
                for dv in range(4))

        z = jnp.zeros((16,), jnp.float32)
        acc = lax.fori_loop(0, SEL, wsloop, (z, z, z, z))
        ws4 = (wbuf_v[pl.ds(0, 16)] + wbuf_v[pl.ds(16, 16)]
               + wbuf_v[pl.ds(32, 16)] + wbuf_v[pl.ds(48, 16)])
        invv = 1.0 / jnp.full((16,), jnp.sum(ws4), jnp.float32)
        for dv in range(4):
            obuf[pl.ds(dv * 16, 16)] = acc[dv] * invv
        pltpu.sync_copy(obuf, out_hbm.at[pl.ds((q * A + a) * D, D)])
        return 0

    lax.fori_loop(0, RPW, row_body, 0)


def _sc_topk(d2, gm, vals):
    f = functools.partial(
        pl.kernel,
        mesh=plsc.VectorSubcoreMesh(core_axis_name="c", subcore_axis_name="s"),
        compiler_params=pltpu.CompilerParams(needs_layout_passes=False,
                                             use_tc_tiling_on_sc=True),
        out_type=jax.ShapeDtypeStruct((Q * A * D,), jnp.float32),
        scratch_types=[
            pltpu.VMEM((SEL, 128), jnp.float32),
            pltpu.VMEM((NG,), jnp.float32),
            pltpu.VMEM((NG // 16,), jnp.float32),
            pltpu.VMEM((SEL,), jnp.float32),
            pltpu.VMEM((SEL,), jnp.int32),
            pltpu.VMEM((SEL, 128), jnp.float32),
            pltpu.VMEM((D,), jnp.float32),
            pltpu.VMEM((SEL,), jnp.float32),
            pltpu.SMEM((SEL,), jnp.int32),
            pltpu.SemaphoreType.DMA,
            pltpu.SemaphoreType.DMA,
        ],
    )(_sc_body)
    return f(d2, gm, vals)


def kernel(observations, W_emb, b_emb, dnd_keys, dnd_values):
    d2, gm = _distances(observations, W_emb, b_emb, dnd_keys)
    vals_tr = _transpose_values(dnd_values)
    out = _sc_topk(d2, gm, vals_tr.reshape(A * CPAD, 128))
    return out.reshape(Q, A, D)

# --- scband reference (transcript-rebuilt; emitter-appended) ---
"""Pipeline reference for scband-sfnec-50010599195077 (READ-ONLY COPY).

The authoritative reference and input builder live on the scoring server;
editing this copy changes nothing except your own understanding.
"""

import jax, jax.numpy as jnp
import numpy as np

NUM_NEIGHBOURS = 50
DELTA = 1e-3


def setup_inputs(seed: int = 0) -> dict:
    key = jax.random.key(seed)
    k1, k2, k3, k4, k5 = jax.random.split(key, 5)
    observations = jax.random.normal(k1, (64, 128), dtype=jnp.float32)
    W_emb = jax.random.normal(k2, (128, 64), dtype=jnp.float32) * 0.05
    b_emb = jax.random.normal(k3, (64,), dtype=jnp.float32) * 0.05
    dnd_keys = jax.random.normal(k4, (8, 100000, 64), dtype=jnp.float32)
    dnd_values = jax.random.normal(k5, (8, 100000, 64), dtype=jnp.float32)
    return {
        "observations": observations,
        "W_emb": W_emb,
        "b_emb": b_emb,
        "dnd_keys": dnd_keys,
        "dnd_values": dnd_values,
    }


def reference(observations, W_emb, b_emb, dnd_keys, dnd_values):
    # embedding_net: linear projection of observations to DND key space
    h = observations @ W_emb + b_emb  # [Q, d_key]

    def dnd_lookup(mem_keys, mem_vals):
        # squared euclidean distances [Q, C]
        q2 = jnp.sum(h * h, axis=1, keepdims=True)
        k2 = jnp.sum(mem_keys * mem_keys, axis=1)
        d2 = q2 - 2.0 * (h @ mem_keys.T) + k2[None, :]
        # k nearest neighbours = k smallest distances
        neg_d, idx = jax.lax.top_k(-d2, NUM_NEIGHBOURS)
        dist = jnp.maximum(-neg_d, 0.0)
        # NEC inverse-distance kernel, normalized
        w = 1.0 / (dist + DELTA)
        w = w / jnp.sum(w, axis=1, keepdims=True)
        # gather stored successor features and take weighted sum
        vals = jnp.take(mem_vals, idx, axis=0)  # [Q, k, sf]
        return jnp.sum(w[..., None] * vals, axis=1)  # [Q, sf]

    # torch.stack([dnd(keys) for dnd in self.dnds]) -> [A, Q, sf]
    psis = jax.vmap(dnd_lookup)(dnd_keys, dnd_values)
    # torch.transpose(psis, 0, 1) -> [Q, A, sf]
    return jnp.transpose(psis, (1, 0, 2))

if __name__ == "__main__":
    import jax
    _d = setup_inputs()
    print(jax.jit(kernel)(*tuple(_d.values())))

</pallas_src>

<mosaic_0001>
#map = affine_map<(d0, d1) -> (0, 0, 0)>
#map1 = affine_map<(d0, d1) -> (0, 0, 0, 0)>
#map2 = affine_map<(d0, d1) -> (0, 0)>
#map3 = affine_map<(d0, d1) -> (0)>
module attributes {stable_mosaic.version = 14 : i64} {
  func.func @_sc_body(%arg0: i32, %arg1: i32, %arg2: memref<8x64x102400xf32, #tpu.memory_space<hbm>>, %arg3: memref<8x8x64x128xf32, #tpu.memory_space<hbm>>, %arg4: memref<819200x128xf32, #tpu.memory_space<hbm>>, %arg5: memref<32768xf32, #tpu.memory_space<hbm>>, %arg6: memref<64x128xf32, #tpu.memory_space<vmem>>, %arg7: memref<1024xf32, #tpu.memory_space<vmem>>, %arg8: memref<64xf32, #tpu.memory_space<vmem>>, %arg9: memref<64xf32, #tpu.memory_space<vmem>>, %arg10: memref<64xi32, #tpu.memory_space<vmem>>, %arg11: memref<64x128xf32, #tpu.memory_space<vmem>>, %arg12: memref<64xf32, #tpu.memory_space<vmem>>, %arg13: memref<64xf32, #tpu.memory_space<vmem>>, %arg14: memref<64xi32, #tpu.memory_space<smem>>, %arg15: memref<!tpu.dma_semaphore, #tpu.memory_space<semaphore_mem>>, %arg16: memref<!tpu.dma_semaphore, #tpu.memory_space<semaphore_mem>>) attributes {dimension_semantics = [#tpu.dimension_semantics<core_parallel>, #tpu.dimension_semantics<subcore_parallel>], iteration_bounds = array<i64: 2, 16>, scalar_prefetch = 0 : i64, scratch_operands = 11 : i64, tpu.core_type = #tpu.core_type<sc_vector_subcore>, window_params = [{transform_indices = #map}, {transform_indices = #map1}, {transform_indices = #map2}, {transform_indices = #map3}]} {
    %iota3A = tpu.iota {dimensions = array<i32: 0>} : vector<16xi32>
    %eq3A = arith.constant 0 : i32
    %eq3A_0 = vector.broadcast %eq3A : i32 to vector<16xi32>
    %eq3A_1 = arith.cmpi eq, %iota3A, %eq3A_0 : vector<16xi32>
    %mul3A = arith.constant 2 : i32
    %mul3A_2 = arith.muli %arg1, %mul3A : i32
    %add3A = arith.addi %mul3A_2, %arg0 : i32
    %scan3A = arith.constant 0 : i32
    %scan3A_3 = arith.constant 0 : i32
    %scan3A_4 = arith.constant 16 : i32
    %scan3A_5 = arith.addi %scan3A_3, %scan3A_4 : i32
    %scan3A_6 = arith.constant 1 : i32
    %scan3A_7 = scf.for %scan3A_9 = %scan3A_3 to %scan3A_5 step %scan3A_6 iter_args(%scan3A_10 = %scan3A) -> (i32)  : i32 {
      %mul3A_11 = arith.constant 16 : i32
      %mul3A_12 = arith.muli %add3A, %mul3A_11 : i32
      %add3A_13 = arith.addi %mul3A_12, %scan3A_9 : i32
      %shift_right_arithmetic3A = arith.constant 6 : i32
      %shift_right_arithmetic3A_14 = arith.shrsi %add3A_13, %shift_right_arithmetic3A : i32
      %and3A = arith.constant 63 : i32
      %and3A_15 = arith.andi %add3A_13, %and3A : i32
      %run_scoped3A = arith.constant 0 : i32
      "tpu.region"() ({
        %run_scoped3A_717 = tpu.sem_alloc : memref<!tpu.dma_semaphore, #tpu.memory_space<semaphore_mem>>
        %dma_start3A_718 = arith.constant 0 : i32
        %dma_start3A_719 = tpu.memref_slice %arg7[%dma_start3A_718] : memref<1024xf32, #tpu.memory_space<vmem>> -> memref<128xf32, #tpu.memory_space<vmem>>
        %dma_start3A_720 = arith.constant 0 : i32
        %dma_start3A_721 = tpu.memref_slice %arg3[%shift_right_arithmetic3A_14, %run_scoped3A, %and3A_15, %dma_start3A_720] : memref<8x8x64x128xf32, #tpu.memory_space<hbm>> -> memref<1x1x1x128xf32, #tpu.memory_space<hbm>>
        %dma_start3A_722 = tpu.memref_squeeze %dma_start3A_721 : memref<1x1x1x128xf32, #tpu.memory_space<hbm>> -> memref<128xf32, #tpu.memory_space<hbm>>
        %dma_start3A_723 = arith.constant 0 : i32
        %dma_start3A_724 = tpu.memref_slice %arg7[%dma_start3A_723] : memref<1024xf32, #tpu.memory_space<vmem>> -> memref<128xf32, #tpu.memory_space<vmem>>
        %dma_start3A_725 = arith.constant 0 : i32
        %dma_start3A_726 = tpu.memref_slice %arg3[%shift_right_arithmetic3A_14, %run_scoped3A, %and3A_15, %dma_start3A_725] : memref<8x8x64x128xf32, #tpu.memory_space<hbm>> -> memref<1x1x1x128xf32, #tpu.memory_space<hbm>>
        %dma_start3A_727 = tpu.memref_squeeze %dma_start3A_726 : memref<1x1x1x128xf32, #tpu.memory_space<hbm>> -> memref<128xf32, #tpu.memory_space<hbm>>
        tpu.enqueue_dma source(%dma_start3A_727 : memref<128xf32, #tpu.memory_space<hbm>>) target(%dma_start3A_724 : memref<128xf32, #tpu.memory_space<vmem>>) target_semaphore(%run_scoped3A_717 : memref<!tpu.dma_semaphore, #tpu.memory_space<semaphore_mem>>)
        %dma_wait3A_728 = arith.constant 0 : i32
        %dma_wait3A_729 = tpu.memref_slice %arg7[%dma_wait3A_728] : memref<1024xf32, #tpu.memory_space<vmem>> -> memref<128xf32, #tpu.memory_space<vmem>>
        %dma_wait3A_730 = arith.constant 0 : i32
        %dma_wait3A_731 = tpu.memref_slice %arg3[%shift_right_arithmetic3A_14, %run_scoped3A, %and3A_15, %dma_wait3A_730] : memref<8x8x64x128xf32, #tpu.memory_space<hbm>> -> memref<1x1x1x128xf32, #tpu.memory_space<hbm>>
        %dma_wait3A_732 = tpu.memref_squeeze %dma_wait3A_731 : memref<1x1x1x128xf32, #tpu.memory_space<hbm>> -> memref<128xf32, #tpu.memory_space<hbm>>
        %dma_wait3A_733 = arith.constant 0 : i32
        %dma_wait3A_734 = tpu.memref_slice %arg7[%dma_wait3A_733] : memref<1024xf32, #tpu.memory_space<vmem>> -> memref<128xf32, #tpu.memory_space<vmem>>
        %dma_wait3A_735 = arith.constant 0 : i32
        %dma_wait3A_736 = tpu.memref_slice %arg3[%shift_right_arithmetic3A_14, %run_scoped3A, %and3A_15, %dma_wait3A_735] : memref<8x8x64x128xf32, #tpu.memory_space<hbm>> -> memref<1x1x1x128xf32, #tpu.memory_space<hbm>>
        %dma_wait3A_737 = tpu.memref_squeeze %dma_wait3A_736 : memref<1x1x1x128xf32, #tpu.memory_space<hbm>> -> memref<128xf32, #tpu.memory_space<hbm>>
        tpu.wait_dma2 semaphore(%run_scoped3A_717 : memref<!tpu.dma_semaphore, #tpu.memory_space<semaphore_mem>>) src(%dma_wait3A_737 : memref<128xf32, #tpu.memory_space<hbm>>) dst(%dma_wait3A_734 : memref<128xf32, #tpu.memory_space<vmem>>)
        tpu.yield
      }) : () -> ()
      %run_scoped3A_16 = arith.constant 1 : i32
      "tpu.region"() ({
        %run_scoped3A_717 = tpu.sem_alloc : memref<!tpu.dma_semaphore, #tpu.memory_space<semaphore_mem>>
        %dma_start3A_718 = arith.constant 128 : i32
        %dma_start3A_719 = tpu.memref_slice %arg7[%dma_start3A_718] : memref<1024xf32, #tpu.memory_space<vmem>> -> memref<128xf32, #tpu.memory_space<vmem>>
        %dma_start3A_720 = arith.constant 0 : i32
        %dma_start3A_721 = tpu.memref_slice %arg3[%shift_right_arithmetic3A_14, %run_scoped3A_16, %and3A_15, %dma_start3A_720] : memref<8x8x64x128xf32, #tpu.memory_space<hbm>> -> memref<1x1x1x128xf32, #tpu.memory_space<hbm>>
        %dma_start3A_722 = tpu.memref_squeeze %dma_start3A_721 : memref<1x1x1x128xf32, #tpu.memory_space<hbm>> -> memref<128xf32, #tpu.memory_space<hbm>>
        %dma_start3A_723 = arith.constant 128 : i32
        %dma_start3A_724 = tpu.memref_slice %arg7[%dma_start3A_723] : memref<1024xf32, #tpu.memory_space<vmem>> -> memref<128xf32, #tpu.memory_space<vmem>>
        %dma_start3A_725 = arith.constant 0 : i32
        %dma_start3A_726 = tpu.memref_slice %arg3[%shift_right_arithmetic3A_14, %run_scoped3A_16, %and3A_15, %dma_start3A_725] : memref<8x8x64x128xf32, #tpu.memory_space<hbm>> -> memref<1x1x1x128xf32, #tpu.memory_space<hbm>>
        %dma_start3A_727 = tpu.memref_squeeze %dma_start3A_726 : memref<1x1x1x128xf32, #tpu.memory_space<hbm>> -> memref<128xf32, #tpu.memory_space<hbm>>
        tpu.enqueue_dma source(%dma_start3A_727 : memref<128xf32, #tpu.memory_space<hbm>>) target(%dma_start3A_724 : memref<128xf32, #tpu.memory_space<vmem>>) target_semaphore(%run_scoped3A_717 : memref<!tpu.dma_semaphore, #tpu.memory_space<semaphore_mem>>)
        %dma_wait3A_728 = arith.constant 128 : i32
        %dma_wait3A_729 = tpu.memref_slice %arg7[%dma_wait3A_728] : memref<1024xf32, #tpu.memory_space<vmem>> -> memref<128xf32, #tpu.memory_space<vmem>>
        %dma_wait3A_730 = arith.constant 0 : i32
        %dma_wait3A_731 = tpu.memref_slice %arg3[%shift_right_arithmetic3A_14, %run_scoped3A_16, %and3A_15, %dma_wait3A_730] : memref<8x8x64x128xf32, #tpu.memory_space<hbm>> -> memref<1x1x1x128xf32, #tpu.memory_space<hbm>>
        %dma_wait3A_732 = tpu.memref_squeeze %dma_wait3A_731 : memref<1x1x1x128xf32, #tpu.memory_space<hbm>> -> memref<128xf32, #tpu.memory_space<hbm>>
        %dma_wait3A_733 = arith.constant 128 : i32
        %dma_wait3A_734 = tpu.memref_slice %arg7[%dma_wait3A_733] : memref<1024xf32, #tpu.memory_space<vmem>> -> memref<128xf32, #tpu.memory_space<vmem>>
        %dma_wait3A_735 = arith.constant 0 : i32
        %dma_wait3A_736 = tpu.memref_slice %arg3[%shift_right_arithmetic3A_14, %run_scoped3A_16, %and3A_15, %dma_wait3A_735] : memref<8x8x64x128xf32, #tpu.memory_space<hbm>> -> memref<1x1x1x128xf32, #tpu.memory_space<hbm>>
        %dma_wait3A_737 = tpu.memref_squeeze %dma_wait3A_736 : memref<1x1x1x128xf32, #tpu.memory_space<hbm>> -> memref<128xf32, #tpu.memory_space<hbm>>
        tpu.wait_dma2 semaphore(%run_scoped3A_717 : memref<!tpu.dma_semaphore, #tpu.memory_space<semaphore_mem>>) src(%dma_wait3A_737 : memref<128xf32, #tpu.memory_space<hbm>>) dst(%dma_wait3A_734 : memref<128xf32, #tpu.memory_space<vmem>>)
        tpu.yield
      }) : () -> ()
      %run_scoped3A_17 = arith.constant 2 : i32
      "tpu.region"() ({
        %run_scoped3A_717 = tpu.sem_alloc : memref<!tpu.dma_semaphore, #tpu.memory_space<semaphore_mem>>
        %dma_start3A_718 = arith.constant 256 : i32
        %dma_start3A_719 = tpu.memref_slice %arg7[%dma_start3A_718] : memref<1024xf32, #tpu.memory_space<vmem>> -> memref<128xf32, #tpu.memory_space<vmem>>
        %dma_start3A_720 = arith.constant 0 : i32
        %dma_start3A_721 = tpu.memref_slice %arg3[%shift_right_arithmetic3A_14, %run_scoped3A_17, %and3A_15, %dma_start3A_720] : memref<8x8x64x128xf32, #tpu.memory_space<hbm>> -> memref<1x1x1x128xf32, #tpu.memory_space<hbm>>
        %dma_start3A_722 = tpu.memref_squeeze %dma_start3A_721 : memref<1x1x1x128xf32, #tpu.memory_space<hbm>> -> memref<128xf32, #tpu.memory_space<hbm>>
        %dma_start3A_723 = arith.constant 256 : i32
        %dma_start3A_724 = tpu.memref_slice %arg7[%dma_start3A_723] : memref<1024xf32, #tpu.memory_space<vmem>> -> memref<128xf32, #tpu.memory_space<vmem>>
        %dma_start3A_725 = arith.constant 0 : i32
        %dma_start3A_726 = tpu.memref_slice %arg3[%shift_right_arithmetic3A_14, %run_scoped3A_17, %and3A_15, %dma_start3A_725] : memref<8x8x64x128xf32, #tpu.memory_space<hbm>> -> memref<1x1x1x128xf32, #tpu.memory_space<hbm>>
        %dma_start3A_727 = tpu.memref_squeeze %dma_start3A_726 : memref<1x1x1x128xf32, #tpu.memory_space<hbm>> -> memref<128xf32, #tpu.memory_space<hbm>>
        tpu.enqueue_dma source(%dma_start3A_727 : memref<128xf32, #tpu.memory_space<hbm>>) target(%dma_start3A_724 : memref<128xf32, #tpu.memory_space<vmem>>) target_semaphore(%run_scoped3A_717 : memref<!tpu.dma_semaphore, #tpu.memory_space<semaphore_mem>>)
        %dma_wait3A_728 = arith.constant 256 : i32
        %dma_wait3A_729 = tpu.memref_slice %arg7[%dma_wait3A_728] : memref<1024xf32, #tpu.memory_space<vmem>> -> memref<128xf32, #tpu.memory_space<vmem>>
        %dma_wait3A_730 = arith.constant 0 : i32
        %dma_wait3A_731 = tpu.memref_slice %arg3[%shift_right_arithmetic3A_14, %run_scoped3A_17, %and3A_15, %dma_wait3A_730] : memref<8x8x64x128xf32, #tpu.memory_space<hbm>> -> memref<1x1x1x128xf32, #tpu.memory_space<hbm>>
        %dma_wait3A_732 = tpu.memref_squeeze %dma_wait3A_731 : memref<1x1x1x128xf32, #tpu.memory_space<hbm>> -> memref<128xf32, #tpu.memory_space<hbm>>
        %dma_wait3A_733 = arith.constant 256 : i32
        %dma_wait3A_734 = tpu.memref_slice %arg7[%dma_wait3A_733] : memref<1024xf32, #tpu.memory_space<vmem>> -> memref<128xf32, #tpu.memory_space<vmem>>
        %dma_wait3A_735 = arith.constant 0 : i32
        %dma_wait3A_736 = tpu.memref_slice %arg3[%shift_right_arithmetic3A_14, %run_scoped3A_17, %and3A_15, %dma_wait3A_735] : memref<8x8x64x128xf32, #tpu.memory_space<hbm>> -> memref<1x1x1x128xf32, #tpu.memory_space<hbm>>
        %dma_wait3A_737 = tpu.memref_squeeze %dma_wait3A_736 : memref<1x1x1x128xf32, #tpu.memory_space<hbm>> -> memref<128xf32, #tpu.memory_space<hbm>>
        tpu.wait_dma2 semaphore(%run_scoped3A_717 : memref<!tpu.dma_semaphore, #tpu.memory_space<semaphore_mem>>) src(%dma_wait3A_737 : memref<128xf32, #tpu.memory_space<hbm>>) dst(%dma_wait3A_734 : memref<128xf32, #tpu.memory_space<vmem>>)
        tpu.yield
      }) : () -> ()
      %run_scoped3A_18 = arith.constant 3 : i32
      "tpu.region"() ({
        %run_scoped3A_717 = tpu.sem_alloc : memref<!tpu.dma_semaphore, #tpu.memory_space<semaphore_mem>>
        %dma_start3A_718 = arith.constant 384 : i32
        %dma_start3A_719 = tpu.memref_slice %arg7[%dma_start3A_718] : memref<1024xf32, #tpu.memory_space<vmem>> -> memref<128xf32, #tpu.memory_space<vmem>>
        %dma_start3A_720 = arith.constant 0 : i32
        %dma_start3A_721 = tpu.memref_slice %arg3[%shift_right_arithmetic3A_14, %run_scoped3A_18, %and3A_15, %dma_start3A_720] : memref<8x8x64x128xf32, #tpu.memory_space<hbm>> -> memref<1x1x1x128xf32, #tpu.memory_space<hbm>>
        %dma_start3A_722 = tpu.memref_squeeze %dma_start3A_721 : memref<1x1x1x128xf32, #tpu.memory_space<hbm>> -> memref<128xf32, #tpu.memory_space<hbm>>
        %dma_start3A_723 = arith.constant 384 : i32
        %dma_start3A_724 = tpu.memref_slice %arg7[%dma_start3A_723] : memref<1024xf32, #tpu.memory_space<vmem>> -> memref<128xf32, #tpu.memory_space<vmem>>
        %dma_start3A_725 = arith.constant 0 : i32
        %dma_start3A_726 = tpu.memref_slice %arg3[%shift_right_arithmetic3A_14, %run_scoped3A_18, %and3A_15, %dma_start3A_725] : memref<8x8x64x128xf32, #tpu.memory_space<hbm>> -> memref<1x1x1x128xf32, #tpu.memory_space<hbm>>
        %dma_start3A_727 = tpu.memref_squeeze %dma_start3A_726 : memref<1x1x1x128xf32, #tpu.memory_space<hbm>> -> memref<128xf32, #tpu.memory_space<hbm>>
        tpu.enqueue_dma source(%dma_start3A_727 : memref<128xf32, #tpu.memory_space<hbm>>) target(%dma_start3A_724 : memref<128xf32, #tpu.memory_space<vmem>>) target_semaphore(%run_scoped3A_717 : memref<!tpu.dma_semaphore, #tpu.memory_space<semaphore_mem>>)
        %dma_wait3A_728 = arith.constant 384 : i32
        %dma_wait3A_729 = tpu.memref_slice %arg7[%dma_wait3A_728] : memref<1024xf32, #tpu.memory_space<vmem>> -> memref<128xf32, #tpu.memory_space<vmem>>
        %dma_wait3A_730 = arith.constant 0 : i32
        %dma_wait3A_731 = tpu.memref_slice %arg3[%shift_right_arithmetic3A_14, %run_scoped3A_18, %and3A_15, %dma_wait3A_730] : memref<8x8x64x128xf32, #tpu.memory_space<hbm>> -> memref<1x1x1x128xf32, #tpu.memory_space<hbm>>
        %dma_wait3A_732 = tpu.memref_squeeze %dma_wait3A_731 : memref<1x1x1x128xf32, #tpu.memory_space<hbm>> -> memref<128xf32, #tpu.memory_space<hbm>>
        %dma_wait3A_733 = arith.constant 384 : i32
        %dma_wait3A_734 = tpu.memref_slice %arg7[%dma_wait3A_733] : memref<1024xf32, #tpu.memory_space<vmem>> -> memref<128xf32, #tpu.memory_space<vmem>>
        %dma_wait3A_735 = arith.constant 0 : i32
        %dma_wait3A_736 = tpu.memref_slice %arg3[%shift_right_arithmetic3A_14, %run_scoped3A_18, %and3A_15, %dma_wait3A_735] : memref<8x8x64x128xf32, #tpu.memory_space<hbm>> -> memref<1x1x1x128xf32, #tpu.memory_space<hbm>>
        %dma_wait3A_737 = tpu.memref_squeeze %dma_wait3A_736 : memref<1x1x1x128xf32, #tpu.memory_space<hbm>> -> memref<128xf32, #tpu.memory_space<hbm>>
        tpu.wait_dma2 semaphore(%run_scoped3A_717 : memref<!tpu.dma_semaphore, #tpu.memory_space<semaphore_mem>>) src(%dma_wait3A_737 : memref<128xf32, #tpu.memory_space<hbm>>) dst(%dma_wait3A_734 : memref<128xf32, #tpu.memory_space<vmem>>)
        tpu.yield
      }) : () -> ()
      %run_scoped3A_19 = arith.constant 4 : i32
      "tpu.region"() ({
        %run_scoped3A_717 = tpu.sem_alloc : memref<!tpu.dma_semaphore, #tpu.memory_space<semaphore_mem>>
        %dma_start3A_718 = arith.constant 512 : i32
        %dma_start3A_719 = tpu.memref_slice %arg7[%dma_start3A_718] : memref<1024xf32, #tpu.memory_space<vmem>> -> memref<128xf32, #tpu.memory_space<vmem>>
        %dma_start3A_720 = arith.constant 0 : i32
        %dma_start3A_721 = tpu.memref_slice %arg3[%shift_right_arithmetic3A_14, %run_scoped3A_19, %and3A_15, %dma_start3A_720] : memref<8x8x64x128xf32, #tpu.memory_space<hbm>> -> memref<1x1x1x128xf32, #tpu.memory_space<hbm>>
        %dma_start3A_722 = tpu.memref_squeeze %dma_start3A_721 : memref<1x1x1x128xf32, #tpu.memory_space<hbm>> -> memref<128xf32, #tpu.memory_space<hbm>>
        %dma_start3A_723 = arith.constant 512 : i32
        %dma_start3A_724 = tpu.memref_slice %arg7[%dma_start3A_723] : memref<1024xf32, #tpu.memory_space<vmem>> -> memref<128xf32, #tpu.memory_space<vmem>>
        %dma_start3A_725 = arith.constant 0 : i32
        %dma_start3A_726 = tpu.memref_slice %arg3[%shift_right_arithmetic3A_14, %run_scoped3A_19, %and3A_15, %dma_start3A_725] : memref<8x8x64x128xf32, #tpu.memory_space<hbm>> -> memref<1x1x1x128xf32, #tpu.memory_space<hbm>>
        %dma_start3A_727 = tpu.memref_squeeze %dma_start3A_726 : memref<1x1x1x128xf32, #tpu.memory_space<hbm>> -> memref<128xf32, #tpu.memory_space<hbm>>
        tpu.enqueue_dma source(%dma_start3A_727 : memref<128xf32, #tpu.memory_space<hbm>>) target(%dma_start3A_724 : memref<128xf32, #tpu.memory_space<vmem>>) target_semaphore(%run_scoped3A_717 : memref<!tpu.dma_semaphore, #tpu.memory_space<semaphore_mem>>)
        %dma_wait3A_728 = arith.constant 512 : i32
        %dma_wait3A_729 = tpu.memref_slice %arg7[%dma_wait3A_728] : memref<1024xf32, #tpu.memory_space<vmem>> -> memref<128xf32, #tpu.memory_space<vmem>>
        %dma_wait3A_730 = arith.constant 0 : i32
        %dma_wait3A_731 = tpu.memref_slice %arg3[%shift_right_arithmetic3A_14, %run_scoped3A_19, %and3A_15, %dma_wait3A_730] : memref<8x8x64x128xf32, #tpu.memory_space<hbm>> -> memref<1x1x1x128xf32, #tpu.memory_space<hbm>>
        %dma_wait3A_732 = tpu.memref_squeeze %dma_wait3A_731 : memref<1x1x1x128xf32, #tpu.memory_space<hbm>> -> memref<128xf32, #tpu.memory_space<hbm>>
        %dma_wait3A_733 = arith.constant 512 : i32
        %dma_wait3A_734 = tpu.memref_slice %arg7[%dma_wait3A_733] : memref<1024xf32, #tpu.memory_space<vmem>> -> memref<128xf32, #tpu.memory_space<vmem>>
        %dma_wait3A_735 = arith.constant 0 : i32
        %dma_wait3A_736 = tpu.memref_slice %arg3[%shift_right_arithmetic3A_14, %run_scoped3A_19, %and3A_15, %dma_wait3A_735] : memref<8x8x64x128xf32, #tpu.memory_space<hbm>> -> memref<1x1x1x128xf32, #tpu.memory_space<hbm>>
        %dma_wait3A_737 = tpu.memref_squeeze %dma_wait3A_736 : memref<1x1x1x128xf32, #tpu.memory_space<hbm>> -> memref<128xf32, #tpu.memory_space<hbm>>
        tpu.wait_dma2 semaphore(%run_scoped3A_717 : memref<!tpu.dma_semaphore, #tpu.memory_space<semaphore_mem>>) src(%dma_wait3A_737 : memref<128xf32, #tpu.memory_space<hbm>>) dst(%dma_wait3A_734 : memref<128xf32, #tpu.memory_space<vmem>>)
        tpu.yield
      }) : () -> ()
      %run_scoped3A_20 = arith.constant 5 : i32
      "tpu.region"() ({
        %run_scoped3A_717 = tpu.sem_alloc : memref<!tpu.dma_semaphore, #tpu.memory_space<semaphore_mem>>
        %dma_start3A_718 = arith.constant 640 : i32
        %dma_start3A_719 = tpu.memref_slice %arg7[%dma_start3A_718] : memref<1024xf32, #tpu.memory_space<vmem>> -> memref<128xf32, #tpu.memory_space<vmem>>
        %dma_start3A_720 = arith.constant 0 : i32
        %dma_start3A_721 = tpu.memref_slice %arg3[%shift_right_arithmetic3A_14, %run_scoped3A_20, %and3A_15, %dma_start3A_720] : memref<8x8x64x128xf32, #tpu.memory_space<hbm>> -> memref<1x1x1x128xf32, #tpu.memory_space<hbm>>
        %dma_start3A_722 = tpu.memref_squeeze %dma_start3A_721 : memref<1x1x1x128xf32, #tpu.memory_space<hbm>> -> memref<128xf32, #tpu.memory_space<hbm>>
        %dma_start3A_723 = arith.constant 640 : i32
        %dma_start3A_724 = tpu.memref_slice %arg7[%dma_start3A_723] : memref<1024xf32, #tpu.memory_space<vmem>> -> memref<128xf32, #tpu.memory_space<vmem>>
        %dma_start3A_725 = arith.constant 0 : i32
        %dma_start3A_726 = tpu.memref_slice %arg3[%shift_right_arithmetic3A_14, %run_scoped3A_20, %and3A_15, %dma_start3A_725] : memref<8x8x64x128xf32, #tpu.memory_space<hbm>> -> memref<1x1x1x128xf32, #tpu.memory_space<hbm>>
        %dma_start3A_727 = tpu.memref_squeeze %dma_start3A_726 : memref<1x1x1x128xf32, #tpu.memory_space<hbm>> -> memref<128xf32, #tpu.memory_space<hbm>>
        tpu.enqueue_dma source(%dma_start3A_727 : memref<128xf32, #tpu.memory_space<hbm>>) target(%dma_start3A_724 : memref<128xf32, #tpu.memory_space<vmem>>) target_semaphore(%run_scoped3A_717 : memref<!tpu.dma_semaphore, #tpu.memory_space<semaphore_mem>>)
        %dma_wait3A_728 = arith.constant 640 : i32
        %dma_wait3A_729 = tpu.memref_slice %arg7[%dma_wait3A_728] : memref<1024xf32, #tpu.memory_space<vmem>> -> memref<128xf32, #tpu.memory_space<vmem>>
        %dma_wait3A_730 = arith.constant 0 : i32
        %dma_wait3A_731 = tpu.memref_slice %arg3[%shift_right_arithmetic3A_14, %run_scoped3A_20, %and3A_15, %dma_wait3A_730] : memref<8x8x64x128xf32, #tpu.memory_space<hbm>> -> memref<1x1x1x128xf32, #tpu.memory_space<hbm>>
        %dma_wait3A_732 = tpu.memref_squeeze %dma_wait3A_731 : memref<1x1x1x128xf32, #tpu.memory_space<hbm>> -> memref<128xf32, #tpu.memory_space<hbm>>
        %dma_wait3A_733 = arith.constant 640 : i32
        %dma_wait3A_734 = tpu.memref_slice %arg7[%dma_wait3A_733] : memref<1024xf32, #tpu.memory_space<vmem>> -> memref<128xf32, #tpu.memory_space<vmem>>
        %dma_wait3A_735 = arith.constant 0 : i32
        %dma_wait3A_736 = tpu.memref_slice %arg3[%shift_right_arithmetic3A_14, %run_scoped3A_20, %and3A_15, %dma_wait3A_735] : memref<8x8x64x128xf32, #tpu.memory_space<hbm>> -> memref<1x1x1x128xf32, #tpu.memory_space<hbm>>
        %dma_wait3A_737 = tpu.memref_squeeze %dma_wait3A_736 : memref<1x1x1x128xf32, #tpu.memory_space<hbm>> -> memref<128xf32, #tpu.memory_space<hbm>>
        tpu.wait_dma2 semaphore(%run_scoped3A_717 : memref<!tpu.dma_semaphore, #tpu.memory_space<semaphore_mem>>) src(%dma_wait3A_737 : memref<128xf32, #tpu.memory_space<hbm>>) dst(%dma_wait3A_734 : memref<128xf32, #tpu.memory_space<vmem>>)
        tpu.yield
      }) : () -> ()
      %run_scoped3A_21 = arith.constant 6 : i32
      "tpu.region"() ({
        %run_scoped3A_717 = tpu.sem_alloc : memref<!tpu.dma_semaphore, #tpu.memory_space<semaphore_mem>>
        %dma_start3A_718 = arith.constant 768 : i32
        %dma_start3A_719 = tpu.memref_slice %arg7[%dma_start3A_718] : memref<1024xf32, #tpu.memory_space<vmem>> -> memref<128xf32, #tpu.memory_space<vmem>>
        %dma_start3A_720 = arith.constant 0 : i32
        %dma_start3A_721 = tpu.memref_slice %arg3[%shift_right_arithmetic3A_14, %run_scoped3A_21, %and3A_15, %dma_start3A_720] : memref<8x8x64x128xf32, #tpu.memory_space<hbm>> -> memref<1x1x1x128xf32, #tpu.memory_space<hbm>>
        %dma_start3A_722 = tpu.memref_squeeze %dma_start3A_721 : memref<1x1x1x128xf32, #tpu.memory_space<hbm>> -> memref<128xf32, #tpu.memory_space<hbm>>
        %dma_start3A_723 = arith.constant 768 : i32
        %dma_start3A_724 = tpu.memref_slice %arg7[%dma_start3A_723] : memref<1024xf32, #tpu.memory_space<vmem>> -> memref<128xf32, #tpu.memory_space<vmem>>
        %dma_start3A_725 = arith.constant 0 : i32
        %dma_start3A_726 = tpu.memref_slice %arg3[%shift_right_arithmetic3A_14, %run_scoped3A_21, %and3A_15, %dma_start3A_725] : memref<8x8x64x128xf32, #tpu.memory_space<hbm>> -> memref<1x1x1x128xf32, #tpu.memory_space<hbm>>
        %dma_start3A_727 = tpu.memref_squeeze %dma_start3A_726 : memref<1x1x1x128xf32, #tpu.memory_space<hbm>> -> memref<128xf32, #tpu.memory_space<hbm>>
        tpu.enqueue_dma source(%dma_start3A_727 : memref<128xf32, #tpu.memory_space<hbm>>) target(%dma_start3A_724 : memref<128xf32, #tpu.memory_space<vmem>>) target_semaphore(%run_scoped3A_717 : memref<!tpu.dma_semaphore, #tpu.memory_space<semaphore_mem>>)
        %dma_wait3A_728 = arith.constant 768 : i32
        %dma_wait3A_729 = tpu.memref_slice %arg7[%dma_wait3A_728] : memref<1024xf32, #tpu.memory_space<vmem>> -> memref<128xf32, #tpu.memory_space<vmem>>
        %dma_wait3A_730 = arith.constant 0 : i32
        %dma_wait3A_731 = tpu.memref_slice %arg3[%shift_right_arithmetic3A_14, %run_scoped3A_21, %and3A_15, %dma_wait3A_730] : memref<8x8x64x128xf32, #tpu.memory_space<hbm>> -> memref<1x1x1x128xf32, #tpu.memory_space<hbm>>
        %dma_wait3A_732 = tpu.memref_squeeze %dma_wait3A_731 : memref<1x1x1x128xf32, #tpu.memory_space<hbm>> -> memref<128xf32, #tpu.memory_space<hbm>>
        %dma_wait3A_733 = arith.constant 768 : i32
        %dma_wait3A_734 = tpu.memref_slice %arg7[%dma_wait3A_733] : memref<1024xf32, #tpu.memory_space<vmem>> -> memref<128xf32, #tpu.memory_space<vmem>>
        %dma_wait3A_735 = arith.constant 0 : i32
        %dma_wait3A_736 = tpu.memref_slice %arg3[%shift_right_arithmetic3A_14, %run_scoped3A_21, %and3A_15, %dma_wait3A_735] : memref<8x8x64x128xf32, #tpu.memory_space<hbm>> -> memref<1x1x1x128xf32, #tpu.memory_space<hbm>>
        %dma_wait3A_737 = tpu.memref_squeeze %dma_wait3A_736 : memref<1x1x1x128xf32, #tpu.memory_space<hbm>> -> memref<128xf32, #tpu.memory_space<hbm>>
        tpu.wait_dma2 semaphore(%run_scoped3A_717 : memref<!tpu.dma_semaphore, #tpu.memory_space<semaphore_mem>>) src(%dma_wait3A_737 : memref<128xf32, #tpu.memory_space<hbm>>) dst(%dma_wait3A_734 : memref<128xf32, #tpu.memory_space<vmem>>)
        tpu.yield
      }) : () -> ()
      %run_scoped3A_22 = arith.constant 7 : i32
      "tpu.region"() ({
        %run_scoped3A_717 = tpu.sem_alloc : memref<!tpu.dma_semaphore, #tpu.memory_space<semaphore_mem>>
        %dma_start3A_718 = arith.constant 896 : i32
        %dma_start3A_719 = tpu.memref_slice %arg7[%dma_start3A_718] : memref<1024xf32, #tpu.memory_space<vmem>> -> memref<128xf32, #tpu.memory_space<vmem>>
        %dma_start3A_720 = arith.constant 0 : i32
        %dma_start3A_721 = tpu.memref_slice %arg3[%shift_right_arithmetic3A_14, %run_scoped3A_22, %and3A_15, %dma_start3A_720] : memref<8x8x64x128xf32, #tpu.memory_space<hbm>> -> memref<1x1x1x128xf32, #tpu.memory_space<hbm>>
        %dma_start3A_722 = tpu.memref_squeeze %dma_start3A_721 : memref<1x1x1x128xf32, #tpu.memory_space<hbm>> -> memref<128xf32, #tpu.memory_space<hbm>>
        %dma_start3A_723 = arith.constant 896 : i32
        %dma_start3A_724 = tpu.memref_slice %arg7[%dma_start3A_723] : memref<1024xf32, #tpu.memory_space<vmem>> -> memref<128xf32, #tpu.memory_space<vmem>>
        %dma_start3A_725 = arith.constant 0 : i32
        %dma_start3A_726 = tpu.memref_slice %arg3[%shift_right_arithmetic3A_14, %run_scoped3A_22, %and3A_15, %dma_start3A_725] : memref<8x8x64x128xf32, #tpu.memory_space<hbm>> -> memref<1x1x1x128xf32, #tpu.memory_space<hbm>>
        %dma_start3A_727 = tpu.memref_squeeze %dma_start3A_726 : memref<1x1x1x128xf32, #tpu.memory_space<hbm>> -> memref<128xf32, #tpu.memory_space<hbm>>
        tpu.enqueue_dma source(%dma_start3A_727 : memref<128xf32, #tpu.memory_space<hbm>>) target(%dma_start3A_724 : memref<128xf32, #tpu.memory_space<vmem>>) target_semaphore(%run_scoped3A_717 : memref<!tpu.dma_semaphore, #tpu.memory_space<semaphore_mem>>)
        %dma_wait3A_728 = arith.constant 896 : i32
        %dma_wait3A_729 = tpu.memref_slice %arg7[%dma_wait3A_728] : memref<1024xf32, #tpu.memory_space<vmem>> -> memref<128xf32, #tpu.memory_space<vmem>>
        %dma_wait3A_730 = arith.constant 0 : i32
        %dma_wait3A_731 = tpu.memref_slice %arg3[%shift_right_arithmetic3A_14, %run_scoped3A_22, %and3A_15, %dma_wait3A_730] : memref<8x8x64x128xf32, #tpu.memory_space<hbm>> -> memref<1x1x1x128xf32, #tpu.memory_space<hbm>>
        %dma_wait3A_732 = tpu.memref_squeeze %dma_wait3A_731 : memref<1x1x1x128xf32, #tpu.memory_space<hbm>> -> memref<128xf32, #tpu.memory_space<hbm>>
        %dma_wait3A_733 = arith.constant 896 : i32
        %dma_wait3A_734 = tpu.memref_slice %arg7[%dma_wait3A_733] : memref<1024xf32, #tpu.memory_space<vmem>> -> memref<128xf32, #tpu.memory_space<vmem>>
        %dma_wait3A_735 = arith.constant 0 : i32
        %dma_wait3A_736 = tpu.memref_slice %arg3[%shift_right_arithmetic3A_14, %run_scoped3A_22, %and3A_15, %dma_wait3A_735] : memref<8x8x64x128xf32, #tpu.memory_space<hbm>> -> memref<1x1x1x128xf32, #tpu.memory_space<hbm>>
        %dma_wait3A_737 = tpu.memref_squeeze %dma_wait3A_736 : memref<1x1x1x128xf32, #tpu.memory_space<hbm>> -> memref<128xf32, #tpu.memory_space<hbm>>
        tpu.wait_dma2 semaphore(%run_scoped3A_717 : memref<!tpu.dma_semaphore, #tpu.memory_space<semaphore_mem>>) src(%dma_wait3A_737 : memref<128xf32, #tpu.memory_space<hbm>>) dst(%dma_wait3A_734 : memref<128xf32, #tpu.memory_space<vmem>>)
        tpu.yield
      }) : () -> ()
      %get3A = arith.constant 0 : index
      %get3A_23 = tpu.vector_load %arg7[%get3A] {strides = array<i32>} : memref<1024xf32, #tpu.memory_space<vmem>>, vector<16xf32>,
      %reduce_min3A = arith.constant true
      %reduce_min3A_24 = vector.broadcast %reduce_min3A : i1 to vector<16xi1>
      %reduce_min3A_25 = tpu.scan <min>, %get3A_23 masked %reduce_min3A_24 : vector<16xf32>, vector<16xi1> -> vector<16xf32>
      %reduce_min3A_26 = vector.extract %reduce_min3A_25[15] : f32 from vector<16xf32>
      %broadcast_in_dim3A = arith.constant 0 : i32
      %broadcast_in_dim3A_27 = vector.broadcast %broadcast_in_dim3A : i32 to vector<16xi32>
      %broadcast_in_dim3A_28 = vector.broadcast %reduce_min3A_26 : f32 to vector<16xf32>
      tpu.vector_store_idx %arg8[%broadcast_in_dim3A_27], %broadcast_in_dim3A_28 masked %eq3A_1 : memref<64xf32, #tpu.memory_space<vmem>>[vector<16xi32>], vector<16xf32>, vector<16xi1>
      %get3A_29 = arith.constant 16 : index
      %get3A_30 = tpu.vector_load %arg7[%get3A_29] {strides = array<i32>} : memref<1024xf32, #tpu.memory_space<vmem>>, vector<16xf32>,
      %reduce_min3A_31 = arith.constant true
      %reduce_min3A_32 = vector.broadcast %reduce_min3A_31 : i1 to vector<16xi1>
      %reduce_min3A_33 = tpu.scan <min>, %get3A_30 masked %reduce_min3A_32 : vector<16xf32>, vector<16xi1> -> vector<16xf32>
      %reduce_min3A_34 = vector.extract %reduce_min3A_33[15] : f32 from vector<16xf32>
      %broadcast_in_dim3A_35 = arith.constant 1 : i32
      %broadcast_in_dim3A_36 = vector.broadcast %broadcast_in_dim3A_35 : i32 to vector<16xi32>
      %broadcast_in_dim3A_37 = vector.broadcast %reduce_min3A_34 : f32 to vector<16xf32>
      tpu.vector_store_idx %arg8[%broadcast_in_dim3A_36], %broadcast_in_dim3A_37 masked %eq3A_1 : memref<64xf32, #tpu.memory_space<vmem>>[vector<16xi32>], vector<16xf32>, vector<16xi1>
      %get3A_38 = arith.constant 32 : index
      %get3A_39 = tpu.vector_load %arg7[%get3A_38] {strides = array<i32>} : memref<1024xf32, #tpu.memory_space<vmem>>, vector<16xf32>,
      %reduce_min3A_40 = arith.constant true
      %reduce_min3A_41 = vector.broadcast %reduce_min3A_40 : i1 to vector<16xi1>
      %reduce_min3A_42 = tpu.scan <min>, %get3A_39 masked %reduce_min3A_41 : vector<16xf32>, vector<16xi1> -> vector<16xf32>
      %reduce_min3A_43 = vector.extract %reduce_min3A_42[15] : f32 from vector<16xf32>
      %broadcast_in_dim3A_44 = arith.constant 2 : i32
      %broadcast_in_dim3A_45 = vector.broadcast %broadcast_in_dim3A_44 : i32 to vector<16xi32>
      %broadcast_in_dim3A_46 = vector.broadcast %reduce_min3A_43 : f32 to vector<16xf32>
      tpu.vector_store_idx %arg8[%broadcast_in_dim3A_45], %broadcast_in_dim3A_46 masked %eq3A_1 : memref<64xf32, #tpu.memory_space<vmem>>[vector<16xi32>], vector<16xf32>, vector<16xi1>
      %get3A_47 = arith.constant 48 : index
      %get3A_48 = tpu.vector_load %arg7[%get3A_47] {strides = array<i32>} : memref<1024xf32, #tpu.memory_space<vmem>>, vector<16xf32>,
      %reduce_min3A_49 = arith.constant true
      %reduce_min3A_50 = vector.broadcast %reduce_min3A_49 : i1 to vector<16xi1>
      %reduce_min3A_51 = tpu.scan <min>, %get3A_48 masked %reduce_min3A_50 : vector<16xf32>, vector<16xi1> -> vector<16xf32>
      %reduce_min3A_52 = vector.extract %reduce_min3A_51[15] : f32 from vector<16xf32>
      %broadcast_in_dim3A_53 = arith.constant 3 : i32
      %broadcast_in_dim3A_54 = vector.broadcast %broadcast_in_dim3A_53 : i32 to vector<16xi32>
      %broadcast_in_dim3A_55 = vector.broadcast %reduce_min3A_52 : f32 to vector<16xf32>
      tpu.vector_store_idx %arg8[%broadcast_in_dim3A_54], %broadcast_in_dim3A_55 masked %eq3A_1 : memref<64xf32, #tpu.memory_space<vmem>>[vector<16xi32>], vector<16xf32>, vector<16xi1>
      %get3A_56 = arith.constant 64 : index
      %get3A_57 = tpu.vector_load %arg7[%get3A_56] {strides = array<i32>} : memref<1024xf32, #tpu.memory_space<vmem>>, vector<16xf32>,
      %reduce_min3A_58 = arith.constant true
      %reduce_min3A_59 = vector.broadcast %reduce_min3A_58 : i1 to vector<16xi1>
      %reduce_min3A_60 = tpu.scan <min>, %get3A_57 masked %reduce_min3A_59 : vector<16xf32>, vector<16xi1> -> vector<16xf32>
      %reduce_min3A_61 = vector.extract %reduce_min3A_60[15] : f32 from vector<16xf32>
      %broadcast_in_dim3A_62 = arith.constant 4 : i32
      %broadcast_in_dim3A_63 = vector.broadcast %broadcast_in_dim3A_62 : i32 to vector<16xi32>
      %broadcast_in_dim3A_64 = vector.broadcast %reduce_min3A_61 : f32 to vector<16xf32>
      tpu.vector_store_idx %arg8[%broadcast_in_dim3A_63], %broadcast_in_dim3A_64 masked %eq3A_1 : memref<64xf32, #tpu.memory_space<vmem>>[vector<16xi32>], vector<16xf32>, vector<16xi1>
      %get3A_65 = arith.constant 80 : index
      %get3A_66 = tpu.vector_load %arg7[%get3A_65] {strides = array<i32>} : memref<1024xf32, #tpu.memory_space<vmem>>, vector<16xf32>,
      %reduce_min3A_67 = arith.constant true
      %reduce_min3A_68 = vector.broadcast %reduce_min3A_67 : i1 to vector<16xi1>
      %reduce_min3A_69 = tpu.scan <min>, %get3A_66 masked %reduce_min3A_68 : vector<16xf32>, vector<16xi1> -> vector<16xf32>
      %reduce_min3A_70 = vector.extract %reduce_min3A_69[15] : f32 from vector<16xf32>
      %broadcast_in_dim3A_71 = arith.constant 5 : i32
      %broadcast_in_dim3A_72 = vector.broadcast %broadcast_in_dim3A_71 : i32 to vector<16xi32>
      %broadcast_in_dim3A_73 = vector.broadcast %reduce_min3A_70 : f32 to vector<16xf32>
      tpu.vector_store_idx %arg8[%broadcast_in_dim3A_72], %broadcast_in_dim3A_73 masked %eq3A_1 : memref<64xf32, #tpu.memory_space<vmem>>[vector<16xi32>], vector<16xf32>, vector<16xi1>
      %get3A_74 = arith.constant 96 : index
      %get3A_75 = tpu.vector_load %arg7[%get3A_74] {strides = array<i32>} : memref<1024xf32, #tpu.memory_space<vmem>>, vector<16xf32>,
      %reduce_min3A_76 = arith.constant true
      %reduce_min3A_77 = vector.broadcast %reduce_min3A_76 : i1 to vector<16xi1>
      %reduce_min3A_78 = tpu.scan <min>, %get3A_75 masked %reduce_min3A_77 : vector<16xf32>, vector<16xi1> -> vector<16xf32>
      %reduce_min3A_79 = vector.extract %reduce_min3A_78[15] : f32 from vector<16xf32>
      %broadcast_in_dim3A_80 = arith.constant 6 : i32
      %broadcast_in_dim3A_81 = vector.broadcast %broadcast_in_dim3A_80 : i32 to vector<16xi32>
      %broadcast_in_dim3A_82 = vector.broadcast %reduce_min3A_79 : f32 to vector<16xf32>
      tpu.vector_store_idx %arg8[%broadcast_in_dim3A_81], %broadcast_in_dim3A_82 masked %eq3A_1 : memref<64xf32, #tpu.memory_space<vmem>>[vector<16xi32>], vector<16xf32>, vector<16xi1>
      %get3A_83 = arith.constant 112 : index
      %get3A_84 = tpu.vector_load %arg7[%get3A_83] {strides = array<i32>} : memref<1024xf32, #tpu.memory_space<vmem>>, vector<16xf32>,
      %reduce_min3A_85 = arith.constant true
      %reduce_min3A_86 = vector.broadcast %reduce_min3A_85 : i1 to vector<16xi1>
      %reduce_min3A_87 = tpu.scan <min>, %get3A_84 masked %reduce_min3A_86 : vector<16xf32>, vector<16xi1> -> vector<16xf32>
      %reduce_min3A_88 = vector.extract %reduce_min3A_87[15] : f32 from vector<16xf32>
      %broadcast_in_dim3A_89 = arith.constant 7 : i32
      %broadcast_in_dim3A_90 = vector.broadcast %broadcast_in_dim3A_89 : i32 to vector<16xi32>
      %broadcast_in_dim3A_91 = vector.broadcast %reduce_min3A_88 : f32 to vector<16xf32>
      tpu.vector_store_idx %arg8[%broadcast_in_dim3A_90], %broadcast_in_dim3A_91 masked %eq3A_1 : memref<64xf32, #tpu.memory_space<vmem>>[vector<16xi32>], vector<16xf32>, vector<16xi1>
      %get3A_92 = arith.constant 128 : index
      %get3A_93 = tpu.vector_load %arg7[%get3A_92] {strides = array<i32>} : memref<1024xf32, #tpu.memory_space<vmem>>, vector<16xf32>,
      %reduce_min3A_94 = arith.constant true
      %reduce_min3A_95 = vector.broadcast %reduce_min3A_94 : i1 to vector<16xi1>
      %reduce_min3A_96 = tpu.scan <min>, %get3A_93 masked %reduce_min3A_95 : vector<16xf32>, vector<16xi1> -> vector<16xf32>
      %reduce_min3A_97 = vector.extract %reduce_min3A_96[15] : f32 from vector<16xf32>
      %broadcast_in_dim3A_98 = arith.constant 8 : i32
      %broadcast_in_dim3A_99 = vector.broadcast %broadcast_in_dim3A_98 : i32 to vector<16xi32>
      %broadcast_in_dim3A_100 = vector.broadcast %reduce_min3A_97 : f32 to vector<16xf32>
      tpu.vector_store_idx %arg8[%broadcast_in_dim3A_99], %broadcast_in_dim3A_100 masked %eq3A_1 : memref<64xf32, #tpu.memory_space<vmem>>[vector<16xi32>], vector<16xf32>, vector<16xi1>
      %get3A_101 = arith.constant 144 : index
      %get3A_102 = tpu.vector_load %arg7[%get3A_101] {strides = array<i32>} : memref<1024xf32, #tpu.memory_space<vmem>>, vector<16xf32>,
      %reduce_min3A_103 = arith.constant true
      %reduce_min3A_104 = vector.broadcast %reduce_min3A_103 : i1 to vector<16xi1>
      %reduce_min3A_105 = tpu.scan <min>, %get3A_102 masked %reduce_min3A_104 : vector<16xf32>, vector<16xi1> -> vector<16xf32>
      %reduce_min3A_106 = vector.extract %reduce_min3A_105[15] : f32 from vector<16xf32>
      %broadcast_in_dim3A_107 = arith.constant 9 : i32
      %broadcast_in_dim3A_108 = vector.broadcast %broadcast_in_dim3A_107 : i32 to vector<16xi32>
      %broadcast_in_dim3A_109 = vector.broadcast %reduce_min3A_106 : f32 to vector<16xf32>
      tpu.vector_store_idx %arg8[%broadcast_in_dim3A_108], %broadcast_in_dim3A_109 masked %eq3A_1 : memref<64xf32, #tpu.memory_space<vmem>>[vector<16xi32>], vector<16xf32>, vector<16xi1>
      %get3A_110 = arith.constant 160 : index
      %get3A_111 = tpu.vector_load %arg7[%get3A_110] {strides = array<i32>} : memref<1024xf32, #tpu.memory_space<vmem>>, vector<16xf32>,
      %reduce_min3A_112 = arith.constant true
      %reduce_min3A_113 = vector.broadcast %reduce_min3A_112 : i1 to vector<16xi1>
      %reduce_min3A_114 = tpu.scan <min>, %get3A_111 masked %reduce_min3A_113 : vector<16xf32>, vector<16xi1> -> vector<16xf32>
      %reduce_min3A_115 = vector.extract %reduce_min3A_114[15] : f32 from vector<16xf32>
      %broadcast_in_dim3A_116 = arith.constant 10 : i32
      %broadcast_in_dim3A_117 = vector.broadcast %broadcast_in_dim3A_116 : i32 to vector<16xi32>
      %broadcast_in_dim3A_118 = vector.broadcast %reduce_min3A_115 : f32 to vector<16xf32>
      tpu.vector_store_idx %arg8[%broadcast_in_dim3A_117], %broadcast_in_dim3A_118 masked %eq3A_1 : memref<64xf32, #tpu.memory_space<vmem>>[vector<16xi32>], vector<16xf32>, vector<16xi1>
      %get3A_119 = arith.constant 176 : index
      %get3A_120 = tpu.vector_load %arg7[%get3A_119] {strides = array<i32>} : memref<1024xf32, #tpu.memory_space<vmem>>, vector<16xf32>,
      %reduce_min3A_121 = arith.constant true
      %reduce_min3A_122 = vector.broadcast %reduce_min3A_121 : i1 to vector<16xi1>
      %reduce_min3A_123 = tpu.scan <min>, %get3A_120 masked %reduce_min3A_122 : vector<16xf32>, vector<16xi1> -> vector<16xf32>
      %reduce_min3A_124 = vector.extract %reduce_min3A_123[15] : f32 from vector<16xf32>
      %broadcast_in_dim3A_125 = arith.constant 11 : i32
      %broadcast_in_dim3A_126 = vector.broadcast %broadcast_in_dim3A_125 : i32 to vector<16xi32>
      %broadcast_in_dim3A_127 = vector.broadcast %reduce_min3A_124 : f32 to vector<16xf32>
      tpu.vector_store_idx %arg8[%broadcast_in_dim3A_126], %broadcast_in_dim3A_127 masked %eq3A_1 : memref<64xf32, #tpu.memory_space<vmem>>[vector<16xi32>], vector<16xf32>, vector<16xi1>
      %get3A_128 = arith.constant 192 : index
      %get3A_129 = tpu.vector_load %arg7[%get3A_128] {strides = array<i32>} : memref<1024xf32, #tpu.memory_space<vmem>>, vector<16xf32>,
      %reduce_min3A_130 = arith.constant true
      %reduce_min3A_131 = vector.broadcast %reduce_min3A_130 : i1 to vector<16xi1>
      %reduce_min3A_132 = tpu.scan <min>, %get3A_129 masked %reduce_min3A_131 : vector<16xf32>, vector<16xi1> -> vector<16xf32>
      %reduce_min3A_133 = vector.extract %reduce_min3A_132[15] : f32 from vector<16xf32>
      %broadcast_in_dim3A_134 = arith.constant 12 : i32
      %broadcast_in_dim3A_135 = vector.broadcast %broadcast_in_dim3A_134 : i32 to vector<16xi32>
      %broadcast_in_dim3A_136 = vector.broadcast %reduce_min3A_133 : f32 to vector<16xf32>
      tpu.vector_store_idx %arg8[%broadcast_in_dim3A_135], %broadcast_in_dim3A_136 masked %eq3A_1 : memref<64xf32, #tpu.memory_space<vmem>>[vector<16xi32>], vector<16xf32>, vector<16xi1>
      %get3A_137 = arith.constant 208 : index
      %get3A_138 = tpu.vector_load %arg7[%get3A_137] {strides = array<i32>} : memref<1024xf32, #tpu.memory_space<vmem>>, vector<16xf32>,
      %reduce_min3A_139 = arith.constant true
      %reduce_min3A_140 = vector.broadcast %reduce_min3A_139 : i1 to vector<16xi1>
      %reduce_min3A_141 = tpu.scan <min>, %get3A_138 masked %reduce_min3A_140 : vector<16xf32>, vector<16xi1> -> vector<16xf32>
      %reduce_min3A_142 = vector.extract %reduce_min3A_141[15] : f32 from vector<16xf32>
      %broadcast_in_dim3A_143 = arith.constant 13 : i32
      %broadcast_in_dim3A_144 = vector.broadcast %broadcast_in_dim3A_143 : i32 to vector<16xi32>
      %broadcast_in_dim3A_145 = vector.broadcast %reduce_min3A_142 : f32 to vector<16xf32>
      tpu.vector_store_idx %arg8[%broadcast_in_dim3A_144], %broadcast_in_dim3A_145 masked %eq3A_1 : memref<64xf32, #tpu.memory_space<vmem>>[vector<16xi32>], vector<16xf32>, vector<16xi1>
      %get3A_146 = arith.constant 224 : index
      %get3A_147 = tpu.vector_load %arg7[%get3A_146] {strides = array<i32>} : memref<1024xf32, #tpu.memory_space<vmem>>, vector<16xf32>,
      %reduce_min3A_148 = arith.constant true
      %reduce_min3A_149 = vector.broadcast %reduce_min3A_148 : i1 to vector<16xi1>
      %reduce_min3A_150 = tpu.scan <min>, %get3A_147 masked %reduce_min3A_149 : vector<16xf32>, vector<16xi1> -> vector<16xf32>
      %reduce_min3A_151 = vector.extract %reduce_min3A_150[15] : f32 from vector<16xf32>
      %broadcast_in_dim3A_152 = arith.constant 14 : i32
      %broadcast_in_dim3A_153 = vector.broadcast %broadcast_in_dim3A_152 : i32 to vector<16xi32>
      %broadcast_in_dim3A_154 = vector.broadcast %reduce_min3A_151 : f32 to vector<16xf32>
      tpu.vector_store_idx %arg8[%broadcast_in_dim3A_153], %broadcast_in_dim3A_154 masked %eq3A_1 : memref<64xf32, #tpu.memory_space<vmem>>[vector<16xi32>], vector<16xf32>, vector<16xi1>
      %get3A_155 = arith.constant 240 : index
      %get3A_156 = tpu.vector_load %arg7[%get3A_155] {strides = array<i32>} : memref<1024xf32, #tpu.memory_space<vmem>>, vector<16xf32>,
      %reduce_min3A_157 = arith.constant true
      %reduce_min3A_158 = vector.broadcast %reduce_min3A_157 : i1 to vector<16xi1>
      %reduce_min3A_159 = tpu.scan <min>, %get3A_156 masked %reduce_min3A_158 : vector<16xf32>, vector<16xi1> -> vector<16xf32>
      %reduce_min3A_160 = vector.extract %reduce_min3A_159[15] : f32 from vector<16xf32>
      %broadcast_in_dim3A_161 = arith.constant 15 : i32
      %broadcast_in_dim3A_162 = vector.broadcast %broadcast_in_dim3A_161 : i32 to vector<16xi32>
      %broadcast_in_dim3A_163 = vector.broadcast %reduce_min3A_160 : f32 to vector<16xf32>
      tpu.vector_store_idx %arg8[%broadcast_in_dim3A_162], %broadcast_in_dim3A_163 masked %eq3A_1 : memref<64xf32, #tpu.memory_space<vmem>>[vector<16xi32>], vector<16xf32>, vector<16xi1>
      %get3A_164 = arith.constant 256 : index
      %get3A_165 = tpu.vector_load %arg7[%get3A_164] {strides = array<i32>} : memref<1024xf32, #tpu.memory_space<vmem>>, vector<16xf32>,
      %reduce_min3A_166 = arith.constant true
      %reduce_min3A_167 = vector.broadcast %reduce_min3A_166 : i1 to vector<16xi1>
      %reduce_min3A_168 = tpu.scan <min>, %get3A_165 masked %reduce_min3A_167 : vector<16xf32>, vector<16xi1> -> vector<16xf32>
      %reduce_min3A_169 = vector.extract %reduce_min3A_168[15] : f32 from vector<16xf32>
      %broadcast_in_dim3A_170 = arith.constant 16 : i32
      %broadcast_in_dim3A_171 = vector.broadcast %broadcast_in_dim3A_170 : i32 to vector<16xi32>
      %broadcast_in_dim3A_172 = vector.broadcast %reduce_min3A_169 : f32 to vector<16xf32>
      tpu.vector_store_idx %arg8[%broadcast_in_dim3A_171], %broadcast_in_dim3A_172 masked %eq3A_1 : memref<64xf32, #tpu.memory_space<vmem>>[vector<16xi32>], vector<16xf32>, vector<16xi1>
      %get3A_173 = arith.constant 272 : index
      %get3A_174 = tpu.vector_load %arg7[%get3A_173] {strides = array<i32>} : memref<1024xf32, #tpu.memory_space<vmem>>, vector<16xf32>,
      %reduce_min3A_175 = arith.constant true
      %reduce_min3A_176 = vector.broadcast %reduce_min3A_175 : i1 to vector<16xi1>
      %reduce_min3A_177 = tpu.scan <min>, %get3A_174 masked %reduce_min3A_176 : vector<16xf32>, vector<16xi1> -> vector<16xf32>
      %reduce_min3A_178 = vector.extract %reduce_min3A_177[15] : f32 from vector<16xf32>
      %broadcast_in_dim3A_179 = arith.constant 17 : i32
      %broadcast_in_dim3A_180 = vector.broadcast %broadcast_in_dim3A_179 : i32 to vector<16xi32>
      %broadcast_in_dim3A_181 = vector.broadcast %reduce_min3A_178 : f32 to vector<16xf32>
      tpu.vector_store_idx %arg8[%broadcast_in_dim3A_180], %broadcast_in_dim3A_181 masked %eq3A_1 : memref<64xf32, #tpu.memory_space<vmem>>[vector<16xi32>], vector<16xf32>, vector<16xi1>
      %get3A_182 = arith.constant 288 : index
      %get3A_183 = tpu.vector_load %arg7[%get3A_182] {strides = array<i32>} : memref<1024xf32, #tpu.memory_space<vmem>>, vector<16xf32>,
      %reduce_min3A_184 = arith.constant true
      %reduce_min3A_185 = vector.broadcast %reduce_min3A_184 : i1 to vector<16xi1>
      %reduce_min3A_186 = tpu.scan <min>, %get3A_183 masked %reduce_min3A_185 : vector<16xf32>, vector<16xi1> -> vector<16xf32>
      %reduce_min3A_187 = vector.extract %reduce_min3A_186[15] : f32 from vector<16xf32>
      %broadcast_in_dim3A_188 = arith.constant 18 : i32
      %broadcast_in_dim3A_189 = vector.broadcast %broadcast_in_dim3A_188 : i32 to vector<16xi32>
      %broadcast_in_dim3A_190 = vector.broadcast %reduce_min3A_187 : f32 to vector<16xf32>
      tpu.vector_store_idx %arg8[%broadcast_in_dim3A_189], %broadcast_in_dim3A_190 masked %eq3A_1 : memref<64xf32, #tpu.memory_space<vmem>>[vector<16xi32>], vector<16xf32>, vector<16xi1>
      %get3A_191 = arith.constant 304 : index
      %get3A_192 = tpu.vector_load %arg7[%get3A_191] {strides = array<i32>} : memref<1024xf32, #tpu.memory_space<vmem>>, vector<16xf32>,
      %reduce_min3A_193 = arith.constant true
      %reduce_min3A_194 = vector.broadcast %reduce_min3A_193 : i1 to vector<16xi1>
      %reduce_min3A_195 = tpu.scan <min>, %get3A_192 masked %reduce_min3A_194 : vector<16xf32>, vector<16xi1> -> vector<16xf32>
      %reduce_min3A_196 = vector.extract %reduce_min3A_195[15] : f32 from vector<16xf32>
      %broadcast_in_dim3A_197 = arith.constant 19 : i32
      %broadcast_in_dim3A_198 = vector.broadcast %broadcast_in_dim3A_197 : i32 to vector<16xi32>
      %broadcast_in_dim3A_199 = vector.broadcast %reduce_min3A_196 : f32 to vector<16xf32>
      tpu.vector_store_idx %arg8[%broadcast_in_dim3A_198], %broadcast_in_dim3A_199 masked %eq3A_1 : memref<64xf32, #tpu.memory_space<vmem>>[vector<16xi32>], vector<16xf32>, vector<16xi1>
      %get3A_200 = arith.constant 320 : index
      %get3A_201 = tpu.vector_load %arg7[%get3A_200] {strides = array<i32>} : memref<1024xf32, #tpu.memory_space<vmem>>, vector<16xf32>,
      %reduce_min3A_202 = arith.constant true
      %reduce_min3A_203 = vector.broadcast %reduce_min3A_202 : i1 to vector<16xi1>
      %reduce_min3A_204 = tpu.scan <min>, %get3A_201 masked %reduce_min3A_203 : vector<16xf32>, vector<16xi1> -> vector<16xf32>
      %reduce_min3A_205 = vector.extract %reduce_min3A_204[15] : f32 from vector<16xf32>
      %broadcast_in_dim3A_206 = arith.constant 20 : i32
      %broadcast_in_dim3A_207 = vector.broadcast %broadcast_in_dim3A_206 : i32 to vector<16xi32>
      %broadcast_in_dim3A_208 = vector.broadcast %reduce_min3A_205 : f32 to vector<16xf32>
      tpu.vector_store_idx %arg8[%broadcast_in_dim3A_207], %broadcast_in_dim3A_208 masked %eq3A_1 : memref<64xf32, #tpu.memory_space<vmem>>[vector<16xi32>], vector<16xf32>, vector<16xi1>
      %get3A_209 = arith.constant 336 : index
      %get3A_210 = tpu.vector_load %arg7[%get3A_209] {strides = array<i32>} : memref<1024xf32, #tpu.memory_space<vmem>>, vector<16xf32>,
      %reduce_min3A_211 = arith.constant true
      %reduce_min3A_212 = vector.broadcast %reduce_min3A_211 : i1 to vector<16xi1>
      %reduce_min3A_213 = tpu.scan <min>, %get3A_210 masked %reduce_min3A_212 : vector<16xf32>, vector<16xi1> -> vector<16xf32>
      %reduce_min3A_214 = vector.extract %reduce_min3A_213[15] : f32 from vector<16xf32>
      %broadcast_in_dim3A_215 = arith.constant 21 : i32
      %broadcast_in_dim3A_216 = vector.broadcast %broadcast_in_dim3A_215 : i32 to vector<16xi32>
      %broadcast_in_dim3A_217 = vector.broadcast %reduce_min3A_214 : f32 to vector<16xf32>
      tpu.vector_store_idx %arg8[%broadcast_in_dim3A_216], %broadcast_in_dim3A_217 masked %eq3A_1 : memref<64xf32, #tpu.memory_space<vmem>>[vector<16xi32>], vector<16xf32>, vector<16xi1>
      %get3A_218 = arith.constant 352 : index
      %get3A_219 = tpu.vector_load %arg7[%get3A_218] {strides = array<i32>} : memref<1024xf32, #tpu.memory_space<vmem>>, vector<16xf32>,
      %reduce_min3A_220 = arith.constant true
      %reduce_min3A_221 = vector.broadcast %reduce_min3A_220 : i1 to vector<16xi1>
      %reduce_min3A_222 = tpu.scan <min>, %get3A_219 masked %reduce_min3A_221 : vector<16xf32>, vector<16xi1> -> vector<16xf32>
      %reduce_min3A_223 = vector.extract %reduce_min3A_222[15] : f32 from vector<16xf32>
      %broadcast_in_dim3A_224 = arith.constant 22 : i32
      %broadcast_in_dim3A_225 = vector.broadcast %broadcast_in_dim3A_224 : i32 to vector<16xi32>
      %broadcast_in_dim3A_226 = vector.broadcast %reduce_min3A_223 : f32 to vector<16xf32>
      tpu.vector_store_idx %arg8[%broadcast_in_dim3A_225], %broadcast_in_dim3A_226 masked %eq3A_1 : memref<64xf32, #tpu.memory_space<vmem>>[vector<16xi32>], vector<16xf32>, vector<16xi1>
      %get3A_227 = arith.constant 368 : index
      %get3A_228 = tpu.vector_load %arg7[%get3A_227] {strides = array<i32>} : memref<1024xf32, #tpu.memory_space<vmem>>, vector<16xf32>,
      %reduce_min3A_229 = arith.constant true
      %reduce_min3A_230 = vector.broadcast %reduce_min3A_229 : i1 to vector<16xi1>
      %reduce_min3A_231 = tpu.scan <min>, %get3A_228 masked %reduce_min3A_230 : vector<16xf32>, vector<16xi1> -> vector<16xf32>
      %reduce_min3A_232 = vector.extract %reduce_min3A_231[15] : f32 from vector<16xf32>
      %broadcast_in_dim3A_233 = arith.constant 23 : i32
      %broadcast_in_dim3A_234 = vector.broadcast %broadcast_in_dim3A_233 : i32 to vector<16xi32>
      %broadcast_in_dim3A_235 = vector.broadcast %reduce_min3A_232 : f32 to vector<16xf32>
      tpu.vector_store_idx %arg8[%broadcast_in_dim3A_234], %broadcast_in_dim3A_235 masked %eq3A_1 : memref<64xf32, #tpu.memory_space<vmem>>[vector<16xi32>], vector<16xf32>, vector<16xi1>
      %get3A_236 = arith.constant 384 : index
      %get3A_237 = tpu.vector_load %arg7[%get3A_236] {strides = array<i32>} : memref<1024xf32, #tpu.memory_space<vmem>>, vector<16xf32>,
      %reduce_min3A_238 = arith.constant true
      %reduce_min3A_239 = vector.broadcast %reduce_min3A_238 : i1 to vector<16xi1>
      %reduce_min3A_240 = tpu.scan <min>, %get3A_237 masked %reduce_min3A_239 : vector<16xf32>, vector<16xi1> -> vector<16xf32>
      %reduce_min3A_241 = vector.extract %reduce_min3A_240[15] : f32 from vector<16xf32>
      %broadcast_in_dim3A_242 = arith.constant 24 : i32
      %broadcast_in_dim3A_243 = vector.broadcast %broadcast_in_dim3A_242 : i32 to vector<16xi32>
      %broadcast_in_dim3A_244 = vector.broadcast %reduce_min3A_241 : f32 to vector<16xf32>
      tpu.vector_store_idx %arg8[%broadcast_in_dim3A_243], %broadcast_in_dim3A_244 masked %eq3A_1 : memref<64xf32, #tpu.memory_space<vmem>>[vector<16xi32>], vector<16xf32>, vector<16xi1>
      %get3A_245 = arith.constant 400 : index
      %get3A_246 = tpu.vector_load %arg7[%get3A_245] {strides = array<i32>} : memref<1024xf32, #tpu.memory_space<vmem>>, vector<16xf32>,
      %reduce_min3A_247 = arith.constant true
      %reduce_min3A_248 = vector.broadcast %reduce_min3A_247 : i1 to vector<16xi1>
      %reduce_min3A_249 = tpu.scan <min>, %get3A_246 masked %reduce_min3A_248 : vector<16xf32>, vector<16xi1> -> vector<16xf32>
      %reduce_min3A_250 = vector.extract %reduce_min3A_249[15] : f32 from vector<16xf32>
      %broadcast_in_dim3A_251 = arith.constant 25 : i32
      %broadcast_in_dim3A_252 = vector.broadcast %broadcast_in_dim3A_251 : i32 to vector<16xi32>
      %broadcast_in_dim3A_253 = vector.broadcast %reduce_min3A_250 : f32 to vector<16xf32>
      tpu.vector_store_idx %arg8[%broadcast_in_dim3A_252], %broadcast_in_dim3A_253 masked %eq3A_1 : memref<64xf32, #tpu.memory_space<vmem>>[vector<16xi32>], vector<16xf32>, vector<16xi1>
      %get3A_254 = arith.constant 416 : index
      %get3A_255 = tpu.vector_load %arg7[%get3A_254] {strides = array<i32>} : memref<1024xf32, #tpu.memory_space<vmem>>, vector<16xf32>,
      %reduce_min3A_256 = arith.constant true
      %reduce_min3A_257 = vector.broadcast %reduce_min3A_256 : i1 to vector<16xi1>
      %reduce_min3A_258 = tpu.scan <min>, %get3A_255 masked %reduce_min3A_257 : vector<16xf32>, vector<16xi1> -> vector<16xf32>
      %reduce_min3A_259 = vector.extract %reduce_min3A_258[15] : f32 from vector<16xf32>
      %broadcast_in_dim3A_260 = arith.constant 26 : i32
      %broadcast_in_dim3A_261 = vector.broadcast %broadcast_in_dim3A_260 : i32 to vector<16xi32>
      %broadcast_in_dim3A_262 = vector.broadcast %reduce_min3A_259 : f32 to vector<16xf32>
      tpu.vector_store_idx %arg8[%broadcast_in_dim3A_261], %broadcast_in_dim3A_262 masked %eq3A_1 : memref<64xf32, #tpu.memory_space<vmem>>[vector<16xi32>], vector<16xf32>, vector<16xi1>
      %get3A_263 = arith.constant 432 : index
      %get3A_264 = tpu.vector_load %arg7[%get3A_263] {strides = array<i32>} : memref<1024xf32, #tpu.memory_space<vmem>>, vector<16xf32>,
      %reduce_min3A_265 = arith.constant true
      %reduce_min3A_266 = vector.broadcast %reduce_min3A_265 : i1 to vector<16xi1>
      %reduce_min3A_267 = tpu.scan <min>, %get3A_264 masked %reduce_min3A_266 : vector<16xf32>, vector<16xi1> -> vector<16xf32>
      %reduce_min3A_268 = vector.extract %reduce_min3A_267[15] : f32 from vector<16xf32>
      %broadcast_in_dim3A_269 = arith.constant 27 : i32
      %broadcast_in_dim3A_270 = vector.broadcast %broadcast_in_dim3A_269 : i32 to vector<16xi32>
      %broadcast_in_dim3A_271 = vector.broadcast %reduce_min3A_268 : f32 to vector<16xf32>
      tpu.vector_store_idx %arg8[%broadcast_in_dim3A_270], %broadcast_in_dim3A_271 masked %eq3A_1 : memref<64xf32, #tpu.memory_space<vmem>>[vector<16xi32>], vector<16xf32>, vector<16xi1>
      %get3A_272 = arith.constant 448 : index
      %get3A_273 = tpu.vector_load %arg7[%get3A_272] {strides = array<i32>} : memref<1024xf32, #tpu.memory_space<vmem>>, vector<16xf32>,
      %reduce_min3A_274 = arith.constant true
      %reduce_min3A_275 = vector.broadcast %reduce_min3A_274 : i1 to vector<16xi1>
      %reduce_min3A_276 = tpu.scan <min>, %get3A_273 masked %reduce_min3A_275 : vector<16xf32>, vector<16xi1> -> vector<16xf32>
      %reduce_min3A_277 = vector.extract %reduce_min3A_276[15] : f32 from vector<16xf32>
      %broadcast_in_dim3A_278 = arith.constant 28 : i32
      %broadcast_in_dim3A_279 = vector.broadcast %broadcast_in_dim3A_278 : i32 to vector<16xi32>
      %broadcast_in_dim3A_280 = vector.broadcast %reduce_min3A_277 : f32 to vector<16xf32>
      tpu.vector_store_idx %arg8[%broadcast_in_dim3A_279], %broadcast_in_dim3A_280 masked %eq3A_1 : memref<64xf32, #tpu.memory_space<vmem>>[vector<16xi32>], vector<16xf32>, vector<16xi1>
      %get3A_281 = arith.constant 464 : index
      %get3A_282 = tpu.vector_load %arg7[%get3A_281] {strides = array<i32>} : memref<1024xf32, #tpu.memory_space<vmem>>, vector<16xf32>,
      %reduce_min3A_283 = arith.constant true
      %reduce_min3A_284 = vector.broadcast %reduce_min3A_283 : i1 to vector<16xi1>
      %reduce_min3A_285 = tpu.scan <min>, %get3A_282 masked %reduce_min3A_284 : vector<16xf32>, vector<16xi1> -> vector<16xf32>
      %reduce_min3A_286 = vector.extract %reduce_min3A_285[15] : f32 from vector<16xf32>
      %broadcast_in_dim3A_287 = arith.constant 29 : i32
      %broadcast_in_dim3A_288 = vector.broadcast %broadcast_in_dim3A_287 : i32 to vector<16xi32>
      %broadcast_in_dim3A_289 = vector.broadcast %reduce_min3A_286 : f32 to vector<16xf32>
      tpu.vector_store_idx %arg8[%broadcast_in_dim3A_288], %broadcast_in_dim3A_289 masked %eq3A_1 : memref<64xf32, #tpu.memory_space<vmem>>[vector<16xi32>], vector<16xf32>, vector<16xi1>
      %get3A_290 = arith.constant 480 : index
      %get3A_291 = tpu.vector_load %arg7[%get3A_290] {strides = array<i32>} : memref<1024xf32, #tpu.memory_space<vmem>>, vector<16xf32>,
      %reduce_min3A_292 = arith.constant true
      %reduce_min3A_293 = vector.broadcast %reduce_min3A_292 : i1 to vector<16xi1>
      %reduce_min3A_294 = tpu.scan <min>, %get3A_291 masked %reduce_min3A_293 : vector<16xf32>, vector<16xi1> -> vector<16xf32>
      %reduce_min3A_295 = vector.extract %reduce_min3A_294[15] : f32 from vector<16xf32>
      %broadcast_in_dim3A_296 = arith.constant 30 : i32
      %broadcast_in_dim3A_297 = vector.broadcast %broadcast_in_dim3A_296 : i32 to vector<16xi32>
      %broadcast_in_dim3A_298 = vector.broadcast %reduce_min3A_295 : f32 to vector<16xf32>
      tpu.vector_store_idx %arg8[%broadcast_in_dim3A_297], %broadcast_in_dim3A_298 masked %eq3A_1 : memref<64xf32, #tpu.memory_space<vmem>>[vector<16xi32>], vector<16xf32>, vector<16xi1>
      %get3A_299 = arith.constant 496 : index
      %get3A_300 = tpu.vector_load %arg7[%get3A_299] {strides = array<i32>} : memref<1024xf32, #tpu.memory_space<vmem>>, vector<16xf32>,
      %reduce_min3A_301 = arith.constant true
      %reduce_min3A_302 = vector.broadcast %reduce_min3A_301 : i1 to vector<16xi1>
      %reduce_min3A_303 = tpu.scan <min>, %get3A_300 masked %reduce_min3A_302 : vector<16xf32>, vector<16xi1> -> vector<16xf32>
      %reduce_min3A_304 = vector.extract %reduce_min3A_303[15] : f32 from vector<16xf32>
      %broadcast_in_dim3A_305 = arith.constant 31 : i32
      %broadcast_in_dim3A_306 = vector.broadcast %broadcast_in_dim3A_305 : i32 to vector<16xi32>
      %broadcast_in_dim3A_307 = vector.broadcast %reduce_min3A_304 : f32 to vector<16xf32>
      tpu.vector_store_idx %arg8[%broadcast_in_dim3A_306], %broadcast_in_dim3A_307 masked %eq3A_1 : memref<64xf32, #tpu.memory_space<vmem>>[vector<16xi32>], vector<16xf32>, vector<16xi1>
      %get3A_308 = arith.constant 512 : index
      %get3A_309 = tpu.vector_load %arg7[%get3A_308] {strides = array<i32>} : memref<1024xf32, #tpu.memory_space<vmem>>, vector<16xf32>,
      %reduce_min3A_310 = arith.constant true
      %reduce_min3A_311 = vector.broadcast %reduce_min3A_310 : i1 to vector<16xi1>
      %reduce_min3A_312 = tpu.scan <min>, %get3A_309 masked %reduce_min3A_311 : vector<16xf32>, vector<16xi1> -> vector<16xf32>
      %reduce_min3A_313 = vector.extract %reduce_min3A_312[15] : f32 from vector<16xf32>
      %broadcast_in_dim3A_314 = arith.constant 32 : i32
      %broadcast_in_dim3A_315 = vector.broadcast %broadcast_in_dim3A_314 : i32 to vector<16xi32>
      %broadcast_in_dim3A_316 = vector.broadcast %reduce_min3A_313 : f32 to vector<16xf32>
      tpu.vector_store_idx %arg8[%broadcast_in_dim3A_315], %broadcast_in_dim3A_316 masked %eq3A_1 : memref<64xf32, #tpu.memory_space<vmem>>[vector<16xi32>], vector<16xf32>, vector<16xi1>
      %get3A_317 = arith.constant 528 : index
      %get3A_318 = tpu.vector_load %arg7[%get3A_317] {strides = array<i32>} : memref<1024xf32, #tpu.memory_space<vmem>>, vector<16xf32>,
      %reduce_min3A_319 = arith.constant true
      %reduce_min3A_320 = vector.broadcast %reduce_min3A_319 : i1 to vector<16xi1>
      %reduce_min3A_321 = tpu.scan <min>, %get3A_318 masked %reduce_min3A_320 : vector<16xf32>, vector<16xi1> -> vector<16xf32>
      %reduce_min3A_322 = vector.extract %reduce_min3A_321[15] : f32 from vector<16xf32>
      %broadcast_in_dim3A_323 = arith.constant 33 : i32
      %broadcast_in_dim3A_324 = vector.broadcast %broadcast_in_dim3A_323 : i32 to vector<16xi32>
      %broadcast_in_dim3A_325 = vector.broadcast %reduce_min3A_322 : f32 to vector<16xf32>
      tpu.vector_store_idx %arg8[%broadcast_in_dim3A_324], %broadcast_in_dim3A_325 masked %eq3A_1 : memref<64xf32, #tpu.memory_space<vmem>>[vector<16xi32>], vector<16xf32>, vector<16xi1>
      %get3A_326 = arith.constant 544 : index
      %get3A_327 = tpu.vector_load %arg7[%get3A_326] {strides = array<i32>} : memref<1024xf32, #tpu.memory_space<vmem>>, vector<16xf32>,
      %reduce_min3A_328 = arith.constant true
      %reduce_min3A_329 = vector.broadcast %reduce_min3A_328 : i1 to vector<16xi1>
      %reduce_min3A_330 = tpu.scan <min>, %get3A_327 masked %reduce_min3A_329 : vector<16xf32>, vector<16xi1> -> vector<16xf32>
      %reduce_min3A_331 = vector.extract %reduce_min3A_330[15] : f32 from vector<16xf32>
      %broadcast_in_dim3A_332 = arith.constant 34 : i32
      %broadcast_in_dim3A_333 = vector.broadcast %broadcast_in_dim3A_332 : i32 to vector<16xi32>
      %broadcast_in_dim3A_334 = vector.broadcast %reduce_min3A_331 : f32 to vector<16xf32>
      tpu.vector_store_idx %arg8[%broadcast_in_dim3A_333], %broadcast_in_dim3A_334 masked %eq3A_1 : memref<64xf32, #tpu.memory_space<vmem>>[vector<16xi32>], vector<16xf32>, vector<16xi1>
      %get3A_335 = arith.constant 560 : index
      %get3A_336 = tpu.vector_load %arg7[%get3A_335] {strides = array<i32>} : memref<1024xf32, #tpu.memory_space<vmem>>, vector<16xf32>,
      %reduce_min3A_337 = arith.constant true
      %reduce_min3A_338 = vector.broadcast %reduce_min3A_337 : i1 to vector<16xi1>
      %reduce_min3A_339 = tpu.scan <min>, %get3A_336 masked %reduce_min3A_338 : vector<16xf32>, vector<16xi1> -> vector<16xf32>
      %reduce_min3A_340 = vector.extract %reduce_min3A_339[15] : f32 from vector<16xf32>
      %broadcast_in_dim3A_341 = arith.constant 35 : i32
      %broadcast_in_dim3A_342 = vector.broadcast %broadcast_in_dim3A_341 : i32 to vector<16xi32>
      %broadcast_in_dim3A_343 = vector.broadcast %reduce_min3A_340 : f32 to vector<16xf32>
      tpu.vector_store_idx %arg8[%broadcast_in_dim3A_342], %broadcast_in_dim3A_343 masked %eq3A_1 : memref<64xf32, #tpu.memory_space<vmem>>[vector<16xi32>], vector<16xf32>, vector<16xi1>
      %get3A_344 = arith.constant 576 : index
      %get3A_345 = tpu.vector_load %arg7[%get3A_344] {strides = array<i32>} : memref<1024xf32, #tpu.memory_space<vmem>>, vector<16xf32>,
      %reduce_min3A_346 = arith.constant true
      %reduce_min3A_347 = vector.broadcast %reduce_min3A_346 : i1 to vector<16xi1>
      %reduce_min3A_348 = tpu.scan <min>, %get3A_345 masked %reduce_min3A_347 : vector<16xf32>, vector<16xi1> -> vector<16xf32>
      %reduce_min3A_349 = vector.extract %reduce_min3A_348[15] : f32 from vector<16xf32>
      %broadcast_in_dim3A_350 = arith.constant 36 : i32
      %broadcast_in_dim3A_351 = vector.broadcast %broadcast_in_dim3A_350 : i32 to vector<16xi32>
      %broadcast_in_dim3A_352 = vector.broadcast %reduce_min3A_349 : f32 to vector<16xf32>
      tpu.vector_store_idx %arg8[%broadcast_in_dim3A_351], %broadcast_in_dim3A_352 masked %eq3A_1 : memref<64xf32, #tpu.memory_space<vmem>>[vector<16xi32>], vector<16xf32>, vector<16xi1>
      %get3A_353 = arith.constant 592 : index
      %get3A_354 = tpu.vector_load %arg7[%get3A_353] {strides = array<i32>} : memref<1024xf32, #tpu.memory_space<vmem>>, vector<16xf32>,
      %reduce_min3A_355 = arith.constant true
      %reduce_min3A_356 = vector.broadcast %reduce_min3A_355 : i1 to vector<16xi1>
      %reduce_min3A_357 = tpu.scan <min>, %get3A_354 masked %reduce_min3A_356 : vector<16xf32>, vector<16xi1> -> vector<16xf32>
      %reduce_min3A_358 = vector.extract %reduce_min3A_357[15] : f32 from vector<16xf32>
      %broadcast_in_dim3A_359 = arith.constant 37 : i32
      %broadcast_in_dim3A_360 = vector.broadcast %broadcast_in_dim3A_359 : i32 to vector<16xi32>
      %broadcast_in_dim3A_361 = vector.broadcast %reduce_min3A_358 : f32 to vector<16xf32>
      tpu.vector_store_idx %arg8[%broadcast_in_dim3A_360], %broadcast_in_dim3A_361 masked %eq3A_1 : memref<64xf32, #tpu.memory_space<vmem>>[vector<16xi32>], vector<16xf32>, vector<16xi1>
      %get3A_362 = arith.constant 608 : index
      %get3A_363 = tpu.vector_load %arg7[%get3A_362] {strides = array<i32>} : memref<1024xf32, #tpu.memory_space<vmem>>, vector<16xf32>,
      %reduce_min3A_364 = arith.constant true
      %reduce_min3A_365 = vector.broadcast %reduce_min3A_364 : i1 to vector<16xi1>
      %reduce_min3A_366 = tpu.scan <min>, %get3A_363 masked %reduce_min3A_365 : vector<16xf32>, vector<16xi1> -> vector<16xf32>
      %reduce_min3A_367 = vector.extract %reduce_min3A_366[15] : f32 from vector<16xf32>
      %broadcast_in_dim3A_368 = arith.constant 38 : i32
      %broadcast_in_dim3A_369 = vector.broadcast %broadcast_in_dim3A_368 : i32 to vector<16xi32>
      %broadcast_in_dim3A_370 = vector.broadcast %reduce_min3A_367 : f32 to vector<16xf32>
      tpu.vector_store_idx %arg8[%broadcast_in_dim3A_369], %broadcast_in_dim3A_370 masked %eq3A_1 : memref<64xf32, #tpu.memory_space<vmem>>[vector<16xi32>], vector<16xf32>, vector<16xi1>
      %get3A_371 = arith.constant 624 : index
      %get3A_372 = tpu.vector_load %arg7[%get3A_371] {strides = array<i32>} : memref<1024xf32, #tpu.memory_space<vmem>>, vector<16xf32>,
      %reduce_min3A_373 = arith.constant true
      %reduce_min3A_374 = vector.broadcast %reduce_min3A_373 : i1 to vector<16xi1>
      %reduce_min3A_375 = tpu.scan <min>, %get3A_372 masked %reduce_min3A_374 : vector<16xf32>, vector<16xi1> -> vector<16xf32>
      %reduce_min3A_376 = vector.extract %reduce_min3A_375[15] : f32 from vector<16xf32>
      %broadcast_in_dim3A_377 = arith.constant 39 : i32
      %broadcast_in_dim3A_378 = vector.broadcast %broadcast_in_dim3A_377 : i32 to vector<16xi32>
      %broadcast_in_dim3A_379 = vector.broadcast %reduce_min3A_376 : f32 to vector<16xf32>
      tpu.vector_store_idx %arg8[%broadcast_in_dim3A_378], %broadcast_in_dim3A_379 masked %eq3A_1 : memref<64xf32, #tpu.memory_space<vmem>>[vector<16xi32>], vector<16xf32>, vector<16xi1>
      %get3A_380 = arith.constant 640 : index
      %get3A_381 = tpu.vector_load %arg7[%get3A_380] {strides = array<i32>} : memref<1024xf32, #tpu.memory_space<vmem>>, vector<16xf32>,
      %reduce_min3A_382 = arith.constant true
      %reduce_min3A_383 = vector.broadcast %reduce_min3A_382 : i1 to vector<16xi1>
      %reduce_min3A_384 = tpu.scan <min>, %get3A_381 masked %reduce_min3A_383 : vector<16xf32>, vector<16xi1> -> vector<16xf32>
      %reduce_min3A_385 = vector.extract %reduce_min3A_384[15] : f32 from vector<16xf32>
      %broadcast_in_dim3A_386 = arith.constant 40 : i32
      %broadcast_in_dim3A_387 = vector.broadcast %broadcast_in_dim3A_386 : i32 to vector<16xi32>
      %broadcast_in_dim3A_388 = vector.broadcast %reduce_min3A_385 : f32 to vector<16xf32>
      tpu.vector_store_idx %arg8[%broadcast_in_dim3A_387], %broadcast_in_dim3A_388 masked %eq3A_1 : memref<64xf32, #tpu.memory_space<vmem>>[vector<16xi32>], vector<16xf32>, vector<16xi1>
      %get3A_389 = arith.constant 656 : index
      %get3A_390 = tpu.vector_load %arg7[%get3A_389] {strides = array<i32>} : memref<1024xf32, #tpu.memory_space<vmem>>, vector<16xf32>,
      %reduce_min3A_391 = arith.constant true
      %reduce_min3A_392 = vector.broadcast %reduce_min3A_391 : i1 to vector<16xi1>
      %reduce_min3A_393 = tpu.scan <min>, %get3A_390 masked %reduce_min3A_392 : vector<16xf32>, vector<16xi1> -> vector<16xf32>
      %reduce_min3A_394 = vector.extract %reduce_min3A_393[15] : f32 from vector<16xf32>
      %broadcast_in_dim3A_395 = arith.constant 41 : i32
      %broadcast_in_dim3A_396 = vector.broadcast %broadcast_in_dim3A_395 : i32 to vector<16xi32>
      %broadcast_in_dim3A_397 = vector.broadcast %reduce_min3A_394 : f32 to vector<16xf32>
      tpu.vector_store_idx %arg8[%broadcast_in_dim3A_396], %broadcast_in_dim3A_397 masked %eq3A_1 : memref<64xf32, #tpu.memory_space<vmem>>[vector<16xi32>], vector<16xf32>, vector<16xi1>
      %get3A_398 = arith.constant 672 : index
      %get3A_399 = tpu.vector_load %arg7[%get3A_398] {strides = array<i32>} : memref<1024xf32, #tpu.memory_space<vmem>>, vector<16xf32>,
      %reduce_min3A_400 = arith.constant true
      %reduce_min3A_401 = vector.broadcast %reduce_min3A_400 : i1 to vector<16xi1>
      %reduce_min3A_402 = tpu.scan <min>, %get3A_399 masked %reduce_min3A_401 : vector<16xf32>, vector<16xi1> -> vector<16xf32>
      %reduce_min3A_403 = vector.extract %reduce_min3A_402[15] : f32 from vector<16xf32>
      %broadcast_in_dim3A_404 = arith.constant 42 : i32
      %broadcast_in_dim3A_405 = vector.broadcast %broadcast_in_dim3A_404 : i32 to vector<16xi32>
      %broadcast_in_dim3A_406 = vector.broadcast %reduce_min3A_403 : f32 to vector<16xf32>
      tpu.vector_store_idx %arg8[%broadcast_in_dim3A_405], %broadcast_in_dim3A_406 masked %eq3A_1 : memref<64xf32, #tpu.memory_space<vmem>>[vector<16xi32>], vector<16xf32>, vector<16xi1>
      %get3A_407 = arith.constant 688 : index
      %get3A_408 = tpu.vector_load %arg7[%get3A_407] {strides = array<i32>} : memref<1024xf32, #tpu.memory_space<vmem>>, vector<16xf32>,
      %reduce_min3A_409 = arith.constant true
      %reduce_min3A_410 = vector.broadcast %reduce_min3A_409 : i1 to vector<16xi1>
      %reduce_min3A_411 = tpu.scan <min>, %get3A_408 masked %reduce_min3A_410 : vector<16xf32>, vector<16xi1> -> vector<16xf32>
      %reduce_min3A_412 = vector.extract %reduce_min3A_411[15] : f32 from vector<16xf32>
      %broadcast_in_dim3A_413 = arith.constant 43 : i32
      %broadcast_in_dim3A_414 = vector.broadcast %broadcast_in_dim3A_413 : i32 to vector<16xi32>
      %broadcast_in_dim3A_415 = vector.broadcast %reduce_min3A_412 : f32 to vector<16xf32>
      tpu.vector_store_idx %arg8[%broadcast_in_dim3A_414], %broadcast_in_dim3A_415 masked %eq3A_1 : memref<64xf32, #tpu.memory_space<vmem>>[vector<16xi32>], vector<16xf32>, vector<16xi1>
      %get3A_416 = arith.constant 704 : index
      %get3A_417 = tpu.vector_load %arg7[%get3A_416] {strides = array<i32>} : memref<1024xf32, #tpu.memory_space<vmem>>, vector<16xf32>,
      %reduce_min3A_418 = arith.constant true
      %reduce_min3A_419 = vector.broadcast %reduce_min3A_418 : i1 to vector<16xi1>
      %reduce_min3A_420 = tpu.scan <min>, %get3A_417 masked %reduce_min3A_419 : vector<16xf32>, vector<16xi1> -> vector<16xf32>
      %reduce_min3A_421 = vector.extract %reduce_min3A_420[15] : f32 from vector<16xf32>
      %broadcast_in_dim3A_422 = arith.constant 44 : i32
      %broadcast_in_dim3A_423 = vector.broadcast %broadcast_in_dim3A_422 : i32 to vector<16xi32>
      %broadcast_in_dim3A_424 = vector.broadcast %reduce_min3A_421 : f32 to vector<16xf32>
      tpu.vector_store_idx %arg8[%broadcast_in_dim3A_423], %broadcast_in_dim3A_424 masked %eq3A_1 : memref<64xf32, #tpu.memory_space<vmem>>[vector<16xi32>], vector<16xf32>, vector<16xi1>
      %get3A_425 = arith.constant 720 : index
      %get3A_426 = tpu.vector_load %arg7[%get3A_425] {strides = array<i32>} : memref<1024xf32, #tpu.memory_space<vmem>>, vector<16xf32>,
      %reduce_min3A_427 = arith.constant true
      %reduce_min3A_428 = vector.broadcast %reduce_min3A_427 : i1 to vector<16xi1>
      %reduce_min3A_429 = tpu.scan <min>, %get3A_426 masked %reduce_min3A_428 : vector<16xf32>, vector<16xi1> -> vector<16xf32>
      %reduce_min3A_430 = vector.extract %reduce_min3A_429[15] : f32 from vector<16xf32>
      %broadcast_in_dim3A_431 = arith.constant 45 : i32
      %broadcast_in_dim3A_432 = vector.broadcast %broadcast_in_dim3A_431 : i32 to vector<16xi32>
      %broadcast_in_dim3A_433 = vector.broadcast %reduce_min3A_430 : f32 to vector<16xf32>
      tpu.vector_store_idx %arg8[%broadcast_in_dim3A_432], %broadcast_in_dim3A_433 masked %eq3A_1 : memref<64xf32, #tpu.memory_space<vmem>>[vector<16xi32>], vector<16xf32>, vector<16xi1>
      %get3A_434 = arith.constant 736 : index
      %get3A_435 = tpu.vector_load %arg7[%get3A_434] {strides = array<i32>} : memref<1024xf32, #tpu.memory_space<vmem>>, vector<16xf32>,
      %reduce_min3A_436 = arith.constant true
      %reduce_min3A_437 = vector.broadcast %reduce_min3A_436 : i1 to vector<16xi1>
      %reduce_min3A_438 = tpu.scan <min>, %get3A_435 masked %reduce_min3A_437 : vector<16xf32>, vector<16xi1> -> vector<16xf32>
      %reduce_min3A_439 = vector.extract %reduce_min3A_438[15] : f32 from vector<16xf32>
      %broadcast_in_dim3A_440 = arith.constant 46 : i32
      %broadcast_in_dim3A_441 = vector.broadcast %broadcast_in_dim3A_440 : i32 to vector<16xi32>
      %broadcast_in_dim3A_442 = vector.broadcast %reduce_min3A_439 : f32 to vector<16xf32>
      tpu.vector_store_idx %arg8[%broadcast_in_dim3A_441], %broadcast_in_dim3A_442 masked %eq3A_1 : memref<64xf32, #tpu.memory_space<vmem>>[vector<16xi32>], vector<16xf32>, vector<16xi1>
      %get3A_443 = arith.constant 752 : index
      %get3A_444 = tpu.vector_load %arg7[%get3A_443] {strides = array<i32>} : memref<1024xf32, #tpu.memory_space<vmem>>, vector<16xf32>,
      %reduce_min3A_445 = arith.constant true
      %reduce_min3A_446 = vector.broadcast %reduce_min3A_445 : i1 to vector<16xi1>
      %reduce_min3A_447 = tpu.scan <min>, %get3A_444 masked %reduce_min3A_446 : vector<16xf32>, vector<16xi1> -> vector<16xf32>
      %reduce_min3A_448 = vector.extract %reduce_min3A_447[15] : f32 from vector<16xf32>
      %broadcast_in_dim3A_449 = arith.constant 47 : i32
      %broadcast_in_dim3A_450 = vector.broadcast %broadcast_in_dim3A_449 : i32 to vector<16xi32>
      %broadcast_in_dim3A_451 = vector.broadcast %reduce_min3A_448 : f32 to vector<16xf32>
      tpu.vector_store_idx %arg8[%broadcast_in_dim3A_450], %broadcast_in_dim3A_451 masked %eq3A_1 : memref<64xf32, #tpu.memory_space<vmem>>[vector<16xi32>], vector<16xf32>, vector<16xi1>
      %get3A_452 = arith.constant 768 : index
      %get3A_453 = tpu.vector_load %arg7[%get3A_452] {strides = array<i32>} : memref<1024xf32, #tpu.memory_space<vmem>>, vector<16xf32>,
      %reduce_min3A_454 = arith.constant true
      %reduce_min3A_455 = vector.broadcast %reduce_min3A_454 : i1 to vector<16xi1>
      %reduce_min3A_456 = tpu.scan <min>, %get3A_453 masked %reduce_min3A_455 : vector<16xf32>, vector<16xi1> -> vector<16xf32>
      %reduce_min3A_457 = vector.extract %reduce_min3A_456[15] : f32 from vector<16xf32>
      %broadcast_in_dim3A_458 = arith.constant 48 : i32
      %broadcast_in_dim3A_459 = vector.broadcast %broadcast_in_dim3A_458 : i32 to vector<16xi32>
      %broadcast_in_dim3A_460 = vector.broadcast %reduce_min3A_457 : f32 to vector<16xf32>
      tpu.vector_store_idx %arg8[%broadcast_in_dim3A_459], %broadcast_in_dim3A_460 masked %eq3A_1 : memref<64xf32, #tpu.memory_space<vmem>>[vector<16xi32>], vector<16xf32>, vector<16xi1>
      %get3A_461 = arith.constant 784 : index
      %get3A_462 = tpu.vector_load %arg7[%get3A_461] {strides = array<i32>} : memref<1024xf32, #tpu.memory_space<vmem>>, vector<16xf32>,
      %reduce_min3A_463 = arith.constant true
      %reduce_min3A_464 = vector.broadcast %reduce_min3A_463 : i1 to vector<16xi1>
      %reduce_min3A_465 = tpu.scan <min>, %get3A_462 masked %reduce_min3A_464 : vector<16xf32>, vector<16xi1> -> vector<16xf32>
      %reduce_min3A_466 = vector.extract %reduce_min3A_465[15] : f32 from vector<16xf32>
      %broadcast_in_dim3A_467 = arith.constant 49 : i32
      %broadcast_in_dim3A_468 = vector.broadcast %broadcast_in_dim3A_467 : i32 to vector<16xi32>
      %broadcast_in_dim3A_469 = vector.broadcast %reduce_min3A_466 : f32 to vector<16xf32>
      tpu.vector_store_idx %arg8[%broadcast_in_dim3A_468], %broadcast_in_dim3A_469 masked %eq3A_1 : memref<64xf32, #tpu.memory_space<vmem>>[vector<16xi32>], vector<16xf32>, vector<16xi1>
      %get3A_470 = arith.constant 800 : index
      %get3A_471 = tpu.vector_load %arg7[%get3A_470] {strides = array<i32>} : memref<1024xf32, #tpu.memory_space<vmem>>, vector<16xf32>,
      %reduce_min3A_472 = arith.constant true
      %reduce_min3A_473 = vector.broadcast %reduce_min3A_472 : i1 to vector<16xi1>
      %reduce_min3A_474 = tpu.scan <min>, %get3A_471 masked %reduce_min3A_473 : vector<16xf32>, vector<16xi1> -> vector<16xf32>
      %reduce_min3A_475 = vector.extract %reduce_min3A_474[15] : f32 from vector<16xf32>
      %broadcast_in_dim3A_476 = arith.constant 50 : i32
      %broadcast_in_dim3A_477 = vector.broadcast %broadcast_in_dim3A_476 : i32 to vector<16xi32>
      %broadcast_in_dim3A_478 = vector.broadcast %reduce_min3A_475 : f32 to vector<16xf32>
      tpu.vector_store_idx %arg8[%broadcast_in_dim3A_477], %broadcast_in_dim3A_478 masked %eq3A_1 : memref<64xf32, #tpu.memory_space<vmem>>[vector<16xi32>], vector<16xf32>, vector<16xi1>
      %get3A_479 = arith.constant 816 : index
      %get3A_480 = tpu.vector_load %arg7[%get3A_479] {strides = array<i32>} : memref<1024xf32, #tpu.memory_space<vmem>>, vector<16xf32>,
      %reduce_min3A_481 = arith.constant true
      %reduce_min3A_482 = vector.broadcast %reduce_min3A_481 : i1 to vector<16xi1>
      %reduce_min3A_483 = tpu.scan <min>, %get3A_480 masked %reduce_min3A_482 : vector<16xf32>, vector<16xi1> -> vector<16xf32>
      %reduce_min3A_484 = vector.extract %reduce_min3A_483[15] : f32 from vector<16xf32>
      %broadcast_in_dim3A_485 = arith.constant 51 : i32
      %broadcast_in_dim3A_486 = vector.broadcast %broadcast_in_dim3A_485 : i32 to vector<16xi32>
      %broadcast_in_dim3A_487 = vector.broadcast %reduce_min3A_484 : f32 to vector<16xf32>
      tpu.vector_store_idx %arg8[%broadcast_in_dim3A_486], %broadcast_in_dim3A_487 masked %eq3A_1 : memref<64xf32, #tpu.memory_space<vmem>>[vector<16xi32>], vector<16xf32>, vector<16xi1>
      %get3A_488 = arith.constant 832 : index
      %get3A_489 = tpu.vector_load %arg7[%get3A_488] {strides = array<i32>} : memref<1024xf32, #tpu.memory_space<vmem>>, vector<16xf32>,
      %reduce_min3A_490 = arith.constant true
      %reduce_min3A_491 = vector.broadcast %reduce_min3A_490 : i1 to vector<16xi1>
      %reduce_min3A_492 = tpu.scan <min>, %get3A_489 masked %reduce_min3A_491 : vector<16xf32>, vector<16xi1> -> vector<16xf32>
      %reduce_min3A_493 = vector.extract %reduce_min3A_492[15] : f32 from vector<16xf32>
      %broadcast_in_dim3A_494 = arith.constant 52 : i32
      %broadcast_in_dim3A_495 = vector.broadcast %broadcast_in_dim3A_494 : i32 to vector<16xi32>
      %broadcast_in_dim3A_496 = vector.broadcast %reduce_min3A_493 : f32 to vector<16xf32>
      tpu.vector_store_idx %arg8[%broadcast_in_dim3A_495], %broadcast_in_dim3A_496 masked %eq3A_1 : memref<64xf32, #tpu.memory_space<vmem>>[vector<16xi32>], vector<16xf32>, vector<16xi1>
      %get3A_497 = arith.constant 848 : index
      %get3A_498 = tpu.vector_load %arg7[%get3A_497] {strides = array<i32>} : memref<1024xf32, #tpu.memory_space<vmem>>, vector<16xf32>,
      %reduce_min3A_499 = arith.constant true
      %reduce_min3A_500 = vector.broadcast %reduce_min3A_499 : i1 to vector<16xi1>
      %reduce_min3A_501 = tpu.scan <min>, %get3A_498 masked %reduce_min3A_500 : vector<16xf32>, vector<16xi1> -> vector<16xf32>
      %reduce_min3A_502 = vector.extract %reduce_min3A_501[15] : f32 from vector<16xf32>
      %broadcast_in_dim3A_503 = arith.constant 53 : i32
      %broadcast_in_dim3A_504 = vector.broadcast %broadcast_in_dim3A_503 : i32 to vector<16xi32>
      %broadcast_in_dim3A_505 = vector.broadcast %reduce_min3A_502 : f32 to vector<16xf32>
      tpu.vector_store_idx %arg8[%broadcast_in_dim3A_504], %broadcast_in_dim3A_505 masked %eq3A_1 : memref<64xf32, #tpu.memory_space<vmem>>[vector<16xi32>], vector<16xf32>, vector<16xi1>
      %get3A_506 = arith.constant 864 : index
      %get3A_507 = tpu.vector_load %arg7[%get3A_506] {strides = array<i32>} : memref<1024xf32, #tpu.memory_space<vmem>>, vector<16xf32>,
      %reduce_min3A_508 = arith.constant true
      %reduce_min3A_509 = vector.broadcast %reduce_min3A_508 : i1 to vector<16xi1>
      %reduce_min3A_510 = tpu.scan <min>, %get3A_507 masked %reduce_min3A_509 : vector<16xf32>, vector<16xi1> -> vector<16xf32>
      %reduce_min3A_511 = vector.extract %reduce_min3A_510[15] : f32 from vector<16xf32>
      %broadcast_in_dim3A_512 = arith.constant 54 : i32
      %broadcast_in_dim3A_513 = vector.broadcast %broadcast_in_dim3A_512 : i32 to vector<16xi32>
      %broadcast_in_dim3A_514 = vector.broadcast %reduce_min3A_511 : f32 to vector<16xf32>
      tpu.vector_store_idx %arg8[%broadcast_in_dim3A_513], %broadcast_in_dim3A_514 masked %eq3A_1 : memref<64xf32, #tpu.memory_space<vmem>>[vector<16xi32>], vector<16xf32>, vector<16xi1>
      %get3A_515 = arith.constant 880 : index
      %get3A_516 = tpu.vector_load %arg7[%get3A_515] {strides = array<i32>} : memref<1024xf32, #tpu.memory_space<vmem>>, vector<16xf32>,
      %reduce_min3A_517 = arith.constant true
      %reduce_min3A_518 = vector.broadcast %reduce_min3A_517 : i1 to vector<16xi1>
      %reduce_min3A_519 = tpu.scan <min>, %get3A_516 masked %reduce_min3A_518 : vector<16xf32>, vector<16xi1> -> vector<16xf32>
      %reduce_min3A_520 = vector.extract %reduce_min3A_519[15] : f32 from vector<16xf32>
      %broadcast_in_dim3A_521 = arith.constant 55 : i32
      %broadcast_in_dim3A_522 = vector.broadcast %broadcast_in_dim3A_521 : i32 to vector<16xi32>
      %broadcast_in_dim3A_523 = vector.broadcast %reduce_min3A_520 : f32 to vector<16xf32>
      tpu.vector_store_idx %arg8[%broadcast_in_dim3A_522], %broadcast_in_dim3A_523 masked %eq3A_1 : memref<64xf32, #tpu.memory_space<vmem>>[vector<16xi32>], vector<16xf32>, vector<16xi1>
      %get3A_524 = arith.constant 896 : index
      %get3A_525 = tpu.vector_load %arg7[%get3A_524] {strides = array<i32>} : memref<1024xf32, #tpu.memory_space<vmem>>, vector<16xf32>,
      %reduce_min3A_526 = arith.constant true
      %reduce_min3A_527 = vector.broadcast %reduce_min3A_526 : i1 to vector<16xi1>
      %reduce_min3A_528 = tpu.scan <min>, %get3A_525 masked %reduce_min3A_527 : vector<16xf32>, vector<16xi1> -> vector<16xf32>
      %reduce_min3A_529 = vector.extract %reduce_min3A_528[15] : f32 from vector<16xf32>
      %broadcast_in_dim3A_530 = arith.constant 56 : i32
      %broadcast_in_dim3A_531 = vector.broadcast %broadcast_in_dim3A_530 : i32 to vector<16xi32>
      %broadcast_in_dim3A_532 = vector.broadcast %reduce_min3A_529 : f32 to vector<16xf32>
      tpu.vector_store_idx %arg8[%broadcast_in_dim3A_531], %broadcast_in_dim3A_532 masked %eq3A_1 : memref<64xf32, #tpu.memory_space<vmem>>[vector<16xi32>], vector<16xf32>, vector<16xi1>
      %get3A_533 = arith.constant 912 : index
      %get3A_534 = tpu.vector_load %arg7[%get3A_533] {strides = array<i32>} : memref<1024xf32, #tpu.memory_space<vmem>>, vector<16xf32>,
      %reduce_min3A_535 = arith.constant true
      %reduce_min3A_536 = vector.broadcast %reduce_min3A_535 : i1 to vector<16xi1>
      %reduce_min3A_537 = tpu.scan <min>, %get3A_534 masked %reduce_min3A_536 : vector<16xf32>, vector<16xi1> -> vector<16xf32>
      %reduce_min3A_538 = vector.extract %reduce_min3A_537[15] : f32 from vector<16xf32>
      %broadcast_in_dim3A_539 = arith.constant 57 : i32
      %broadcast_in_dim3A_540 = vector.broadcast %broadcast_in_dim3A_539 : i32 to vector<16xi32>
      %broadcast_in_dim3A_541 = vector.broadcast %reduce_min3A_538 : f32 to vector<16xf32>
      tpu.vector_store_idx %arg8[%broadcast_in_dim3A_540], %broadcast_in_dim3A_541 masked %eq3A_1 : memref<64xf32, #tpu.memory_space<vmem>>[vector<16xi32>], vector<16xf32>, vector<16xi1>
      %get3A_542 = arith.constant 928 : index
      %get3A_543 = tpu.vector_load %arg7[%get3A_542] {strides = array<i32>} : memref<1024xf32, #tpu.memory_space<vmem>>, vector<16xf32>,
      %reduce_min3A_544 = arith.constant true
      %reduce_min3A_545 = vector.broadcast %reduce_min3A_544 : i1 to vector<16xi1>
      %reduce_min3A_546 = tpu.scan <min>, %get3A_543 masked %reduce_min3A_545 : vector<16xf32>, vector<16xi1> -> vector<16xf32>
      %reduce_min3A_547 = vector.extract %reduce_min3A_546[15] : f32 from vector<16xf32>
      %broadcast_in_dim3A_548 = arith.constant 58 : i32
      %broadcast_in_dim3A_549 = vector.broadcast %broadcast_in_dim3A_548 : i32 to vector<16xi32>
      %broadcast_in_dim3A_550 = vector.broadcast %reduce_min3A_547 : f32 to vector<16xf32>
      tpu.vector_store_idx %arg8[%broadcast_in_dim3A_549], %broadcast_in_dim3A_550 masked %eq3A_1 : memref<64xf32, #tpu.memory_space<vmem>>[vector<16xi32>], vector<16xf32>, vector<16xi1>
      %get3A_551 = arith.constant 944 : index
      %get3A_552 = tpu.vector_load %arg7[%get3A_551] {strides = array<i32>} : memref<1024xf32, #tpu.memory_space<vmem>>, vector<16xf32>,
      %reduce_min3A_553 = arith.constant true
      %reduce_min3A_554 = vector.broadcast %reduce_min3A_553 : i1 to vector<16xi1>
      %reduce_min3A_555 = tpu.scan <min>, %get3A_552 masked %reduce_min3A_554 : vector<16xf32>, vector<16xi1> -> vector<16xf32>
      %reduce_min3A_556 = vector.extract %reduce_min3A_555[15] : f32 from vector<16xf32>
      %broadcast_in_dim3A_557 = arith.constant 59 : i32
      %broadcast_in_dim3A_558 = vector.broadcast %broadcast_in_dim3A_557 : i32 to vector<16xi32>
      %broadcast_in_dim3A_559 = vector.broadcast %reduce_min3A_556 : f32 to vector<16xf32>
      tpu.vector_store_idx %arg8[%broadcast_in_dim3A_558], %broadcast_in_dim3A_559 masked %eq3A_1 : memref<64xf32, #tpu.memory_space<vmem>>[vector<16xi32>], vector<16xf32>, vector<16xi1>
      %get3A_560 = arith.constant 960 : index
      %get3A_561 = tpu.vector_load %arg7[%get3A_560] {strides = array<i32>} : memref<1024xf32, #tpu.memory_space<vmem>>, vector<16xf32>,
      %reduce_min3A_562 = arith.constant true
      %reduce_min3A_563 = vector.broadcast %reduce_min3A_562 : i1 to vector<16xi1>
      %reduce_min3A_564 = tpu.scan <min>, %get3A_561 masked %reduce_min3A_563 : vector<16xf32>, vector<16xi1> -> vector<16xf32>
      %reduce_min3A_565 = vector.extract %reduce_min3A_564[15] : f32 from vector<16xf32>
      %broadcast_in_dim3A_566 = arith.constant 60 : i32
      %broadcast_in_dim3A_567 = vector.broadcast %broadcast_in_dim3A_566 : i32 to vector<16xi32>
      %broadcast_in_dim3A_568 = vector.broadcast %reduce_min3A_565 : f32 to vector<16xf32>
      tpu.vector_store_idx %arg8[%broadcast_in_dim3A_567], %broadcast_in_dim3A_568 masked %eq3A_1 : memref<64xf32, #tpu.memory_space<vmem>>[vector<16xi32>], vector<16xf32>, vector<16xi1>
      %get3A_569 = arith.constant 976 : index
      %get3A_570 = tpu.vector_load %arg7[%get3A_569] {strides = array<i32>} : memref<1024xf32, #tpu.memory_space<vmem>>, vector<16xf32>,
      %reduce_min3A_571 = arith.constant true
      %reduce_min3A_572 = vector.broadcast %reduce_min3A_571 : i1 to vector<16xi1>
      %reduce_min3A_573 = tpu.scan <min>, %get3A_570 masked %reduce_min3A_572 : vector<16xf32>, vector<16xi1> -> vector<16xf32>
      %reduce_min3A_574 = vector.extract %reduce_min3A_573[15] : f32 from vector<16xf32>
      %broadcast_in_dim3A_575 = arith.constant 61 : i32
      %broadcast_in_dim3A_576 = vector.broadcast %broadcast_in_dim3A_575 : i32 to vector<16xi32>
      %broadcast_in_dim3A_577 = vector.broadcast %reduce_min3A_574 : f32 to vector<16xf32>
      tpu.vector_store_idx %arg8[%broadcast_in_dim3A_576], %broadcast_in_dim3A_577 masked %eq3A_1 : memref<64xf32, #tpu.memory_space<vmem>>[vector<16xi32>], vector<16xf32>, vector<16xi1>
      %get3A_578 = arith.constant 992 : index
      %get3A_579 = tpu.vector_load %arg7[%get3A_578] {strides = array<i32>} : memref<1024xf32, #tpu.memory_space<vmem>>, vector<16xf32>,
      %reduce_min3A_580 = arith.constant true
      %reduce_min3A_581 = vector.broadcast %reduce_min3A_580 : i1 to vector<16xi1>
      %reduce_min3A_582 = tpu.scan <min>, %get3A_579 masked %reduce_min3A_581 : vector<16xf32>, vector<16xi1> -> vector<16xf32>
      %reduce_min3A_583 = vector.extract %reduce_min3A_582[15] : f32 from vector<16xf32>
      %broadcast_in_dim3A_584 = arith.constant 62 : i32
      %broadcast_in_dim3A_585 = vector.broadcast %broadcast_in_dim3A_584 : i32 to vector<16xi32>
      %broadcast_in_dim3A_586 = vector.broadcast %reduce_min3A_583 : f32 to vector<16xf32>
      tpu.vector_store_idx %arg8[%broadcast_in_dim3A_585], %broadcast_in_dim3A_586 masked %eq3A_1 : memref<64xf32, #tpu.memory_space<vmem>>[vector<16xi32>], vector<16xf32>, vector<16xi1>
      %get3A_587 = arith.constant 1008 : index
      %get3A_588 = tpu.vector_load %arg7[%get3A_587] {strides = array<i32>} : memref<1024xf32, #tpu.memory_space<vmem>>, vector<16xf32>,
      %reduce_min3A_589 = arith.constant true
      %reduce_min3A_590 = vector.broadcast %reduce_min3A_589 : i1 to vector<16xi1>
      %reduce_min3A_591 = tpu.scan <min>, %get3A_588 masked %reduce_min3A_590 : vector<16xf32>, vector<16xi1> -> vector<16xf32>
      %reduce_min3A_592 = vector.extract %reduce_min3A_591[15] : f32 from vector<16xf32>
      %broadcast_in_dim3A_593 = arith.constant 63 : i32
      %broadcast_in_dim3A_594 = vector.broadcast %broadcast_in_dim3A_593 : i32 to vector<16xi32>
      %broadcast_in_dim3A_595 = vector.broadcast %reduce_min3A_592 : f32 to vector<16xf32>
      tpu.vector_store_idx %arg8[%broadcast_in_dim3A_594], %broadcast_in_dim3A_595 masked %eq3A_1 : memref<64xf32, #tpu.memory_space<vmem>>[vector<16xi32>], vector<16xf32>, vector<16xi1>
      %scan3A_596 = arith.constant 0 : i32
      %scan3A_597 = arith.constant 0 : i32
      %scan3A_598 = arith.constant 64 : i32
      %scan3A_599 = arith.addi %scan3A_597, %scan3A_598 : i32
      %scan3A_600 = arith.constant 1 : i32
      %scan3A_601 = scf.for %scan3A_717 = %scan3A_597 to %scan3A_599 step %scan3A_600 iter_args(%scan3A_718 = %scan3A_596) -> (i32)  : i32 {
        %get3A_719 = arith.constant 0 : index
        %get3A_720 = tpu.vector_load %arg8[%get3A_719] {strides = array<i32>} : memref<64xf32, #tpu.memory_space<vmem>>, vector<16xf32>,
        %get3A_721 = arith.constant 16 : index
        %get3A_722 = tpu.vector_load %arg8[%get3A_721] {strides = array<i32>} : memref<64xf32, #tpu.memory_space<vmem>>, vector<16xf32>,
        %get3A_723 = arith.constant 32 : index
        %get3A_724 = tpu.vector_load %arg8[%get3A_723] {strides = array<i32>} : memref<64xf32, #tpu.memory_space<vmem>>, vector<16xf32>,
        %get3A_725 = arith.constant 48 : index
        %get3A_726 = tpu.vector_load %arg8[%get3A_725] {strides = array<i32>} : memref<64xf32, #tpu.memory_space<vmem>>, vector<16xf32>,
        %min3A = arith.minimumf %get3A_720, %get3A_722 : vector<16xf32>
        %min3A_727 = arith.minimumf %get3A_724, %get3A_726 : vector<16xf32>
        %min3A_728 = arith.minimumf %min3A, %min3A_727 : vector<16xf32>
        %reduce_min3A_729 = arith.constant true
        %reduce_min3A_730 = vector.broadcast %reduce_min3A_729 : i1 to vector<16xi1>
        %reduce_min3A_731 = tpu.scan <min>, %min3A_728 masked %reduce_min3A_730 : vector<16xf32>, vector<16xi1> -> vector<16xf32>
        %reduce_min3A_732 = vector.extract %reduce_min3A_731[15] : f32 from vector<16xf32>
        %eq3A_733 = vector.broadcast %reduce_min3A_732 : f32 to vector<16xf32>
        %eq3A_734 = arith.cmpf oeq, %get3A_720, %eq3A_733 : vector<16xf32>
        %all_reduce_ffs3A = tpu.all_reduce %eq3A_734 {dim = 0 : i64, kind = #tpu.reduction_kind<find_first_set>} : vector<16xi1> -> vector<16xi32>
        %reduce_max3A = arith.constant true
        %reduce_max3A_735 = vector.broadcast %reduce_max3A : i1 to vector<16xi1>
        %reduce_max3A_736 = arith.constant -2147483648 : i32
        %reduce_max3A_737 = vector.broadcast %reduce_max3A_736 : i32 to vector<16xi32>
        %reduce_max3A_738 = arith.xori %all_reduce_ffs3A, %reduce_max3A_737 : vector<16xi32>
        %reduce_max3A_739 = tpu.scan <max>, %reduce_max3A_738 masked %reduce_max3A_735 : vector<16xi32>, vector<16xi1> -> vector<16xi32>
        %reduce_max3A_740 = arith.xori %reduce_max3A_739, %reduce_max3A_737 : vector<16xi32>
        %reduce_max3A_741 = vector.extract %reduce_max3A_740[15] : i32 from vector<16xi32>
        %eq3A_742 = vector.broadcast %reduce_min3A_732 : f32 to vector<16xf32>
        %eq3A_743 = arith.cmpf oeq, %get3A_722, %eq3A_742 : vector<16xf32>
        %all_reduce_ffs3A_744 = tpu.all_reduce %eq3A_743 {dim = 0 : i64, kind = #tpu.reduction_kind<find_first_set>} : vector<16xi1> -> vector<16xi32>
        %reduce_max3A_745 = arith.constant true
        %reduce_max3A_746 = vector.broadcast %reduce_max3A_745 : i1 to vector<16xi1>
        %reduce_max3A_747 = arith.constant -2147483648 : i32
        %reduce_max3A_748 = vector.broadcast %reduce_max3A_747 : i32 to vector<16xi32>
        %reduce_max3A_749 = arith.xori %all_reduce_ffs3A_744, %reduce_max3A_748 : vector<16xi32>
        %reduce_max3A_750 = tpu.scan <max>, %reduce_max3A_749 masked %reduce_max3A_746 : vector<16xi32>, vector<16xi1> -> vector<16xi32>
        %reduce_max3A_751 = arith.xori %reduce_max3A_750, %reduce_max3A_748 : vector<16xi32>
        %reduce_max3A_752 = vector.extract %reduce_max3A_751[15] : i32 from vector<16xi32>
        %eq3A_753 = vector.broadcast %reduce_min3A_732 : f32 to vector<16xf32>
        %eq3A_754 = arith.cmpf oeq, %get3A_724, %eq3A_753 : vector<16xf32>
        %all_reduce_ffs3A_755 = tpu.all_reduce %eq3A_754 {dim = 0 : i64, kind = #tpu.reduction_kind<find_first_set>} : vector<16xi1> -> vector<16xi32>
        %reduce_max3A_756 = arith.constant true
        %reduce_max3A_757 = vector.broadcast %reduce_max3A_756 : i1 to vector<16xi1>
        %reduce_max3A_758 = arith.constant -2147483648 : i32
        %reduce_max3A_759 = vector.broadcast %reduce_max3A_758 : i32 to vector<16xi32>
        %reduce_max3A_760 = arith.xori %all_reduce_ffs3A_755, %reduce_max3A_759 : vector<16xi32>
        %reduce_max3A_761 = tpu.scan <max>, %reduce_max3A_760 masked %reduce_max3A_757 : vector<16xi32>, vector<16xi1> -> vector<16xi32>
        %reduce_max3A_762 = arith.xori %reduce_max3A_761, %reduce_max3A_759 : vector<16xi32>
        %reduce_max3A_763 = vector.extract %reduce_max3A_762[15] : i32 from vector<16xi32>
        %eq3A_764 = vector.broadcast %reduce_min3A_732 : f32 to vector<16xf32>
        %eq3A_765 = arith.cmpf oeq, %get3A_726, %eq3A_764 : vector<16xf32>
        %all_reduce_ffs3A_766 = tpu.all_reduce %eq3A_765 {dim = 0 : i64, kind = #tpu.reduction_kind<find_first_set>} : vector<16xi1> -> vector<16xi32>
        %reduce_max3A_767 = arith.constant true
        %reduce_max3A_768 = vector.broadcast %reduce_max3A_767 : i1 to vector<16xi1>
        %reduce_max3A_769 = arith.constant -2147483648 : i32
        %reduce_max3A_770 = vector.broadcast %reduce_max3A_769 : i32 to vector<16xi32>
        %reduce_max3A_771 = arith.xori %all_reduce_ffs3A_766, %reduce_max3A_770 : vector<16xi32>
        %reduce_max3A_772 = tpu.scan <max>, %reduce_max3A_771 masked %reduce_max3A_768 : vector<16xi32>, vector<16xi1> -> vector<16xi32>
        %reduce_max3A_773 = arith.xori %reduce_max3A_772, %reduce_max3A_770 : vector<16xi32>
        %reduce_max3A_774 = vector.extract %reduce_max3A_773[15] : i32 from vector<16xi32>
        %lt3A = arith.constant 16 : i32
        %lt3A_775 = arith.cmpi slt, %reduce_max3A_741, %lt3A : i32
        %lt3A_776 = arith.constant 16 : i32
        %lt3A_777 = arith.cmpi slt, %reduce_max3A_752, %lt3A_776 : i32
        %add3A_778 = arith.constant 16 : i32
        %add3A_779 = arith.addi %add3A_778, %reduce_max3A_752 : i32
        %lt3A_780 = arith.constant 16 : i32
        %lt3A_781 = arith.cmpi slt, %reduce_max3A_763, %lt3A_780 : i32
        %add3A_782 = arith.constant 32 : i32
        %add3A_783 = arith.addi %add3A_782, %reduce_max3A_763 : i32
        %add3A_784 = arith.constant 48 : i32
        %add3A_785 = arith.addi %add3A_784, %reduce_max3A_774 : i32
        %select_n3A = arith.select %lt3A_781, %add3A_783, %add3A_785 : i32
        %select_n3A_786 = arith.select %lt3A_777, %add3A_779, %select_n3A : i32
        %select_n3A_787 = arith.select %lt3A_775, %reduce_max3A_741, %select_n3A_786 : i32
        %mul3A_788 = arith.constant 16 : i32
        %mul3A_789 = arith.muli %select_n3A_787, %mul3A_788 : i32
        %get3A_790 = arith.index_cast %mul3A_789 : i32 to index
        %get3A_791 = tpu.vector_load %arg7[%get3A_790] {strides = array<i32>} : memref<1024xf32, #tpu.memory_space<vmem>>, vector<16xf32>,
        %eq3A_792 = vector.broadcast %reduce_min3A_732 : f32 to vector<16xf32>
        %eq3A_793 = arith.cmpf oeq, %get3A_791, %eq3A_792 : vector<16xf32>
        %all_reduce_ffs3A_794 = tpu.all_reduce %eq3A_793 {dim = 0 : i64, kind = #tpu.reduction_kind<find_first_set>} : vector<16xi1> -> vector<16xi32>
        %reduce_max3A_795 = arith.constant true
        %reduce_max3A_796 = vector.broadcast %reduce_max3A_795 : i1 to vector<16xi1>
        %reduce_max3A_797 = arith.constant -2147483648 : i32
        %reduce_max3A_798 = vector.broadcast %reduce_max3A_797 : i32 to vector<16xi32>
        %reduce_max3A_799 = arith.xori %all_reduce_ffs3A_794, %reduce_max3A_798 : vector<16xi32>
        %reduce_max3A_800 = tpu.scan <max>, %reduce_max3A_799 masked %reduce_max3A_796 : vector<16xi32>, vector<16xi1> -> vector<16xi32>
        %reduce_max3A_801 = arith.xori %reduce_max3A_800, %reduce_max3A_798 : vector<16xi32>
        %reduce_max3A_802 = vector.extract %reduce_max3A_801[15] : i32 from vector<16xi32>
        %mul3A_803 = arith.constant 16 : i32
        %mul3A_804 = arith.muli %select_n3A_787, %mul3A_803 : i32
        %add3A_805 = arith.addi %mul3A_804, %reduce_max3A_802 : i32
        %shift_right_arithmetic3A_806 = arith.constant 7 : i32
        %shift_right_arithmetic3A_807 = arith.shrsi %add3A_805, %shift_right_arithmetic3A_806 : i32
        %and3A_808 = arith.constant 127 : i32
        %and3A_809 = arith.andi %add3A_805, %and3A_808 : i32
        %mul3A_810 = arith.constant 12800 : i32
        %mul3A_811 = arith.muli %shift_right_arithmetic3A_807, %mul3A_810 : i32
        %mul3A_812 = arith.constant 128 : i32
        %mul3A_813 = arith.muli %and3A_809, %mul3A_812 : i32
        %add3A_814 = arith.addi %mul3A_811, %mul3A_813 : i32
        %swap3A_815 = arith.index_cast %scan3A_717 : i32 to index
        %swap3A_816 = memref.load %arg14[%swap3A_815] : memref<64xi32, #tpu.memory_space<smem>>
        memref.store %add3A_814, %arg14[%swap3A_815] : memref<64xi32, #tpu.memory_space<smem>>
        %dma_start3A_817 = arith.constant 0 : i32
        %dma_start3A_818 = tpu.memref_slice %arg6[%scan3A_717, %dma_start3A_817] : memref<64x128xf32, #tpu.memory_space<vmem>> -> memref<1x128xf32, #tpu.memory_space<vmem>>
        %dma_start3A_819 = tpu.memref_squeeze %dma_start3A_818 : memref<1x128xf32, #tpu.memory_space<vmem>> -> memref<128xf32, #tpu.memory_space<vmem>>
        %dma_start3A_820 = tpu.memref_slice %arg2[%shift_right_arithmetic3A_14, %and3A_15, %add3A_814] : memref<8x64x102400xf32, #tpu.memory_space<hbm>> -> memref<1x1x128xf32, #tpu.memory_space<hbm>>
        %dma_start3A_821 = tpu.memref_squeeze %dma_start3A_820 : memref<1x1x128xf32, #tpu.memory_space<hbm>> -> memref<128xf32, #tpu.memory_space<hbm>>
        %dma_start3A_822 = arith.constant 0 : i32
        %dma_start3A_823 = tpu.memref_slice %arg6[%scan3A_717, %dma_start3A_822] : memref<64x128xf32, #tpu.memory_space<vmem>> -> memref<1x128xf32, #tpu.memory_space<vmem>>
        %dma_start3A_824 = tpu.memref_squeeze %dma_start3A_823 : memref<1x128xf32, #tpu.memory_space<vmem>> -> memref<128xf32, #tpu.memory_space<vmem>>
        %dma_start3A_825 = tpu.memref_slice %arg2[%shift_right_arithmetic3A_14, %and3A_15, %add3A_814] : memref<8x64x102400xf32, #tpu.memory_space<hbm>> -> memref<1x1x128xf32, #tpu.memory_space<hbm>>
        %dma_start3A_826 = tpu.memref_squeeze %dma_start3A_825 : memref<1x1x128xf32, #tpu.memory_space<hbm>> -> memref<128xf32, #tpu.memory_space<hbm>>
        tpu.enqueue_dma source(%dma_start3A_826 : memref<128xf32, #tpu.memory_space<hbm>>) target(%dma_start3A_824 : memref<128xf32, #tpu.memory_space<vmem>>) target_semaphore(%arg15 : memref<!tpu.dma_semaphore, #tpu.memory_space<semaphore_mem>>)
        %broadcast_in_dim3A_827 = vector.broadcast %scan3A_717 : i32 to vector<16xi32>
        %broadcast_in_dim3A_828 = vector.broadcast %reduce_min3A_732 : f32 to vector<16xf32>
        tpu.vector_store_idx %arg9[%broadcast_in_dim3A_827], %broadcast_in_dim3A_828 masked %eq3A_1 : memref<64xf32, #tpu.memory_space<vmem>>[vector<16xi32>], vector<16xf32>, vector<16xi1>
        %broadcast_in_dim3A_829 = vector.broadcast %add3A_805 : i32 to vector<16xi32>
        %broadcast_in_dim3A_830 = arith.constant 3.000000e+38 : f32
        %broadcast_in_dim3A_831 = vector.broadcast %broadcast_in_dim3A_830 : f32 to vector<16xf32>
        tpu.vector_store_idx %arg7[%broadcast_in_dim3A_829], %broadcast_in_dim3A_831 masked %eq3A_1 : memref<1024xf32, #tpu.memory_space<vmem>>[vector<16xi32>], vector<16xf32>, vector<16xi1>
        %mul3A_832 = arith.constant 16 : i32
        %mul3A_833 = arith.muli %select_n3A_787, %mul3A_832 : i32
        %get3A_834 = arith.index_cast %mul3A_833 : i32 to index
        %get3A_835 = tpu.vector_load %arg7[%get3A_834] {strides = array<i32>} : memref<1024xf32, #tpu.memory_space<vmem>>, vector<16xf32>,
        %reduce_min3A_836 = arith.constant true
        %reduce_min3A_837 = vector.broadcast %reduce_min3A_836 : i1 to vector<16xi1>
        %reduce_min3A_838 = tpu.scan <min>, %get3A_835 masked %reduce_min3A_837 : vector<16xf32>, vector<16xi1> -> vector<16xf32>
        %reduce_min3A_839 = vector.extract %reduce_min3A_838[15] : f32 from vector<16xf32>
        %broadcast_in_dim3A_840 = vector.broadcast %select_n3A_787 : i32 to vector<16xi32>
        %broadcast_in_dim3A_841 = vector.broadcast %reduce_min3A_839 : f32 to vector<16xf32>
        tpu.vector_store_idx %arg8[%broadcast_in_dim3A_840], %broadcast_in_dim3A_841 masked %eq3A_1 : memref<64xf32, #tpu.memory_space<vmem>>[vector<16xi32>], vector<16xf32>, vector<16xi1>
        %scan3A_842 = arith.constant 0 : i32
        scf.yield %scan3A_842 : i32
      }
      %scan3A_602 = arith.constant 64 : i32
      %mul3A_603 = arith.constant 102400 : i32
      %mul3A_604 = arith.muli %shift_right_arithmetic3A_14, %mul3A_603 : i32
      %add3A_605 = vector.broadcast %mul3A_604 : i32 to vector<16xi32>
      %add3A_606 = arith.addi %add3A_605, %iota3A : vector<16xi32>
      %add3A_607 = arith.constant 0 : i32
      %add3A_608 = vector.broadcast %add3A_607 : i32 to vector<16xi32>
      %add3A_609 = arith.addi %add3A_606, %add3A_608 : vector<16xi32>
      %swap3A = arith.constant 0 : index
      %swap3A_610 = tpu.vector_load %arg10[%swap3A] {strides = array<i32>} : memref<64xi32, #tpu.memory_space<vmem>>, vector<16xi32>,
      tpu.vector_store %arg10[%swap3A], %add3A_609 {strides = array<i32>} : memref<64xi32, #tpu.memory_space<vmem>>, vector<16xi32>,
      %broadcast_in_dim3A_611 = arith.constant 0.000000e+00 : f32
      %broadcast_in_dim3A_612 = vector.broadcast %broadcast_in_dim3A_611 : f32 to vector<16xf32>
      %swap3A_613 = arith.constant 0 : index
      %swap3A_614 = tpu.vector_load %arg13[%swap3A_613] {strides = array<i32>} : memref<64xf32, #tpu.memory_space<vmem>>, vector<16xf32>,
      tpu.vector_store %arg13[%swap3A_613], %broadcast_in_dim3A_612 {strides = array<i32>} : memref<64xf32, #tpu.memory_space<vmem>>, vector<16xf32>,
      %mul3A_615 = arith.constant 102400 : i32
      %mul3A_616 = arith.muli %shift_right_arithmetic3A_14, %mul3A_615 : i32
      %add3A_617 = vector.broadcast %mul3A_616 : i32 to vector<16xi32>
      %add3A_618 = arith.addi %add3A_617, %iota3A : vector<16xi32>
      %add3A_619 = arith.constant 16 : i32
      %add3A_620 = vector.broadcast %add3A_619 : i32 to vector<16xi32>
      %add3A_621 = arith.addi %add3A_618, %add3A_620 : vector<16xi32>
      %swap3A_622 = arith.constant 16 : index
      %swap3A_623 = tpu.vector_load %arg10[%swap3A_622] {strides = array<i32>} : memref<64xi32, #tpu.memory_space<vmem>>, vector<16xi32>,
      tpu.vector_store %arg10[%swap3A_622], %add3A_621 {strides = array<i32>} : memref<64xi32, #tpu.memory_space<vmem>>, vector<16xi32>,
      %broadcast_in_dim3A_624 = arith.constant 0.000000e+00 : f32
      %broadcast_in_dim3A_625 = vector.broadcast %broadcast_in_dim3A_624 : f32 to vector<16xf32>
      %swap3A_626 = arith.constant 16 : index
      %swap3A_627 = tpu.vector_load %arg13[%swap3A_626] {strides = array<i32>} : memref<64xf32, #tpu.memory_space<vmem>>, vector<16xf32>,
      tpu.vector_store %arg13[%swap3A_626], %broadcast_in_dim3A_625 {strides = array<i32>} : memref<64xf32, #tpu.memory_space<vmem>>, vector<16xf32>,
      %mul3A_628 = arith.constant 102400 : i32
      %mul3A_629 = arith.muli %shift_right_arithmetic3A_14, %mul3A_628 : i32
      %add3A_630 = vector.broadcast %mul3A_629 : i32 to vector<16xi32>
      %add3A_631 = arith.addi %add3A_630, %iota3A : vector<16xi32>
      %add3A_632 = arith.constant 32 : i32
      %add3A_633 = vector.broadcast %add3A_632 : i32 to vector<16xi32>
      %add3A_634 = arith.addi %add3A_631, %add3A_633 : vector<16xi32>
      %swap3A_635 = arith.constant 32 : index
      %swap3A_636 = tpu.vector_load %arg10[%swap3A_635] {strides = array<i32>} : memref<64xi32, #tpu.memory_space<vmem>>, vector<16xi32>,
      tpu.vector_store %arg10[%swap3A_635], %add3A_634 {strides = array<i32>} : memref<64xi32, #tpu.memory_space<vmem>>, vector<16xi32>,
      %broadcast_in_dim3A_637 = arith.constant 0.000000e+00 : f32
      %broadcast_in_dim3A_638 = vector.broadcast %broadcast_in_dim3A_637 : f32 to vector<16xf32>
      %swap3A_639 = arith.constant 32 : index
      %swap3A_640 = tpu.vector_load %arg13[%swap3A_639] {strides = array<i32>} : memref<64xf32, #tpu.memory_space<vmem>>, vector<16xf32>,
      tpu.vector_store %arg13[%swap3A_639], %broadcast_in_dim3A_638 {strides = array<i32>} : memref<64xf32, #tpu.memory_space<vmem>>, vector<16xf32>,
      %mul3A_641 = arith.constant 102400 : i32
      %mul3A_642 = arith.muli %shift_right_arithmetic3A_14, %mul3A_641 : i32
      %add3A_643 = vector.broadcast %mul3A_642 : i32 to vector<16xi32>
      %add3A_644 = arith.addi %add3A_643, %iota3A : vector<16xi32>
      %add3A_645 = arith.constant 48 : i32
      %add3A_646 = vector.broadcast %add3A_645 : i32 to vector<16xi32>
      %add3A_647 = arith.addi %add3A_644, %add3A_646 : vector<16xi32>
      %swap3A_648 = arith.constant 48 : index
      %swap3A_649 = tpu.vector_load %arg10[%swap3A_648] {strides = array<i32>} : memref<64xi32, #tpu.memory_space<vmem>>, vector<16xi32>,
      tpu.vector_store %arg10[%swap3A_648], %add3A_647 {strides = array<i32>} : memref<64xi32, #tpu.memory_space<vmem>>, vector<16xi32>,
      %broadcast_in_dim3A_650 = arith.constant 0.000000e+00 : f32
      %broadcast_in_dim3A_651 = vector.broadcast %broadcast_in_dim3A_650 : f32 to vector<16xf32>
      %swap3A_652 = arith.constant 48 : index
      %swap3A_653 = tpu.vector_load %arg13[%swap3A_652] {strides = array<i32>} : memref<64xf32, #tpu.memory_space<vmem>>, vector<16xf32>,
      tpu.vector_store %arg13[%swap3A_652], %broadcast_in_dim3A_651 {strides = array<i32>} : memref<64xf32, #tpu.memory_space<vmem>>, vector<16xf32>,
      %dma_wait3A = arith.constant 0 : i32
      %dma_wait3A_654 = arith.constant 0 : i32
      %dma_wait3A_655 = arith.constant 0 : i32
      %dma_wait3A_656 = tpu.memref_slice %arg2[%dma_wait3A, %dma_wait3A_654, %dma_wait3A_655] : memref<8x64x102400xf32, #tpu.memory_space<hbm>> -> memref<1x64x128xf32, #tpu.memory_space<hbm>>
      %dma_wait3A_657 = tpu.memref_squeeze %dma_wait3A_656 : memref<1x64x128xf32, #tpu.memory_space<hbm>> -> memref<64x128xf32, #tpu.memory_space<hbm>>
      %dma_wait3A_658 = arith.constant 0 : i32
      %dma_wait3A_659 = arith.constant 0 : i32
      %dma_wait3A_660 = tpu.memref_slice %arg2[%dma_wait3A, %dma_wait3A_658, %dma_wait3A_659] : memref<8x64x102400xf32, #tpu.memory_space<hbm>> -> memref<1x64x128xf32, #tpu.memory_space<hbm>>
      %dma_wait3A_661 = tpu.memref_squeeze %dma_wait3A_660 : memref<1x64x128xf32, #tpu.memory_space<hbm>> -> memref<64x128xf32, #tpu.memory_space<hbm>>
      tpu.wait_dma2 semaphore(%arg15 : memref<!tpu.dma_semaphore, #tpu.memory_space<semaphore_mem>>) src(%dma_wait3A_661 : memref<64x128xf32, #tpu.memory_space<hbm>>) dst(%arg6 : memref<64x128xf32, #tpu.memory_space<vmem>>)
      %scan3A_662 = arith.constant 0 : i32
      %scan3A_663 = arith.constant 0 : i32
      %scan3A_664 = arith.constant 50 : i32
      %scan3A_665 = arith.addi %scan3A_663, %scan3A_664 : i32
      %scan3A_666 = arith.constant 1 : i32
      %scan3A_667 = scf.for %scan3A_717 = %scan3A_663 to %scan3A_665 step %scan3A_666 iter_args(%scan3A_718 = %scan3A_662) -> (i32)  : i32 {
        %get3A_719 = arith.constant 0 : index
        %get3A_720 = tpu.vector_load %arg9[%get3A_719] {strides = array<i32>} : memref<64xf32, #tpu.memory_space<vmem>>, vector<16xf32>,
        %get3A_721 = arith.constant 16 : index
        %get3A_722 = tpu.vector_load %arg9[%get3A_721] {strides = array<i32>} : memref<64xf32, #tpu.memory_space<vmem>>, vector<16xf32>,
        %get3A_723 = arith.constant 32 : index
        %get3A_724 = tpu.vector_load %arg9[%get3A_723] {strides = array<i32>} : memref<64xf32, #tpu.memory_space<vmem>>, vector<16xf32>,
        %get3A_725 = arith.constant 48 : index
        %get3A_726 = tpu.vector_load %arg9[%get3A_725] {strides = array<i32>} : memref<64xf32, #tpu.memory_space<vmem>>, vector<16xf32>,
        %min3A = arith.minimumf %get3A_720, %get3A_722 : vector<16xf32>
        %min3A_727 = arith.minimumf %get3A_724, %get3A_726 : vector<16xf32>
        %min3A_728 = arith.minimumf %min3A, %min3A_727 : vector<16xf32>
        %reduce_min3A_729 = arith.constant true
        %reduce_min3A_730 = vector.broadcast %reduce_min3A_729 : i1 to vector<16xi1>
        %reduce_min3A_731 = tpu.scan <min>, %min3A_728 masked %reduce_min3A_730 : vector<16xf32>, vector<16xi1> -> vector<16xf32>
        %reduce_min3A_732 = vector.extract %reduce_min3A_731[15] : f32 from vector<16xf32>
        %eq3A_733 = vector.broadcast %reduce_min3A_732 : f32 to vector<16xf32>
        %eq3A_734 = arith.cmpf oeq, %get3A_720, %eq3A_733 : vector<16xf32>
        %all_reduce_ffs3A = tpu.all_reduce %eq3A_734 {dim = 0 : i64, kind = #tpu.reduction_kind<find_first_set>} : vector<16xi1> -> vector<16xi32>
        %reduce_max3A = arith.constant true
        %reduce_max3A_735 = vector.broadcast %reduce_max3A : i1 to vector<16xi1>
        %reduce_max3A_736 = arith.constant -2147483648 : i32
        %reduce_max3A_737 = vector.broadcast %reduce_max3A_736 : i32 to vector<16xi32>
        %reduce_max3A_738 = arith.xori %all_reduce_ffs3A, %reduce_max3A_737 : vector<16xi32>
        %reduce_max3A_739 = tpu.scan <max>, %reduce_max3A_738 masked %reduce_max3A_735 : vector<16xi32>, vector<16xi1> -> vector<16xi32>
        %reduce_max3A_740 = arith.xori %reduce_max3A_739, %reduce_max3A_737 : vector<16xi32>
        %reduce_max3A_741 = vector.extract %reduce_max3A_740[15] : i32 from vector<16xi32>
        %eq3A_742 = vector.broadcast %reduce_min3A_732 : f32 to vector<16xf32>
        %eq3A_743 = arith.cmpf oeq, %get3A_722, %eq3A_742 : vector<16xf32>
        %all_reduce_ffs3A_744 = tpu.all_reduce %eq3A_743 {dim = 0 : i64, kind = #tpu.reduction_kind<find_first_set>} : vector<16xi1> -> vector<16xi32>
        %reduce_max3A_745 = arith.constant true
        %reduce_max3A_746 = vector.broadcast %reduce_max3A_745 : i1 to vector<16xi1>
        %reduce_max3A_747 = arith.constant -2147483648 : i32
        %reduce_max3A_748 = vector.broadcast %reduce_max3A_747 : i32 to vector<16xi32>
        %reduce_max3A_749 = arith.xori %all_reduce_ffs3A_744, %reduce_max3A_748 : vector<16xi32>
        %reduce_max3A_750 = tpu.scan <max>, %reduce_max3A_749 masked %reduce_max3A_746 : vector<16xi32>, vector<16xi1> -> vector<16xi32>
        %reduce_max3A_751 = arith.xori %reduce_max3A_750, %reduce_max3A_748 : vector<16xi32>
        %reduce_max3A_752 = vector.extract %reduce_max3A_751[15] : i32 from vector<16xi32>
        %eq3A_753 = vector.broadcast %reduce_min3A_732 : f32 to vector<16xf32>
        %eq3A_754 = arith.cmpf oeq, %get3A_724, %eq3A_753 : vector<16xf32>
        %all_reduce_ffs3A_755 = tpu.all_reduce %eq3A_754 {dim = 0 : i64, kind = #tpu.reduction_kind<find_first_set>} : vector<16xi1> -> vector<16xi32>
        %reduce_max3A_756 = arith.constant true
        %reduce_max3A_757 = vector.broadcast %reduce_max3A_756 : i1 to vector<16xi1>
        %reduce_max3A_758 = arith.constant -2147483648 : i32
        %reduce_max3A_759 = vector.broadcast %reduce_max3A_758 : i32 to vector<16xi32>
        %reduce_max3A_760 = arith.xori %all_reduce_ffs3A_755, %reduce_max3A_759 : vector<16xi32>
        %reduce_max3A_761 = tpu.scan <max>, %reduce_max3A_760 masked %reduce_max3A_757 : vector<16xi32>, vector<16xi1> -> vector<16xi32>
        %reduce_max3A_762 = arith.xori %reduce_max3A_761, %reduce_max3A_759 : vector<16xi32>
        %reduce_max3A_763 = vector.extract %reduce_max3A_762[15] : i32 from vector<16xi32>
        %eq3A_764 = vector.broadcast %reduce_min3A_732 : f32 to vector<16xf32>
        %eq3A_765 = arith.cmpf oeq, %get3A_726, %eq3A_764 : vector<16xf32>
        %all_reduce_ffs3A_766 = tpu.all_reduce %eq3A_765 {dim = 0 : i64, kind = #tpu.reduction_kind<find_first_set>} : vector<16xi1> -> vector<16xi32>
        %reduce_max3A_767 = arith.constant true
        %reduce_max3A_768 = vector.broadcast %reduce_max3A_767 : i1 to vector<16xi1>
        %reduce_max3A_769 = arith.constant -2147483648 : i32
        %reduce_max3A_770 = vector.broadcast %reduce_max3A_769 : i32 to vector<16xi32>
        %reduce_max3A_771 = arith.xori %all_reduce_ffs3A_766, %reduce_max3A_770 : vector<16xi32>
        %reduce_max3A_772 = tpu.scan <max>, %reduce_max3A_771 masked %reduce_max3A_768 : vector<16xi32>, vector<16xi1> -> vector<16xi32>
        %reduce_max3A_773 = arith.xori %reduce_max3A_772, %reduce_max3A_770 : vector<16xi32>
        %reduce_max3A_774 = vector.extract %reduce_max3A_773[15] : i32 from vector<16xi32>
        %lt3A = arith.constant 16 : i32
        %lt3A_775 = arith.cmpi slt, %reduce_max3A_741, %lt3A : i32
        %lt3A_776 = arith.constant 16 : i32
        %lt3A_777 = arith.cmpi slt, %reduce_max3A_752, %lt3A_776 : i32
        %add3A_778 = arith.constant 16 : i32
        %add3A_779 = arith.addi %add3A_778, %reduce_max3A_752 : i32
        %lt3A_780 = arith.constant 16 : i32
        %lt3A_781 = arith.cmpi slt, %reduce_max3A_763, %lt3A_780 : i32
        %add3A_782 = arith.constant 32 : i32
        %add3A_783 = arith.addi %add3A_782, %reduce_max3A_763 : i32
        %add3A_784 = arith.constant 48 : i32
        %add3A_785 = arith.addi %add3A_784, %reduce_max3A_774 : i32
        %select_n3A = arith.select %lt3A_781, %add3A_783, %add3A_785 : i32
        %select_n3A_786 = arith.select %lt3A_777, %add3A_779, %select_n3A : i32
        %select_n3A_787 = arith.select %lt3A_775, %reduce_max3A_741, %select_n3A_786 : i32
        %get3A_788 = arith.index_cast %select_n3A_787 : i32 to index
        %get3A_789 = memref.load %arg14[%get3A_788] : memref<64xi32, #tpu.memory_space<smem>>
        %broadcast_in_dim3A_790 = vector.broadcast %select_n3A_787 : i32 to vector<16xi32>
        %add3A_791 = arith.constant 0 : i32
        %add3A_792 = vector.broadcast %add3A_791 : i32 to vector<16xi32>
        %add3A_793 = arith.addi %iota3A, %add3A_792 : vector<16xi32>
        %gather3A = tpu.vector_load_idx %arg6[%broadcast_in_dim3A_790, %add3A_793] : memref<64x128xf32, #tpu.memory_space<vmem>>[vector<16xi32>, vector<16xi32>], vector<16xf32>,
        %eq3A_794 = vector.broadcast %reduce_min3A_732 : f32 to vector<16xf32>
        %eq3A_795 = arith.cmpf oeq, %gather3A, %eq3A_794 : vector<16xf32>
        %all_reduce_ffs3A_796 = tpu.all_reduce %eq3A_795 {dim = 0 : i64, kind = #tpu.reduction_kind<find_first_set>} : vector<16xi1> -> vector<16xi32>
        %reduce_max3A_797 = arith.constant true
        %reduce_max3A_798 = vector.broadcast %reduce_max3A_797 : i1 to vector<16xi1>
        %reduce_max3A_799 = arith.constant -2147483648 : i32
        %reduce_max3A_800 = vector.broadcast %reduce_max3A_799 : i32 to vector<16xi32>
        %reduce_max3A_801 = arith.xori %all_reduce_ffs3A_796, %reduce_max3A_800 : vector<16xi32>
        %reduce_max3A_802 = tpu.scan <max>, %reduce_max3A_801 masked %reduce_max3A_798 : vector<16xi32>, vector<16xi1> -> vector<16xi32>
        %reduce_max3A_803 = arith.xori %reduce_max3A_802, %reduce_max3A_800 : vector<16xi32>
        %reduce_max3A_804 = vector.extract %reduce_max3A_803[15] : i32 from vector<16xi32>
        %lt3A_805 = arith.constant -1 : i32
        %lt3A_806 = arith.constant 0 : i32
        %lt3A_807 = arith.cmpi slt, %lt3A_805, %lt3A_806 : i32
        %lt3A_808 = arith.constant 16 : i32
        %lt3A_809 = arith.cmpi slt, %reduce_max3A_804, %lt3A_808 : i32
        %and3A_810 = arith.andi %lt3A_807, %lt3A_809 : i1
        %add3A_811 = arith.constant 0 : i32
        %add3A_812 = arith.addi %add3A_811, %reduce_max3A_804 : i32
        %jit3A = arith.constant -1 : i32
        %select_n3A_813 = arith.select %and3A_810, %add3A_812, %jit3A : i32
        %add3A_814 = arith.constant 16 : i32
        %add3A_815 = vector.broadcast %add3A_814 : i32 to vector<16xi32>
        %add3A_816 = arith.addi %iota3A, %add3A_815 : vector<16xi32>
        %gather3A_817 = tpu.vector_load_idx %arg6[%broadcast_in_dim3A_790, %add3A_816] : memref<64x128xf32, #tpu.memory_space<vmem>>[vector<16xi32>, vector<16xi32>], vector<16xf32>,
        %eq3A_818 = vector.broadcast %reduce_min3A_732 : f32 to vector<16xf32>
        %eq3A_819 = arith.cmpf oeq, %gather3A_817, %eq3A_818 : vector<16xf32>
        %all_reduce_ffs3A_820 = tpu.all_reduce %eq3A_819 {dim = 0 : i64, kind = #tpu.reduction_kind<find_first_set>} : vector<16xi1> -> vector<16xi32>
        %reduce_max3A_821 = arith.constant true
        %reduce_max3A_822 = vector.broadcast %reduce_max3A_821 : i1 to vector<16xi1>
        %reduce_max3A_823 = arith.constant -2147483648 : i32
        %reduce_max3A_824 = vector.broadcast %reduce_max3A_823 : i32 to vector<16xi32>
        %reduce_max3A_825 = arith.xori %all_reduce_ffs3A_820, %reduce_max3A_824 : vector<16xi32>
        %reduce_max3A_826 = tpu.scan <max>, %reduce_max3A_825 masked %reduce_max3A_822 : vector<16xi32>, vector<16xi1> -> vector<16xi32>
        %reduce_max3A_827 = arith.xori %reduce_max3A_826, %reduce_max3A_824 : vector<16xi32>
        %reduce_max3A_828 = vector.extract %reduce_max3A_827[15] : i32 from vector<16xi32>
        %lt3A_829 = arith.constant 0 : i32
        %lt3A_830 = arith.cmpi slt, %select_n3A_813, %lt3A_829 : i32
        %lt3A_831 = arith.constant 16 : i32
        %lt3A_832 = arith.cmpi slt, %reduce_max3A_828, %lt3A_831 : i32
        %and3A_833 = arith.andi %lt3A_830, %lt3A_832 : i1
        %add3A_834 = arith.constant 16 : i32
        %add3A_835 = arith.addi %add3A_834, %reduce_max3A_828 : i32
        %select_n3A_836 = arith.select %and3A_833, %add3A_835, %select_n3A_813 : i32
        %add3A_837 = arith.constant 32 : i32
        %add3A_838 = vector.broadcast %add3A_837 : i32 to vector<16xi32>
        %add3A_839 = arith.addi %iota3A, %add3A_838 : vector<16xi32>
        %gather3A_840 = tpu.vector_load_idx %arg6[%broadcast_in_dim3A_790, %add3A_839] : memref<64x128xf32, #tpu.memory_space<vmem>>[vector<16xi32>, vector<16xi32>], vector<16xf32>,
        %eq3A_841 = vector.broadcast %reduce_min3A_732 : f32 to vector<16xf32>
        %eq3A_842 = arith.cmpf oeq, %gather3A_840, %eq3A_841 : vector<16xf32>
        %all_reduce_ffs3A_843 = tpu.all_reduce %eq3A_842 {dim = 0 : i64, kind = #tpu.reduction_kind<find_first_set>} : vector<16xi1> -> vector<16xi32>
        %reduce_max3A_844 = arith.constant true
        %reduce_max3A_845 = vector.broadcast %reduce_max3A_844 : i1 to vector<16xi1>
        %reduce_max3A_846 = arith.constant -2147483648 : i32
        %reduce_max3A_847 = vector.broadcast %reduce_max3A_846 : i32 to vector<16xi32>
        %reduce_max3A_848 = arith.xori %all_reduce_ffs3A_843, %reduce_max3A_847 : vector<16xi32>
        %reduce_max3A_849 = tpu.scan <max>, %reduce_max3A_848 masked %reduce_max3A_845 : vector<16xi32>, vector<16xi1> -> vector<16xi32>
        %reduce_max3A_850 = arith.xori %reduce_max3A_849, %reduce_max3A_847 : vector<16xi32>
        %reduce_max3A_851 = vector.extract %reduce_max3A_850[15] : i32 from vector<16xi32>
        %lt3A_852 = arith.constant 0 : i32
        %lt3A_853 = arith.cmpi slt, %select_n3A_836, %lt3A_852 : i32
        %lt3A_854 = arith.constant 16 : i32
        %lt3A_855 = arith.cmpi slt, %reduce_max3A_851, %lt3A_854 : i32
        %and3A_856 = arith.andi %lt3A_853, %lt3A_855 : i1
        %add3A_857 = arith.constant 32 : i32
        %add3A_858 = arith.addi %add3A_857, %reduce_max3A_851 : i32
        %select_n3A_859 = arith.select %and3A_856, %add3A_858, %select_n3A_836 : i32
        %add3A_860 = arith.constant 48 : i32
        %add3A_861 = vector.broadcast %add3A_860 : i32 to vector<16xi32>
        %add3A_862 = arith.addi %iota3A, %add3A_861 : vector<16xi32>
        %gather3A_863 = tpu.vector_load_idx %arg6[%broadcast_in_dim3A_790, %add3A_862] : memref<64x128xf32, #tpu.memory_space<vmem>>[vector<16xi32>, vector<16xi32>], vector<16xf32>,
        %eq3A_864 = vector.broadcast %reduce_min3A_732 : f32 to vector<16xf32>
        %eq3A_865 = arith.cmpf oeq, %gather3A_863, %eq3A_864 : vector<16xf32>
        %all_reduce_ffs3A_866 = tpu.all_reduce %eq3A_865 {dim = 0 : i64, kind = #tpu.reduction_kind<find_first_set>} : vector<16xi1> -> vector<16xi32>
        %reduce_max3A_867 = arith.constant true
        %reduce_max3A_868 = vector.broadcast %reduce_max3A_867 : i1 to vector<16xi1>
        %reduce_max3A_869 = arith.constant -2147483648 : i32
        %reduce_max3A_870 = vector.broadcast %reduce_max3A_869 : i32 to vector<16xi32>
        %reduce_max3A_871 = arith.xori %all_reduce_ffs3A_866, %reduce_max3A_870 : vector<16xi32>
        %reduce_max3A_872 = tpu.scan <max>, %reduce_max3A_871 masked %reduce_max3A_868 : vector<16xi32>, vector<16xi1> -> vector<16xi32>
        %reduce_max3A_873 = arith.xori %reduce_max3A_872, %reduce_max3A_870 : vector<16xi32>
        %reduce_max3A_874 = vector.extract %reduce_max3A_873[15] : i32 from vector<16xi32>
        %lt3A_875 = arith.constant 0 : i32
        %lt3A_876 = arith.cmpi slt, %select_n3A_859, %lt3A_875 : i32
        %lt3A_877 = arith.constant 16 : i32
        %lt3A_878 = arith.cmpi slt, %reduce_max3A_874, %lt3A_877 : i32
        %and3A_879 = arith.andi %lt3A_876, %lt3A_878 : i1
        %add3A_880 = arith.constant 48 : i32
        %add3A_881 = arith.addi %add3A_880, %reduce_max3A_874 : i32
        %select_n3A_882 = arith.select %and3A_879, %add3A_881, %select_n3A_859 : i32
        %add3A_883 = arith.constant 64 : i32
        %add3A_884 = vector.broadcast %add3A_883 : i32 to vector<16xi32>
        %add3A_885 = arith.addi %iota3A, %add3A_884 : vector<16xi32>
        %gather3A_886 = tpu.vector_load_idx %arg6[%broadcast_in_dim3A_790, %add3A_885] : memref<64x128xf32, #tpu.memory_space<vmem>>[vector<16xi32>, vector<16xi32>], vector<16xf32>,
        %eq3A_887 = vector.broadcast %reduce_min3A_732 : f32 to vector<16xf32>
        %eq3A_888 = arith.cmpf oeq, %gather3A_886, %eq3A_887 : vector<16xf32>
        %all_reduce_ffs3A_889 = tpu.all_reduce %eq3A_888 {dim = 0 : i64, kind = #tpu.reduction_kind<find_first_set>} : vector<16xi1> -> vector<16xi32>
        %reduce_max3A_890 = arith.constant true
        %reduce_max3A_891 = vector.broadcast %reduce_max3A_890 : i1 to vector<16xi1>
        %reduce_max3A_892 = arith.constant -2147483648 : i32
        %reduce_max3A_893 = vector.broadcast %reduce_max3A_892 : i32 to vector<16xi32>
        %reduce_max3A_894 = arith.xori %all_reduce_ffs3A_889, %reduce_max3A_893 : vector<16xi32>
        %reduce_max3A_895 = tpu.scan <max>, %reduce_max3A_894 masked %reduce_max3A_891 : vector<16xi32>, vector<16xi1> -> vector<16xi32>
        %reduce_max3A_896 = arith.xori %reduce_max3A_895, %reduce_max3A_893 : vector<16xi32>
        %reduce_max3A_897 = vector.extract %reduce_max3A_896[15] : i32 from vector<16xi32>
        %lt3A_898 = arith.constant 0 : i32
        %lt3A_899 = arith.cmpi slt, %select_n3A_882, %lt3A_898 : i32
        %lt3A_900 = arith.constant 16 : i32
        %lt3A_901 = arith.cmpi slt, %reduce_max3A_897, %lt3A_900 : i32
        %and3A_902 = arith.andi %lt3A_899, %lt3A_901 : i1
        %add3A_903 = arith.constant 64 : i32
        %add3A_904 = arith.addi %add3A_903, %reduce_max3A_897 : i32
        %select_n3A_905 = arith.select %and3A_902, %add3A_904, %select_n3A_882 : i32
        %add3A_906 = arith.constant 80 : i32
        %add3A_907 = vector.broadcast %add3A_906 : i32 to vector<16xi32>
        %add3A_908 = arith.addi %iota3A, %add3A_907 : vector<16xi32>
        %gather3A_909 = tpu.vector_load_idx %arg6[%broadcast_in_dim3A_790, %add3A_908] : memref<64x128xf32, #tpu.memory_space<vmem>>[vector<16xi32>, vector<16xi32>], vector<16xf32>,
        %eq3A_910 = vector.broadcast %reduce_min3A_732 : f32 to vector<16xf32>
        %eq3A_911 = arith.cmpf oeq, %gather3A_909, %eq3A_910 : vector<16xf32>
        %all_reduce_ffs3A_912 = tpu.all_reduce %eq3A_911 {dim = 0 : i64, kind = #tpu.reduction_kind<find_first_set>} : vector<16xi1> -> vector<16xi32>
        %reduce_max3A_913 = arith.constant true
        %reduce_max3A_914 = vector.broadcast %reduce_max3A_913 : i1 to vector<16xi1>
        %reduce_max3A_915 = arith.constant -2147483648 : i32
        %reduce_max3A_916 = vector.broadcast %reduce_max3A_915 : i32 to vector<16xi32>
        %reduce_max3A_917 = arith.xori %all_reduce_ffs3A_912, %reduce_max3A_916 : vector<16xi32>
        %reduce_max3A_918 = tpu.scan <max>, %reduce_max3A_917 masked %reduce_max3A_914 : vector<16xi32>, vector<16xi1> -> vector<16xi32>
        %reduce_max3A_919 = arith.xori %reduce_max3A_918, %reduce_max3A_916 : vector<16xi32>
        %reduce_max3A_920 = vector.extract %reduce_max3A_919[15] : i32 from vector<16xi32>
        %lt3A_921 = arith.constant 0 : i32
        %lt3A_922 = arith.cmpi slt, %select_n3A_905, %lt3A_921 : i32
        %lt3A_923 = arith.constant 16 : i32
        %lt3A_924 = arith.cmpi slt, %reduce_max3A_920, %lt3A_923 : i32
        %and3A_925 = arith.andi %lt3A_922, %lt3A_924 : i1
        %add3A_926 = arith.constant 80 : i32
        %add3A_927 = arith.addi %add3A_926, %reduce_max3A_920 : i32
        %select_n3A_928 = arith.select %and3A_925, %add3A_927, %select_n3A_905 : i32
        %add3A_929 = arith.constant 96 : i32
        %add3A_930 = vector.broadcast %add3A_929 : i32 to vector<16xi32>
        %add3A_931 = arith.addi %iota3A, %add3A_930 : vector<16xi32>
        %gather3A_932 = tpu.vector_load_idx %arg6[%broadcast_in_dim3A_790, %add3A_931] : memref<64x128xf32, #tpu.memory_space<vmem>>[vector<16xi32>, vector<16xi32>], vector<16xf32>,
        %eq3A_933 = vector.broadcast %reduce_min3A_732 : f32 to vector<16xf32>
        %eq3A_934 = arith.cmpf oeq, %gather3A_932, %eq3A_933 : vector<16xf32>
        %all_reduce_ffs3A_935 = tpu.all_reduce %eq3A_934 {dim = 0 : i64, kind = #tpu.reduction_kind<find_first_set>} : vector<16xi1> -> vector<16xi32>
        %reduce_max3A_936 = arith.constant true
        %reduce_max3A_937 = vector.broadcast %reduce_max3A_936 : i1 to vector<16xi1>
        %reduce_max3A_938 = arith.constant -2147483648 : i32
        %reduce_max3A_939 = vector.broadcast %reduce_max3A_938 : i32 to vector<16xi32>
        %reduce_max3A_940 = arith.xori %all_reduce_ffs3A_935, %reduce_max3A_939 : vector<16xi32>
        %reduce_max3A_941 = tpu.scan <max>, %reduce_max3A_940 masked %reduce_max3A_937 : vector<16xi32>, vector<16xi1> -> vector<16xi32>
        %reduce_max3A_942 = arith.xori %reduce_max3A_941, %reduce_max3A_939 : vector<16xi32>
        %reduce_max3A_943 = vector.extract %reduce_max3A_942[15] : i32 from vector<16xi32>
        %lt3A_944 = arith.constant 0 : i32
        %lt3A_945 = arith.cmpi slt, %select_n3A_928, %lt3A_944 : i32
        %lt3A_946 = arith.constant 16 : i32
        %lt3A_947 = arith.cmpi slt, %reduce_max3A_943, %lt3A_946 : i32
        %and3A_948 = arith.andi %lt3A_945, %lt3A_947 : i1
        %add3A_949 = arith.constant 96 : i32
        %add3A_950 = arith.addi %add3A_949, %reduce_max3A_943 : i32
        %select_n3A_951 = arith.select %and3A_948, %add3A_950, %select_n3A_928 : i32
        %add3A_952 = arith.constant 112 : i32
        %add3A_953 = vector.broadcast %add3A_952 : i32 to vector<16xi32>
        %add3A_954 = arith.addi %iota3A, %add3A_953 : vector<16xi32>
        %gather3A_955 = tpu.vector_load_idx %arg6[%broadcast_in_dim3A_790, %add3A_954] : memref<64x128xf32, #tpu.memory_space<vmem>>[vector<16xi32>, vector<16xi32>], vector<16xf32>,
        %eq3A_956 = vector.broadcast %reduce_min3A_732 : f32 to vector<16xf32>
        %eq3A_957 = arith.cmpf oeq, %gather3A_955, %eq3A_956 : vector<16xf32>
        %all_reduce_ffs3A_958 = tpu.all_reduce %eq3A_957 {dim = 0 : i64, kind = #tpu.reduction_kind<find_first_set>} : vector<16xi1> -> vector<16xi32>
        %reduce_max3A_959 = arith.constant true
        %reduce_max3A_960 = vector.broadcast %reduce_max3A_959 : i1 to vector<16xi1>
        %reduce_max3A_961 = arith.constant -2147483648 : i32
        %reduce_max3A_962 = vector.broadcast %reduce_max3A_961 : i32 to vector<16xi32>
        %reduce_max3A_963 = arith.xori %all_reduce_ffs3A_958, %reduce_max3A_962 : vector<16xi32>
        %reduce_max3A_964 = tpu.scan <max>, %reduce_max3A_963 masked %reduce_max3A_960 : vector<16xi32>, vector<16xi1> -> vector<16xi32>
        %reduce_max3A_965 = arith.xori %reduce_max3A_964, %reduce_max3A_962 : vector<16xi32>
        %reduce_max3A_966 = vector.extract %reduce_max3A_965[15] : i32 from vector<16xi32>
        %lt3A_967 = arith.constant 0 : i32
        %lt3A_968 = arith.cmpi slt, %select_n3A_951, %lt3A_967 : i32
        %lt3A_969 = arith.constant 16 : i32
        %lt3A_970 = arith.cmpi slt, %reduce_max3A_966, %lt3A_969 : i32
        %and3A_971 = arith.andi %lt3A_968, %lt3A_970 : i1
        %add3A_972 = arith.constant 112 : i32
        %add3A_973 = arith.addi %add3A_972, %reduce_max3A_966 : i32
        %select_n3A_974 = arith.select %and3A_971, %add3A_973, %select_n3A_951 : i32
        %add3A_975 = arith.addi %get3A_789, %select_n3A_974 : i32
        %mul3A_976 = arith.constant 102400 : i32
        %mul3A_977 = arith.muli %shift_right_arithmetic3A_14, %mul3A_976 : i32
        %min3A_978 = arith.constant 99999 : i32
        %min3A_979 = arith.minsi %add3A_975, %min3A_978 : i32
        %add3A_980 = arith.addi %mul3A_977, %min3A_979 : i32
        %broadcast_in_dim3A_981 = vector.broadcast %scan3A_717 : i32 to vector<16xi32>
        %broadcast_in_dim3A_982 = vector.broadcast %add3A_980 : i32 to vector<16xi32>
        tpu.vector_store_idx %arg10[%broadcast_in_dim3A_981], %broadcast_in_dim3A_982 masked %eq3A_1 : memref<64xi32, #tpu.memory_space<vmem>>[vector<16xi32>], vector<16xi32>, vector<16xi1>
        %max3A = arith.constant 0.000000e+00 : f32
        %max3A_983 = arith.maximumf %reduce_min3A_732, %max3A : f32
        %add3A_984 = arith.constant 1.000000e-03 : f32
        %add3A_985 = arith.addf %max3A_983, %add3A_984 : f32
        %broadcast_in_dim3A_986 = vector.broadcast %add3A_985 : f32 to vector<16xf32>
        %div3A_987 = arith.constant 1.000000e+00 : f32
        %div3A_988 = vector.broadcast %div3A_987 : f32 to vector<16xf32>
        %div3A_989 = arith.divf %div3A_988, %broadcast_in_dim3A_986 : vector<16xf32>
        %broadcast_in_dim3A_990 = vector.broadcast %scan3A_717 : i32 to vector<16xi32>
        tpu.vector_store_idx %arg13[%broadcast_in_dim3A_990], %div3A_989 masked %eq3A_1 : memref<64xf32, #tpu.memory_space<vmem>>[vector<16xi32>], vector<16xf32>, vector<16xi1>
        %broadcast_in_dim3A_991 = vector.broadcast %select_n3A_974 : i32 to vector<16xi32>
        %broadcast_in_dim3A_992 = arith.constant 3.000000e+38 : f32
        %broadcast_in_dim3A_993 = vector.broadcast %broadcast_in_dim3A_992 : f32 to vector<16xf32>
        tpu.vector_store_idx %arg6[%broadcast_in_dim3A_790, %broadcast_in_dim3A_991], %broadcast_in_dim3A_993 masked %eq3A_1 : memref<64x128xf32, #tpu.memory_space<vmem>>[vector<16xi32>, vector<16xi32>], vector<16xf32>, vector<16xi1>
        %gather3A_994 = tpu.vector_load_idx %arg6[%broadcast_in_dim3A_790, %iota3A] : memref<64x128xf32, #tpu.memory_space<vmem>>[vector<16xi32>, vector<16xi32>], vector<16xf32>,
        %add3A_995 = arith.constant 16 : i32
        %add3A_996 = vector.broadcast %add3A_995 : i32 to vector<16xi32>
        %add3A_997 = arith.addi %iota3A, %add3A_996 : vector<16xi32>
        %gather3A_998 = tpu.vector_load_idx %arg6[%broadcast_in_dim3A_790, %add3A_997] : memref<64x128xf32, #tpu.memory_space<vmem>>[vector<16xi32>, vector<16xi32>], vector<16xf32>,
        %min3A_999 = arith.minimumf %gather3A_994, %gather3A_998 : vector<16xf32>
        %add3A_1000 = arith.constant 32 : i32
        %add3A_1001 = vector.broadcast %add3A_1000 : i32 to vector<16xi32>
        %add3A_1002 = arith.addi %iota3A, %add3A_1001 : vector<16xi32>
        %gather3A_1003 = tpu.vector_load_idx %arg6[%broadcast_in_dim3A_790, %add3A_1002] : memref<64x128xf32, #tpu.memory_space<vmem>>[vector<16xi32>, vector<16xi32>], vector<16xf32>,
        %min3A_1004 = arith.minimumf %min3A_999, %gather3A_1003 : vector<16xf32>
        %add3A_1005 = arith.constant 48 : i32
        %add3A_1006 = vector.broadcast %add3A_1005 : i32 to vector<16xi32>
        %add3A_1007 = arith.addi %iota3A, %add3A_1006 : vector<16xi32>
        %gather3A_1008 = tpu.vector_load_idx %arg6[%broadcast_in_dim3A_790, %add3A_1007] : memref<64x128xf32, #tpu.memory_space<vmem>>[vector<16xi32>, vector<16xi32>], vector<16xf32>,
        %min3A_1009 = arith.minimumf %min3A_1004, %gather3A_1008 : vector<16xf32>
        %add3A_1010 = arith.constant 64 : i32
        %add3A_1011 = vector.broadcast %add3A_1010 : i32 to vector<16xi32>
        %add3A_1012 = arith.addi %iota3A, %add3A_1011 : vector<16xi32>
        %gather3A_1013 = tpu.vector_load_idx %arg6[%broadcast_in_dim3A_790, %add3A_1012] : memref<64x128xf32, #tpu.memory_space<vmem>>[vector<16xi32>, vector<16xi32>], vector<16xf32>,
        %min3A_1014 = arith.minimumf %min3A_1009, %gather3A_1013 : vector<16xf32>
        %add3A_1015 = arith.constant 80 : i32
        %add3A_1016 = vector.broadcast %add3A_1015 : i32 to vector<16xi32>
        %add3A_1017 = arith.addi %iota3A, %add3A_1016 : vector<16xi32>
        %gather3A_1018 = tpu.vector_load_idx %arg6[%broadcast_in_dim3A_790, %add3A_1017] : memref<64x128xf32, #tpu.memory_space<vmem>>[vector<16xi32>, vector<16xi32>], vector<16xf32>,
        %min3A_1019 = arith.minimumf %min3A_1014, %gather3A_1018 : vector<16xf32>
        %add3A_1020 = arith.constant 96 : i32
        %add3A_1021 = vector.broadcast %add3A_1020 : i32 to vector<16xi32>
        %add3A_1022 = arith.addi %iota3A, %add3A_1021 : vector<16xi32>
        %gather3A_1023 = tpu.vector_load_idx %arg6[%broadcast_in_dim3A_790, %add3A_1022] : memref<64x128xf32, #tpu.memory_space<vmem>>[vector<16xi32>, vector<16xi32>], vector<16xf32>,
        %min3A_1024 = arith.minimumf %min3A_1019, %gather3A_1023 : vector<16xf32>
        %add3A_1025 = arith.constant 112 : i32
        %add3A_1026 = vector.broadcast %add3A_1025 : i32 to vector<16xi32>
        %add3A_1027 = arith.addi %iota3A, %add3A_1026 : vector<16xi32>
        %gather3A_1028 = tpu.vector_load_idx %arg6[%broadcast_in_dim3A_790, %add3A_1027] : memref<64x128xf32, #tpu.memory_space<vmem>>[vector<16xi32>, vector<16xi32>], vector<16xf32>,
        %min3A_1029 = arith.minimumf %min3A_1024, %gather3A_1028 : vector<16xf32>
        %reduce_min3A_1030 = arith.constant true
        %reduce_min3A_1031 = vector.broadcast %reduce_min3A_1030 : i1 to vector<16xi1>
        %reduce_min3A_1032 = tpu.scan <min>, %min3A_1029 masked %reduce_min3A_1031 : vector<16xf32>, vector<16xi1> -> vector<16xf32>
        %reduce_min3A_1033 = vector.extract %reduce_min3A_1032[15] : f32 from vector<16xf32>
        %broadcast_in_dim3A_1034 = vector.broadcast %select_n3A_787 : i32 to vector<16xi32>
        %broadcast_in_dim3A_1035 = vector.broadcast %reduce_min3A_1033 : f32 to vector<16xf32>
        tpu.vector_store_idx %arg9[%broadcast_in_dim3A_1034], %broadcast_in_dim3A_1035 masked %eq3A_1 : memref<64xf32, #tpu.memory_space<vmem>>[vector<16xi32>], vector<16xf32>, vector<16xi1>
        %scan3A_1036 = arith.constant 0 : i32
        scf.yield %scan3A_1036 : i32
      }
      %scan3A_668 = arith.constant 50 : i32
      %dma_start3A = arith.constant 0 : i32
      %dma_start3A_669 = arith.constant 0 : i32
      %dma_start3A_670 = tpu.memref_slice %arg4[%dma_start3A, %dma_start3A_669] : memref<819200x128xf32, #tpu.memory_space<hbm>> -> memref<819200x128xf32, #tpu.memory_space<hbm>>
      tpu.enqueue_indirect_dma source(%dma_start3A_670 : memref<819200x128xf32, #tpu.memory_space<hbm>>) target(%arg11 : memref<64x128xf32, #tpu.memory_space<vmem>>) offsets(%arg10 : memref<64xi32, #tpu.memory_space<vmem>>) semaphore(%arg15 : memref<!tpu.dma_semaphore, #tpu.memory_space<semaphore_mem>>)
      %dma_wait3A_671 = arith.constant 0 : i32
      %dma_wait3A_672 = arith.constant 0 : i32
      %dma_wait3A_673 = tpu.memref_slice %arg4[%dma_wait3A_671, %dma_wait3A_672] : memref<819200x128xf32, #tpu.memory_space<hbm>> -> memref<819200x128xf32, #tpu.memory_space<hbm>>
      tpu.wait_indirect_dma semaphore(%arg15 : memref<!tpu.dma_semaphore, #tpu.memory_space<semaphore_mem>>) src(%dma_wait3A_673 : memref<819200x128xf32, #tpu.memory_space<hbm>>) dst(%arg11 : memref<64x128xf32, #tpu.memory_space<vmem>>)
      %broadcast_in_dim3A_674 = arith.constant 0.000000e+00 : f32
      %broadcast_in_dim3A_675 = vector.broadcast %broadcast_in_dim3A_674 : f32 to vector<16xf32>
      %scan3A_676 = arith.constant 0 : i32
      %scan3A_677 = arith.constant 64 : i32
      %scan3A_678 = arith.addi %scan3A_676, %scan3A_677 : i32
      %scan3A_679 = arith.constant 1 : i32
      %scan3A_680:4 = scf.for %scan3A_717 = %scan3A_676 to %scan3A_678 step %scan3A_679 iter_args(%scan3A_718 = %broadcast_in_dim3A_675, %scan3A_719 = %broadcast_in_dim3A_675, %scan3A_720 = %broadcast_in_dim3A_675, %scan3A_721 = %broadcast_in_dim3A_675) -> (vector<16xf32>, vector<16xf32>, vector<16xf32>, vector<16xf32>)  : i32 {
        %broadcast_in_dim3A_722 = vector.broadcast %scan3A_717 : i32 to vector<16xi32>
        %gather3A = tpu.vector_load_idx %arg13[%broadcast_in_dim3A_722] : memref<64xf32, #tpu.memory_space<vmem>>[vector<16xi32>], vector<16xf32>,
        %add3A_723 = arith.constant 0 : i32
        %add3A_724 = vector.broadcast %add3A_723 : i32 to vector<16xi32>
        %add3A_725 = arith.addi %iota3A, %add3A_724 : vector<16xi32>
        %gather3A_726 = tpu.vector_load_idx %arg11[%broadcast_in_dim3A_722, %add3A_725] : memref<64x128xf32, #tpu.memory_space<vmem>>[vector<16xi32>, vector<16xi32>], vector<16xf32>,
        %mul3A_727 = arith.mulf %gather3A, %gather3A_726 : vector<16xf32>
        %add3A_728 = arith.addf %scan3A_718, %mul3A_727 : vector<16xf32>
        %add3A_729 = arith.constant 16 : i32
        %add3A_730 = vector.broadcast %add3A_729 : i32 to vector<16xi32>
        %add3A_731 = arith.addi %iota3A, %add3A_730 : vector<16xi32>
        %gather3A_732 = tpu.vector_load_idx %arg11[%broadcast_in_dim3A_722, %add3A_731] : memref<64x128xf32, #tpu.memory_space<vmem>>[vector<16xi32>, vector<16xi32>], vector<16xf32>,
        %mul3A_733 = arith.mulf %gather3A, %gather3A_732 : vector<16xf32>
        %add3A_734 = arith.addf %scan3A_719, %mul3A_733 : vector<16xf32>
        %add3A_735 = arith.constant 32 : i32
        %add3A_736 = vector.broadcast %add3A_735 : i32 to vector<16xi32>
        %add3A_737 = arith.addi %iota3A, %add3A_736 : vector<16xi32>
        %gather3A_738 = tpu.vector_load_idx %arg11[%broadcast_in_dim3A_722, %add3A_737] : memref<64x128xf32, #tpu.memory_space<vmem>>[vector<16xi32>, vector<16xi32>], vector<16xf32>,
        %mul3A_739 = arith.mulf %gather3A, %gather3A_738 : vector<16xf32>
        %add3A_740 = arith.addf %scan3A_720, %mul3A_739 : vector<16xf32>
        %add3A_741 = arith.constant 48 : i32
        %add3A_742 = vector.broadcast %add3A_741 : i32 to vector<16xi32>
        %add3A_743 = arith.addi %iota3A, %add3A_742 : vector<16xi32>
        %gather3A_744 = tpu.vector_load_idx %arg11[%broadcast_in_dim3A_722, %add3A_743] : memref<64x128xf32, #tpu.memory_space<vmem>>[vector<16xi32>, vector<16xi32>], vector<16xf32>,
        %mul3A_745 = arith.mulf %gather3A, %gather3A_744 : vector<16xf32>
        %add3A_746 = arith.addf %scan3A_721, %mul3A_745 : vector<16xf32>
        scf.yield %add3A_728, %add3A_734, %add3A_740, %add3A_746 : vector<16xf32>, vector<16xf32>, vector<16xf32>, vector<16xf32>
      }
      %scan3A_681 = arith.constant 64 : i32
      %get3A_682 = arith.constant 0 : index
      %get3A_683 = tpu.vector_load %arg13[%get3A_682] {strides = array<i32>} : memref<64xf32, #tpu.memory_space<vmem>>, vector<16xf32>,
      %get3A_684 = arith.constant 16 : index
      %get3A_685 = tpu.vector_load %arg13[%get3A_684] {strides = array<i32>} : memref<64xf32, #tpu.memory_space<vmem>>, vector<16xf32>,
      %add3A_686 = arith.addf %get3A_683, %get3A_685 : vector<16xf32>
      %get3A_687 = arith.constant 32 : index
      %get3A_688 = tpu.vector_load %arg13[%get3A_687] {strides = array<i32>} : memref<64xf32, #tpu.memory_space<vmem>>, vector<16xf32>,
      %add3A_689 = arith.addf %add3A_686, %get3A_688 : vector<16xf32>
      %get3A_690 = arith.constant 48 : index
      %get3A_691 = tpu.vector_load %arg13[%get3A_690] {strides = array<i32>} : memref<64xf32, #tpu.memory_space<vmem>>, vector<16xf32>,
      %add3A_692 = arith.addf %add3A_689, %get3A_691 : vector<16xf32>
      %reduce_sum3A = arith.constant true
      %reduce_sum3A_693 = vector.broadcast %reduce_sum3A : i1 to vector<16xi1>
      %reduce_sum3A_694 = tpu.scan <sum>, %add3A_692 masked %reduce_sum3A_693 : vector<16xf32>, vector<16xi1> -> vector<16xf32>
      %reduce_sum3A_695 = vector.extract %reduce_sum3A_694[15] : f32 from vector<16xf32>
      %broadcast_in_dim3A_696 = vector.broadcast %reduce_sum3A_695 : f32 to vector<16xf32>
      %div3A = arith.constant 1.000000e+00 : f32
      %div3A_697 = vector.broadcast %div3A : f32 to vector<16xf32>
      %div3A_698 = arith.divf %div3A_697, %broadcast_in_dim3A_696 : vector<16xf32>
      %mul3A_699 = arith.mulf %scan3A_680#0, %div3A_698 : vector<16xf32>
      %swap3A_700 = arith.constant 0 : index
      %swap3A_701 = tpu.vector_load %arg12[%swap3A_700] {strides = array<i32>} : memref<64xf32, #tpu.memory_space<vmem>>, vector<16xf32>,
      tpu.vector_store %arg12[%swap3A_700], %mul3A_699 {strides = array<i32>} : memref<64xf32, #tpu.memory_space<vmem>>, vector<16xf32>,
      %mul3A_702 = arith.mulf %scan3A_680#1, %div3A_698 : vector<16xf32>
      %swap3A_703 = arith.constant 16 : index
      %swap3A_704 = tpu.vector_load %arg12[%swap3A_703] {strides = array<i32>} : memref<64xf32, #tpu.memory_space<vmem>>, vector<16xf32>,
      tpu.vector_store %arg12[%swap3A_703], %mul3A_702 {strides = array<i32>} : memref<64xf32, #tpu.memory_space<vmem>>, vector<16xf32>,
      %mul3A_705 = arith.mulf %scan3A_680#2, %div3A_698 : vector<16xf32>
      %swap3A_706 = arith.constant 32 : index
      %swap3A_707 = tpu.vector_load %arg12[%swap3A_706] {strides = array<i32>} : memref<64xf32, #tpu.memory_space<vmem>>, vector<16xf32>,
      tpu.vector_store %arg12[%swap3A_706], %mul3A_705 {strides = array<i32>} : memref<64xf32, #tpu.memory_space<vmem>>, vector<16xf32>,
      %mul3A_708 = arith.mulf %scan3A_680#3, %div3A_698 : vector<16xf32>
      %swap3A_709 = arith.constant 48 : index
      %swap3A_710 = tpu.vector_load %arg12[%swap3A_709] {strides = array<i32>} : memref<64xf32, #tpu.memory_space<vmem>>, vector<16xf32>,
      tpu.vector_store %arg12[%swap3A_709], %mul3A_708 {strides = array<i32>} : memref<64xf32, #tpu.memory_space<vmem>>, vector<16xf32>,
      %mul3A_711 = arith.constant 8 : i32
      %mul3A_712 = arith.muli %and3A_15, %mul3A_711 : i32
      %add3A_713 = arith.addi %mul3A_712, %shift_right_arithmetic3A_14 : i32
      %mul3A_714 = arith.constant 64 : i32
      %mul3A_715 = arith.muli %add3A_713, %mul3A_714 : i32
      "tpu.region"() ({
        %run_scoped3A_717 = tpu.sem_alloc : memref<!tpu.dma_semaphore, #tpu.memory_space<semaphore_mem>>
        %dma_start3A_718 = tpu.memref_slice %arg5[%mul3A_715] : memref<32768xf32, #tpu.memory_space<hbm>> -> memref<64xf32, #tpu.memory_space<hbm>>
        %dma_start3A_719 = tpu.memref_slice %arg5[%mul3A_715] : memref<32768xf32, #tpu.memory_space<hbm>> -> memref<64xf32, #tpu.memory_space<hbm>>
        tpu.enqueue_dma source(%arg12 : memref<64xf32, #tpu.memory_space<vmem>>) target(%dma_start3A_719 : memref<64xf32, #tpu.memory_space<hbm>>) target_semaphore(%run_scoped3A_717 : memref<!tpu.dma_semaphore, #tpu.memory_space<semaphore_mem>>)
        %dma_wait3A_720 = tpu.memref_slice %arg5[%mul3A_715] : memref<32768xf32, #tpu.memory_space<hbm>> -> memref<64xf32, #tpu.memory_space<hbm>>
        %dma_wait3A_721 = tpu.memref_slice %arg5[%mul3A_715] : memref<32768xf32, #tpu.memory_space<hbm>> -> memref<64xf32, #tpu.memory_space<hbm>>
        tpu.wait_dma2 semaphore(%run_scoped3A_717 : memref<!tpu.dma_semaphore, #tpu.memory_space<semaphore_mem>>) src(%arg12 : memref<64xf32, #tpu.memory_space<vmem>>) dst(%dma_wait3A_721 : memref<64xf32, #tpu.memory_space<hbm>>)
        tpu.yield
      }) : () -> ()
      %scan3A_716 = arith.constant 0 : i32
      scf.yield %scan3A_716 : i32
    }
    %scan3A_8 = arith.constant 16 : i32
    return
  }
}

module attributes {stable_mosaic.version = 14 : i64} {
  func.func @_dist_kernel(%arg0: i32, %arg1: i32, %arg2: memref<64x128xf32, #tpu.memory_space<vmem>>, %arg3: memref<128x64xf32, #tpu.memory_space<vmem>>, %arg4: memref<64xf32, #tpu.memory_space<vmem>>, %arg5: memref<1x64x12800xf32, #tpu.memory_space<vmem>>, %arg6: memref<1x64x12800xf32, #tpu.memory_space<vmem>>, %arg7: memref<1x1x64x128xf32, #tpu.memory_space<vmem>>) attributes {dimension_semantics = [#tpu.dimension_semantics<arbitrary>, #tpu.dimension_semantics<arbitrary>], iteration_bounds = array<i64: 8, 8>, scalar_prefetch = 0 : i64, scratch_operands = 0 : i64, tpu.core_type = #tpu.core_type<tc>, window_params = [{pipeline_mode = #tpu.pipeline_mode<synchronous>, transform_indices = @transform_0, window_bounds = array<i64: 64, 128>}, {pipeline_mode = #tpu.pipeline_mode<synchronous>, transform_indices = @transform_1, window_bounds = array<i64: 128, 64>}, {pipeline_mode = #tpu.pipeline_mode<synchronous>, transform_indices = @transform_2, window_bounds = array<i64: 64>}, {transform_indices = @transform_3, window_bounds = array<i64: 1, 64, 12800>}, {transform_indices = @transform_4, window_bounds = array<i64: 1, 64, 12800>}, {transform_indices = @transform_5, window_bounds = array<i64: 1, 1, 64, 128>}]} {
    %get3A = arith.constant 0 : index
    %get3A_0 = arith.constant 0 : index
    %get3A_1 = vector.load %arg2[%get3A, %get3A_0] : memref<64x128xf32, #tpu.memory_space<vmem>>, vector<64x128xf32>
    %get3A_2 = arith.constant 0 : index
    %get3A_3 = arith.constant 0 : index
    %get3A_4 = vector.load %arg3[%get3A_2, %get3A_3] : memref<128x64xf32, #tpu.memory_space<vmem>>, vector<128x64xf32>
    %dot_general3A = arith.constant dense<0.000000e+00> : vector<64x64xf32>
    %dot_general3A_5 = tpu.matmul %get3A_1, %get3A_4, %dot_general3A {dimension_numbers = #tpu.dot_dimension_numbers<[1], [0], [0], [1], [0, 0, 1, 1], [], []>, transpose_lhs_hint = false} : vector<64x128xf32>, vector<128x64xf32>, vector<64x64xf32> -> vector<64x64xf32>
    %get3A_6 = arith.constant 0 : index
    %get3A_7 = vector.load %arg4[%get3A_6] : memref<64xf32, #tpu.memory_space<vmem>>, vector<64xf32>
    %broadcast_in_dim3A = vector.shape_cast %get3A_7 : vector<64xf32> to vector<1x64xf32>
    %add3A = vector.broadcast %broadcast_in_dim3A : vector<1x64xf32> to vector<64x64xf32>
    %add3A_8 = arith.addf %dot_general3A_5, %add3A : vector<64x64xf32>
    %get3A_9 = arith.constant 0 : index
    %get3A_10 = arith.constant 0 : index
    %get3A_11 = arith.constant 0 : index
    %get3A_12 = vector.load %arg5[%get3A_9, %get3A_10, %get3A_11] : memref<1x64x12800xf32, #tpu.memory_space<vmem>>, vector<1x64x12800xf32>
    %get3A_13 = vector.shape_cast %get3A_12 : vector<1x64x12800xf32> to vector<64x12800xf32>
    %mul3A = arith.mulf %get3A_13, %get3A_13 : vector<64x12800xf32>
    %reduce_sum3A = arith.constant dense<0.000000e+00> : vector<12800xf32>
    %reduce_sum3A_14 = vector.multi_reduction <add>, %mul3A, %reduce_sum3A [0] : vector<64x12800xf32> to vector<12800xf32>
    %mul3A_15 = arith.mulf %add3A_8, %add3A_8 : vector<64x64xf32>
    %reduce_sum3A_16 = arith.constant dense<0.000000e+00> : vector<64xf32>
    %reduce_sum3A_17 = vector.multi_reduction <add>, %mul3A_15, %reduce_sum3A_16 [1] : vector<64x64xf32> to vector<64xf32>
    %broadcast_in_dim3A_18 = vector.shape_cast %reduce_sum3A_17 : vector<64xf32> to vector<64x1xf32>
    %dot_general3A_19 = arith.constant dense<0.000000e+00> : vector<64x12800xf32>
    %dot_general3A_20 = tpu.matmul %add3A_8, %get3A_13, %dot_general3A_19 {dimension_numbers = #tpu.dot_dimension_numbers<[1], [0], [0], [1], [0, 0, 1, 1], [], []>, transpose_lhs_hint = false} : vector<64x64xf32>, vector<64x12800xf32>, vector<64x12800xf32> -> vector<64x12800xf32>
    %mul3A_21 = arith.constant 2.000000e+00 : f32
    %mul3A_22 = vector.broadcast %mul3A_21 : f32 to vector<64x12800xf32>
    %mul3A_23 = arith.mulf %mul3A_22, %dot_general3A_20 : vector<64x12800xf32>
    %sub3A = vector.broadcast %broadcast_in_dim3A_18 : vector<64x1xf32> to vector<64x12800xf32>
    %sub3A_24 = arith.subf %sub3A, %mul3A_23 : vector<64x12800xf32>
    %broadcast_in_dim3A_25 = vector.shape_cast %reduce_sum3A_14 : vector<12800xf32> to vector<1x12800xf32>
    %add3A_26 = vector.broadcast %broadcast_in_dim3A_25 : vector<1x12800xf32> to vector<64x12800xf32>
    %add3A_27 = arith.addf %sub3A_24, %add3A_26 : vector<64x12800xf32>
    %iota3A = tpu.iota {dimensions = array<i32: 1>} : vector<64x12800xi32>
    %mul3A_28 = arith.constant 12800 : i32
    %mul3A_29 = arith.muli %arg1, %mul3A_28 : i32
    %add3A_30 = vector.broadcast %mul3A_29 : i32 to vector<64x12800xi32>
    %add3A_31 = arith.addi %iota3A, %add3A_30 : vector<64x12800xi32>
    %lt3A = arith.constant 100000 : i32
    %lt3A_32 = vector.broadcast %lt3A : i32 to vector<64x12800xi32>
    %lt3A_33 = arith.cmpi slt, %add3A_31, %lt3A_32 : vector<64x12800xi32>
    %jit3A = arith.constant 3.000000e+38 : f32
    %broadcast_in_dim3A_34 = vector.broadcast %jit3A : f32 to vector<64x12800xf32>
    %select_n3A = arith.select %lt3A_33, %add3A_27, %broadcast_in_dim3A_34 : vector<64x12800xi1>, vector<64x12800xf32>
    %swap3A = arith.constant 0 : index
    %swap3A_35 = arith.constant 0 : index
    %swap3A_36 = arith.constant 0 : index
    %swap3A_37 = vector.load %arg6[%swap3A, %swap3A_35, %swap3A_36] : memref<1x64x12800xf32, #tpu.memory_space<vmem>>, vector<1x64x12800xf32>
    %swap3A_38 = vector.shape_cast %swap3A_37 : vector<1x64x12800xf32> to vector<64x12800xf32>
    %swap3A_39 = vector.shape_cast %select_n3A : vector<64x12800xf32> to vector<1x64x12800xf32>
    tpu.vector_store %arg6[%swap3A, %swap3A_35, %swap3A_36], %swap3A_39 {strides = array<i32>} : memref<1x64x12800xf32, #tpu.memory_space<vmem>>, vector<1x64x12800xf32>,
    %reshape3A = vector.shape_cast %select_n3A : vector<64x12800xf32> to vector<64x100x128xf32>
    %reduce_min3A = arith.constant dense<0x7F800000> : vector<64x100xf32>
    %reduce_min3A_40 = vector.multi_reduction <minimumf>, %reshape3A, %reduce_min3A [2] : vector<64x100x128xf32> to vector<64x100xf32>
    %broadcast_in_dim3A_41 = arith.constant 3.000000e+38 : f32
    %broadcast_in_dim3A_42 = vector.broadcast %broadcast_in_dim3A_41 : f32 to vector<64x28xf32>
    %concatenate3A = tpu.concatenate %reduce_min3A_40, %broadcast_in_dim3A_42 in 1 : vector<64x100xf32>, vector<64x28xf32> -> vector<64x128xf32>
    %swap3A_43 = arith.constant 0 : index
    %swap3A_44 = arith.constant 0 : index
    %swap3A_45 = arith.constant 0 : index
    %swap3A_46 = arith.constant 0 : index
    %swap3A_47 = vector.load %arg7[%swap3A_43, %swap3A_44, %swap3A_45, %swap3A_46] : memref<1x1x64x128xf32, #tpu.memory_space<vmem>>, vector<1x1x64x128xf32>
    %swap3A_48 = vector.shape_cast %swap3A_47 : vector<1x1x64x128xf32> to vector<64x128xf32>
    %swap3A_49 = vector.shape_cast %concatenate3A : vector<64x128xf32> to vector<1x1x64x128xf32>
    tpu.vector_store %arg7[%swap3A_43, %swap3A_44, %swap3A_45, %swap3A_46], %swap3A_49 {strides = array<i32>} : memref<1x1x64x128xf32, #tpu.memory_space<vmem>>, vector<1x1x64x128xf32>,
    return
  }
  func.func @transform_0(%arg0: i32, %arg1: i32) -> (i32, i32) {
    %c0_i32 = arith.constant 0 : i32
    %c0_i32_0 = arith.constant 0 : i32
    %c0_i32_1 = arith.constant 0 : i32
    return %c0_i32, %c0_i32_0 : i32, i32
  }
  func.func @transform_1(%arg0: i32, %arg1: i32) -> (i32, i32) {
    %c0_i32 = arith.constant 0 : i32
    %c0_i32_0 = arith.constant 0 : i32
    %c0_i32_1 = arith.constant 0 : i32
    return %c0_i32, %c0_i32_0 : i32, i32
  }
  func.func @transform_2(%arg0: i32, %arg1: i32) -> i32 {
    %c0_i32 = arith.constant 0 : i32
    %c0_i32_0 = arith.constant 0 : i32
    return %c0_i32 : i32
  }
  func.func @transform_3(%arg0: i32, %arg1: i32) -> (i32, i32, i32) {
    %c0_i32 = arith.constant 0 : i32
    %c0_i32_0 = arith.constant 0 : i32
    return %arg0, %c0_i32, %arg1 : i32, i32, i32
  }
  func.func @transform_4(%arg0: i32, %arg1: i32) -> (i32, i32, i32) {
    %c0_i32 = arith.constant 0 : i32
    %c0_i32_0 = arith.constant 0 : i32
    return %arg0, %c0_i32, %arg1 : i32, i32, i32
  }
  func.func @transform_5(%arg0: i32, %arg1: i32) -> (i32, i32, i32, i32) {
    %c0_i32 = arith.constant 0 : i32
    %c0_i32_0 = arith.constant 0 : i32
    %c0_i32_1 = arith.constant 0 : i32
    return %arg0, %arg1, %c0_i32, %c0_i32_0 : i32, i32, i32, i32
  }
}

module attributes {stable_mosaic.version = 14 : i64} {
  func.func @_vt_kernel(%arg0: i32, %arg1: i32, %arg2: memref<1x64x12800xf32, #tpu.memory_space<vmem>>, %arg3: memref<1x12800x128xf32, #tpu.memory_space<vmem>>) attributes {dimension_semantics = [#tpu.dimension_semantics<arbitrary>, #tpu.dimension_semantics<arbitrary>], iteration_bounds = array<i64: 8, 8>, scalar_prefetch = 0 : i64, scratch_operands = 0 : i64, tpu.core_type = #tpu.core_type<tc>, window_params = [{transform_indices = @transform_0, window_bounds = array<i64: 1, 64, 12800>}, {transform_indices = @transform_1, window_bounds = array<i64: 1, 12800, 128>}]} {
    %get3A = arith.constant 0 : index
    %get3A_0 = arith.constant 0 : index
    %get3A_1 = arith.constant 0 : index
    %get3A_2 = vector.load %arg2[%get3A, %get3A_0, %get3A_1] : memref<1x64x12800xf32, #tpu.memory_space<vmem>>, vector<1x64x12800xf32>
    %get3A_3 = vector.shape_cast %get3A_2 : vector<1x64x12800xf32> to vector<64x12800xf32>
    %transpose3A = tpu.transpose %get3A_3, [1, 0] : vector<64x12800xf32> -> vector<12800x64xf32>
    %broadcast_in_dim3A = arith.constant 0.000000e+00 : f32
    %broadcast_in_dim3A_4 = vector.broadcast %broadcast_in_dim3A : f32 to vector<12800x64xf32>
    %concatenate3A = tpu.concatenate %transpose3A, %broadcast_in_dim3A_4 in 1 : vector<12800x64xf32>, vector<12800x64xf32> -> vector<12800x128xf32>
    %swap3A = arith.constant 0 : index
    %swap3A_5 = arith.constant 0 : index
    %swap3A_6 = arith.constant 0 : index
    %swap3A_7 = vector.load %arg3[%swap3A, %swap3A_5, %swap3A_6] : memref<1x12800x128xf32, #tpu.memory_space<vmem>>, vector<1x12800x128xf32>
    %swap3A_8 = vector.shape_cast %swap3A_7 : vector<1x12800x128xf32> to vector<12800x128xf32>
    %swap3A_9 = vector.shape_cast %concatenate3A : vector<12800x128xf32> to vector<1x12800x128xf32>
    tpu.vector_store %arg3[%swap3A, %swap3A_5, %swap3A_6], %swap3A_9 {strides = array<i32>} : memref<1x12800x128xf32, #tpu.memory_space<vmem>>, vector<1x12800x128xf32>,
    return
  }
  func.func @transform_0(%arg0: i32, %arg1: i32) -> (i32, i32, i32) {
    %c0_i32 = arith.constant 0 : i32
    %c0_i32_0 = arith.constant 0 : i32
    return %arg0, %c0_i32, %arg1 : i32, i32, i32
  }
  func.func @transform_1(%arg0: i32, %arg1: i32) -> (i32, i32, i32) {
    %c0_i32 = arith.constant 0 : i32
    %c0_i32_0 = arith.constant 0 : i32
    return %arg0, %arg1, %c0_i32 : i32, i32, i32
  }
}

</mosaic_0001>

<sc_bundles>
// kernel: kernel.5.cloned.1.call-start
scs
__scs_entry_jumppad:
0x0: {  	(pc) =	sbr.rel $0x88, $3  }
0x1: {  	(tag) =	ssettag $0x0;
	lr =	simm.s32 $0x1  }
0x2: {  	[smem:$0x3F9C] =	sst lr;
	_ =	strace $0xD0000000  }
0x3: {  	_ = 	snop  }
0x4: {  	_ = 	snop  }
0x5: {  	_ = 	snop  }
0x6: {  	_ = 	snop  }
0x7: {  	_ = 	snop  }
__scs_overlays_trampoline_lowered:
0x8: {  	[smem:$0x3FAB] =	sst s0  }
0x9: {  	[smem:$0x3FAC] =	sst s1  }
0xa: {  	[smem:$0x3FAD] =	sst s2  }
0xb: {  	[smem:$0x3FAE] =	sst s3  }
0xc: {  	[smem:$0x3FAF] =	sst s4  }
0xd: {  	[smem:$0x3FB0] =	sst s5  }
0xe: {  	[smem:$0x3FB1] =	sst s6  }
0xf: {  	[smem:$0x3FB2] =	sst s7  }
0x10: {  	[smem:$0x3FB3] =	sst s8  }
0x11: {  	[smem:$0x3FB4] =	sst s9;
	s0 =	simm.s32 @!p0 $0x0  }
0x12: {  	s1 =	sld [smem:$0x3F9A];
	s0 =	simm.s32 @p0 $0x1  }
0x13: {  	[smem:$0x3FB5] =	sst s0;
	s0 =	simm.s32 @!p1 $0x0  }
0x14: {  	s2 =	sld [smem:$0x3F99];
	s0 =	simm.s32 @p1 $0x1  }
0x15: {  	[smem:$0x3FB6] =	sst s0;
	s0 =	simm.s32 @!p2 $0x0  }
0x16: {  	s3 =	sld [smem:$0x3FDB];
	s0 =	simm.s32 @p2 $0x1  }
0x17: {  	s4 =	simm.s32 $0x1BF5;
	[smem:$0x3FB8] =	sst s0  }
0x18: {  	s0 =	sld [smem:$0x3F9B];
	_ =	swait.ge [sflag:s4], $0x0  }
0x19: {  	s7 =	sld [smem:$0x3F9C]  }
0x1a: {  	s8 =	sadd.s32 $0xFFFFE003, lr  }
0x1b: {  	s9 =	sadd.s32 $0xFFFFFEF7, lr;
	s5 =	simm.s32 $0xFFFFFFFF;
	p2 =	slt.u32 s8, $0xFFFFF086  }
0x1c: {  	p1 =	slt.u32 s9, $0xF7A;
	s5 =	simm.s32 @!p2 $0x0  }
0x1d: {  	s5 =	simm.s32 @p1 $0x1;
	p0 =	seq.s32 s7, s2  }
0x1e: {  	s7 =	smul.u32 @!p0 $0xF7A, s2;
	p2 =	seq.s32 @!p0 s5, $0x0  }
0x1f: {  	s9 =	smul.u32 $0xF7A, s1;
	s8 =	simm.s32 @!p0 $0x1BF5;
	p2 =	por !p2, p0  }
0x20: {  	[sflag:s8] =	ssyncset.s32 @!p0 $0xFFFFF086;
	s6 =	sadd.s32 @!p0 s3, s7;
	s7 =	simm.s32 @!p0 $0x108  }
0x21: {  	s3 =	sadd.s32 s3, s9;
	s6 =	sadd.s32 @!p0 $0x88, s6;
	s7 =	simm.s32 @p2 $0x1082  }
0x22: {  	[simem:s7], [sflag:s8] =	dma.local @!p0 [hbm:s6], $0xF7A  }
0x23: {  	s9 =	sor.u32 $0xD0000000, s2;
	s6 =	simm.s32 $0x108;
	_ =	swait.ge @!p0 [sflag:s8], $0x0  }
0x24: {  	s3 =	sadd.s32 $0x88, s3;
	s6 =	simm.s32 @!p1 $0x1082;
	[sflag:s4] =	ssyncset.s32 $0xFFFFF086  }
0x25: {  	[simem:s6], [sflag:s4] =	dma.local [hbm:s3], $0xF7A  }
0x26: {  	[smem:$0x3F9C] =	sst s1;
	(tag) =	ssettag s2;
	_ =	strace s9  }
0x27: {  	s1 =	sld [smem:$0x3FAC]  }
0x28: {  	s2 =	sld [smem:$0x3FAD]  }
0x29: {  	s4 =	sld [smem:$0x3FAF]  }
0x2a: {  	p0 =	seq.s32 s5, $0x0;
	s5 =	sld [smem:$0x3FB0]  }
0x2b: {  	s6 =	sld [smem:$0x3FB1]  }
0x2c: {  	s7 =	sld [smem:$0x3FB2]  }
0x2d: {  	s3 =	simm.s32 $0x108;
	s8 =	sld [smem:$0x3FB3]  }
0x2e: {  	s3 =	simm.s32 @!p0 $0x1082;
	s9 =	sld [smem:$0x3FB4]  }
0x2f: {  	lr =	sadd.s32 s0, s3;
	s0 =	sld [smem:$0x3FAB]  }
0x30: {  	s3 =	sld [smem:$0x3FAE]  }
0x31: {  	[smem:$0x3FB7] =	sst s10  }
0x32: {  	s10 =	sld [smem:$0x3FB5];
	_ =	sdelay $0x3  }
0x33: {  	p0 =	seq.s32 s10, $0x1;
	s10 =	sld [smem:$0x3FB7];
	_ =	sdelay $0x3  }
0x34: {  	[smem:$0x3FB7] =	sst s10  }
0x35: {  	s10 =	sld [smem:$0x3FB6];
	_ =	sdelay $0x3  }
0x36: {  	p1 =	seq.s32 s10, $0x1;
	s10 =	sld [smem:$0x3FB7];
	_ =	sdelay $0x3  }
0x37: {  	[smem:$0x3FB7] =	sst s10  }
0x38: {  	s10 =	sld [smem:$0x3FB8]  }
0x39: {  	_ = 	snop;
	(pc) =	sbr.ind lr, $3  }
0x3a: {  	_ = 	snop  }
0x3b: {  	_ = 	snop  }
0x3c: {  	p2 =	seq.s32 s10, $0x1;
	s10 =	sld [smem:$0x3FB7]  }
0x3d: {  	_ =	shalt  }
0x3e: {  	_ =	shalt  }
0x3f: {  	_ =	shalt  }
0x40: {  	_ =	shalt  }
0x41: {  	_ =	shalt  }
0x42: {  	_ =	shalt  }
0x43: {  	_ =	shalt  }
0x44: {  	_ =	shalt  }
0x45: {  	_ =	shalt  }
0x46: {  	_ =	shalt  }
0x47: {  	_ =	shalt  }
0x48: {  	_ =	shalt  }
0x49: {  	_ =	shalt  }
0x4a: {  	_ =	shalt  }
0x4b: {  	_ =	shalt  }
0x4c: {  	_ =	shalt  }
0x4d: {  	_ =	shalt  }
0x4e: {  	_ =	shalt  }
0x4f: {  	_ =	shalt  }
0x50: {  	_ =	shalt  }
0x51: {  	_ =	shalt  }
0x52: {  	_ =	shalt  }
0x53: {  	_ =	shalt  }
0x54: {  	_ =	shalt  }
0x55: {  	_ =	shalt  }
0x56: {  	_ =	shalt  }
0x57: {  	_ =	shalt  }
0x58: {  	_ =	shalt  }
0x59: {  	_ =	shalt  }
0x5a: {  	_ =	shalt  }
0x5b: {  	_ =	shalt  }
0x5c: {  	_ =	shalt  }
0x5d: {  	_ =	shalt  }
0x5e: {  	_ =	shalt  }
0x5f: {  	_ =	shalt  }
0x60: {  	_ =	shalt  }
0x61: {  	_ =	shalt  }
0x62: {  	_ =	shalt  }
0x63: {  	_ =	shalt  }
0x64: {  	_ =	shalt  }
0x65: {  	_ =	shalt  }
0x66: {  	_ =	shalt  }
0x67: {  	_ =	shalt  }
0x68: {  	_ =	shalt  }
0x69: {  	_ =	shalt  }
0x6a: {  	_ =	shalt  }
0x6b: {  	_ =	shalt  }
0x6c: {  	_ =	shalt  }
0x6d: {  	_ =	shalt  }
0x6e: {  	_ =	shalt  }
0x6f: {  	_ =	shalt  }
0x70: {  	_ =	shalt  }
0x71: {  	_ =	shalt  }
0x72: {  	_ =	shalt  }
0x73: {  	_ =	shalt  }
0x74: {  	_ =	shalt  }
0x75: {  	_ =	shalt  }
0x76: {  	_ =	shalt  }
0x77: {  	_ =	shalt  }
0x78: {  	_ =	shalt  }
0x79: {  	_ =	shalt  }
0x7a: {  	_ =	shalt  }
0x7b: {  	_ =	shalt  }
0x7c: {  	_ =	shalt  }
0x7d: {  	_ =	shalt  }
0x7e: {  	_ =	shalt  }
0x7f: {  	_ =	shalt  }
0x80: {  	_ =	shalt  }
0x81: {  	_ =	shalt  }
0x82: {  	_ =	shalt  }
0x83: {  	_ =	shalt  }
0x84: {  	_ =	shalt  }
0x85: {  	_ =	shalt  }
0x86: {  	_ =	shalt  }
0x87: {  	_ =	shalt  }
.Lfunc_end0:
.L_simem_size_0:
called_computation_lowered:
.L_overlay_start_0:
0x88: {  	s2 =	sld [smem:$0x3FD9]  }
0x89: {  	s3 =	sld [smem:$0x3FFE];
	_ =	sdelay $0x1  }
0x8a: {  	s1 =	srdreg.scid  }
0x8b: {  	s0 =	sand.u32 $0x1, s1  }
0x8c: {  	s16 =	sshll.u32 s0, $0xA;
	s2 =	sadd.s32 s3, s2  }
0x8d: {  	s2 =	sadd.s32 s2, s16  }
0x8e: {  	[smem:$0x3FC3] =	sst s2  }
0x8f: {  	_ = 	snop  }
0x90: {  	(tm) =	ssettm $0x1  }
0x91: {  	s17 =	sld [smem:$0x3FFB];
	_ =	sdelay $0x3  }
0x92: {  	_ =	strace s17  }
0x93: {  	s2 =	sld [smem:$0x3FFC];
	_ =	sdelay $0x3  }
0x94: {  	_ =	strace s2  }
0x95: {  	s2 =	sld [smem:$0x3FFD];
	_ =	sdelay $0x3  }
0x96: {  	_ =	strace s2  }
0x97: {  	_ =	strace $0x8FFFFFFF  }
0x98: {  	s18 =	sld [smem:$0x3FDB];
	_ =	sdelay $0x1  }
0x99: {  	s19 =	simm.s32 $_scs_section_size  }
0x9a: {  	s4 =	simm.s32 $_size__tile_overlayer_lowered;
	s5 =	simm.s32 $_tile_overlayer_lowered  }
0x9b: {  	s22 =	simm.s32 $0x1BFF;
	s21 =	sshll.u32 s5, $0x1;
	s2 =	sadd.s32 s19, s18  }
0x9c: {  	s6 =	simm.s32 $0x0;
	s20 =	sshll.u32 s4, $0x1;
	s4 =	sadd.s32 s21, s2  }
0x9d: {  	[timem:s6], [sflag:s22] =	dma.local [hbm:s4], s20  }
0x9e: {  	_ =	swait.ge [sflag:s22], s20  }
0x9f: {  	s3 =	ssub.s32 $0x0, s20;
	[sflag:s22] =	ssyncset.done $0x0  }
0xa0: {  	[sflag:s22] =	ssyncadd.s32 s3;
	_ =	sdelay $0x1  }
0xa1: {  	s23 =	simm.s32 $0x1B8B  }
0xa2: {  	_ =	swait.ge [sflag:s23], $0x1  }
0xa3: {  	[sflag:s23] =	ssyncset.done $0x0  }
0xa4: {  	s25 =	simm.s32 $0x1B8E;
	s24 =	sld [smem:$0x3FFE];
	[sflag:s23] =	ssyncadd.s32 $0xFFFFFFFF  }
0xa5: {  	s26 =	simm.s32 $execute0_lowered;
	[smem:$0x3FD2] =	sst s25  }
0xa6: {  	s4 =	sshll.u32 s26, $0x1;
	_ =	strace $0x80000046;
	[dreg:$0x1] =	wrdreg $0xFFFFFFFF  }
0xa7: {  	s28 =	simm.s32 $_size_execute0_lowered;
	s2 =	sadd.s32 s2, s4;
	[dreg:$0x0] =	wrdreg $0x0  }
0xa8: {  	s4 =	sshll.u32 s28, $0x1;
	[dreg:$0x2] =	wrdreg s2  }
0xa9: {  	[dreg:$0x3] =	wrdreg s4  }
0xaa: {  	[dreg:$0x4] =	wrdreg $0xC0  }
0xab: {  	_ =	task [dreg:s6], $0x5FFFF  }
0xac: {  	[dreg:$0x1] =	wrdreg $0xFFFFFFFF  }
0xad: {  	[dreg:$0x0] =	wrdreg $0x60  }
0xae: {  	[dreg:$0x2] =	wrdreg s24  }
0xaf: {  	[dreg:$0x3] =	wrdreg $0x9  }
0xb0: {  	_ =	task.clear_ibuf [dreg:s6], $0x4FFFF;
	_ =	strace $0x90000046  }
0xb1: {  	s29 =	simm.s32 $0x9;
	_ =	strace $0x80000048  }
0xb2: {  	_ =	swait.ge [sflag:s29], $0x1  }
0xb3: {  	[sflag:s29] =	ssyncadd.s32 $0xFFFFFFFF  }
0xb4: {  	_ =	strace $0x90000048  }
0xb5: {  	_ =	sfence  }
0xb6: {  	s30 =	sld [smem:$0x0];
	_ =	sdelay $0x2  }
0xb7: {  	s31 =	sshll.u32 s1, $0xD;
	s1 =	sshrl.u32 s1, $0x2  }
0xb8: {  	s3 =	sand.u32 $0x4000, s31;
	s1 =	sadd.s32 s1, s30  }
0xb9: {  	s0 =	sor.u32 s3, s0;
	s1 =	sshll.u32 s1, $0x11  }
0xba: {  	s0 =	sor.u32 s1, s0  }
0xbb: {  	s0 =	sadd.s32 $0x8F2B, s0  }
0xbc: {  	[sflag:s0] =	ssyncadd.remote.s32 $0x1  }
0xbd: {  	_ =	sfence.sel $0xFFFF  }
0xbe: {  	[dreg:$0x0] =	wrdreg $0xFFFFFFFF;
	(pc) =	sbr.abs _section_cstart, $3  }
0xbf: {  	[dreg:$0x1] =	wrdreg $0xFFFFFFFF  }
0xc0: {  	_ =	task.clear_ibuf [dreg:s6], $0x2FFFF;
	_ =	strace $0x9FFFFFFF  }
0xc1: {  	(tm) =	ssettm $0x7FFFFFFF  }
tec
execute0_lowered:
.L_overlay_start_1:
0x0: {  	(tag) =	ssettag $0x1  }
0x1: {  	v40 =	vimm.s32 $0x20;
	v41 =	vimm.s32 $0x21;
	v42 =	vimm.s32 $0x22  }
0x2: {  	v43 =	vimm.s32 $0x23;
	v44 =	vimm.s32 $0x24;
	v45 =	vimm.s32 $0x25  }
0x3: {  	s9 =	stileid.u32;
	s2 =	rddreg [dreg:$0x0];
	v46 =	vimm.s32 $0x26;
	v47 =	vimm.s32 $0x27;
	v48 =	vimm.s32 $0x28  }
0x4: {  	s3 =	simm.s32 $0x0;
	s7 =	srdreg.scid;
	v49 =	vimm.s32 $0x29;
	v50 =	vimm.s32 $0x2A;
	v51 =	vimm.s32 $0x2B;
	s13 =	simm.s32 $0x2000  }
0x5: {  	v52 =	vimm.s32 $0x2C;
	v53 =	vimm.s32 $0x2D;
	v54 =	vimm.s32 $0x2E;
	s14 =	simm.s32 $0x2;
	s22 =	simm.s32 $0x2400;
	s23 =	simm.s32 $0x2480  }
0x6: {  	v55 =	vimm.s32 $0x2F;
	v56 =	vimm.s32 $0x30;
	v57 =	vimm.s32 $0x31;
	s24 =	simm.s32 $0x1;
	s25 =	simm.s32 $0x2500;
	s29 =	simm.s32 $0x2580  }
0x7: {  	v58 =	vimm.s32 $0x32;
	v59 =	vimm.s32 $0x33;
	v60 =	vimm.s32 $0x34;
	s30 =	simm.s32 $0x4580;
	s0 =	sshrl.u32 s9, $0x1;
	[smem:$0x7FF] =	sst s3  }
0x8: {  	v0 =	vlaneseq.u32;
	v61 =	vimm.s32 $0x35;
	v62 =	vimm.s32 $0x36;
	s4 =	sadd.s32 $0xC80E00, s2;
	s5 =	sadd.s32 $0x12C0E00, s2;
	s6 =	sadd.s32 $0xE00, s2  }
0x9: {  	v63 =	vimm.s32 $0x37;
	v8 =	vimm.s32 $0x38;
	v9 =	vimm.s32 $0x39;
	s8 =	sand.u32 $0x1, s7;
	s7 =	sadd.s32 $0x12D0E00, s2;
	s11 =	sshll.u32 s9, $0x5  }
0xa: {  	v10 =	vimm.s32 $0x3A;
	v11 =	vimm.s32 $0x3B;
	v12 =	vimm.s32 $0x3C;
	s1 =	smul.u32 $0x19000, s0;
	_ =	strace $0x80000047;
	s26 =	ssub.s32 $0x2, s8  }
0xb: {  	v13 =	vimm.s32 $0x3D;
	v14 =	vimm.s32 $0x3E;
	v15 =	vimm.s32 $0x3F;
	s8 =	sshll.u32 s8, $0x4;
	s10 =	sand.u32 $0x20, s11;
	s28 =	sshrl.u32 s26, $0x1  }
0xc: {  	v16 =	vimm.f32 $3.000000010e+38;
	v17 =	vimm.f32 $0.0e+00;
	v2 =	vor.u32 $0x10, v0;
	s9 =	sshll.u32 s0, $0x10;
	s11 =	sand.u32 $0x1C0, s11;
	s2 =	ssub.s32 s26, s28  }
0xd: {  	v3 =	vor.u32 $0x20, v0;
	v4 =	vor.u32 $0x30, v0;
	s8 =	sor.u32 s8, s10;
	s10 =	smul.u32 $0x640000, s0;
	v1 =	vor.u32 s1, v0;
	s31 =	smax.u32 s2, $0x1  }
0xe: {  	v5 =	vor.u32 s1, v2;
	v6 =	vor.u32 s1, v3;
	v7 =	vor.u32 s1, v4;
	s26 =	simm.s32 $0x4600;
	s2 =	simm.s32 $0x0;
	[dreg:$0x2] =	wrdreg s31  }
.LBB2_1:
0xf: {  	[dreg:$0x3] =	wrdreg s2;
	s2 =	simm.s32 $0x0  }
.LBB2_2:
0x10: {  	s0 =	sadd.s32 s8, s2  }
0x11: {  	s31 =	sshrl.u32 s0, $0x3  }
0x12: {  	s15 =	sshll.u32 s2, $0x7;
	s12 =	sshll.u32 s31, $0xA  }
0x13: {  	s15 =	sand.u32 $0x380, s15;
	s12 =	sadd.s32 s9, s12  }
0x14: {  	s12 =	sor.u32 s15, s12  }
0x15: {  	s16 =	sshrl.u32 s12, $0x3  }
0x16: {  	s12 =	simm.s32 $0x0;
	s17 =	sadd.s32 s5, s16  }
0x17: {  	[tilespmem:s13], [sflag:$0x2] =	stream.linear.gather [hbm4b:s17+s12], $0x80, $0x38;
	[tilespmem:$0x4680] =	vst v63  }
0x18: {  	_ =	swait.ge [sflag:s14], $0x80  }
0x19: {  	s20 =	sor.u32 $0x400, s16;
	[sflag:s14] =	ssyncset.done $0x0  }
0x1a: {  	s18 =	simm.s32 $0x2080;
	s17 =	sadd.s32 s5, s20;
	[sflag:s14] =	ssyncadd.s32 $0xFFFFFF80  }
0x1b: {  	[tilespmem:s18], [sflag:$0x2] =	stream.linear.gather [hbm4b:s17+s12], $0x80, $0x38;
	[tilespmem:$0x4680] =	vst v63  }
0x1c: {  	_ =	swait.ge [sflag:s14], $0x80  }
0x1d: {  	s21 =	sor.u32 $0x800, s16;
	[sflag:s14] =	ssyncset.done $0x0  }
0x1e: {  	s28 =	simm.s32 $0x2100;
	s17 =	sadd.s32 s5, s21;
	[sflag:s14] =	ssyncadd.s32 $0xFFFFFF80  }
0x1f: {  	[tilespmem:s28], [sflag:$0x2] =	stream.linear.gather [hbm4b:s17+s12], $0x80, $0x38;
	[tilespmem:$0x4680] =	vst v63  }
0x20: {  	_ =	swait.ge [sflag:s14], $0x80  }
0x21: {  	s19 =	sor.u32 $0xC00, s16;
	[sflag:s14] =	ssyncset.done $0x0  }
0x22: {  	s20 =	simm.s32 $0x2180;
	s17 =	sadd.s32 s5, s19;
	[sflag:s14] =	ssyncadd.s32 $0xFFFFFF80  }
0x23: {  	[tilespmem:s20], [sflag:$0x2] =	stream.linear.gather [hbm4b:s17+s12], $0x80, $0x38;
	[tilespmem:$0x4680] =	vst v63  }
0x24: {  	_ =	swait.ge [sflag:s14], $0x80  }
0x25: {  	s21 =	sor.u32 $0x1000, s16;
	[sflag:s14] =	ssyncset.done $0x0  }
0x26: {  	s28 =	simm.s32 $0x2200;
	s17 =	sadd.s32 s5, s21;
	[sflag:s14] =	ssyncadd.s32 $0xFFFFFF80  }
0x27: {  	[tilespmem:s28], [sflag:$0x2] =	stream.linear.gather [hbm4b:s17+s12], $0x80, $0x38;
	[tilespmem:$0x4680] =	vst v63  }
0x28: {  	_ =	swait.ge [sflag:s14], $0x80  }
0x29: {  	s18 =	sor.u32 $0x1400, s16;
	[sflag:s14] =	ssyncset.done $0x0  }
0x2a: {  	s19 =	simm.s32 $0x2280;
	s17 =	sadd.s32 s5, s18;
	[sflag:s14] =	ssyncadd.s32 $0xFFFFFF80  }
0x2b: {  	[tilespmem:s19], [sflag:$0x2] =	stream.linear.gather [hbm4b:s17+s12], $0x80, $0x38;
	[tilespmem:$0x4680] =	vst v63  }
0x2c: {  	_ =	swait.ge [sflag:s14], $0x80  }
0x2d: {  	s20 =	sor.u32 $0x1800, s16;
	[sflag:s14] =	ssyncset.done $0x0  }
0x2e: {  	s21 =	simm.s32 $0x2300;
	s17 =	sadd.s32 s5, s20;
	[sflag:s14] =	ssyncadd.s32 $0xFFFFFF80  }
0x2f: {  	[tilespmem:s21], [sflag:$0x2] =	stream.linear.gather [hbm4b:s17+s12], $0x80, $0x38;
	[tilespmem:$0x4680] =	vst v63  }
0x30: {  	_ =	swait.ge [sflag:s14], $0x80  }
0x31: {  	s16 =	sor.u32 $0x1C00, s16;
	[sflag:s14] =	ssyncset.done $0x0  }
0x32: {  	s16 =	sadd.s32 s5, s16;
	s28 =	simm.s32 $0x2380;
	[sflag:s14] =	ssyncadd.s32 $0xFFFFFF80  }
0x33: {  	[tilespmem:s28], [sflag:$0x2] =	stream.linear.gather [hbm4b:s16+s12], $0x80, $0x38;
	[tilespmem:$0x4680] =	vst v63  }
0x34: {  	_ =	swait.ge [sflag:s14], $0x80  }
0x35: {  	[sflag:s14] =	ssyncset.done $0x0  }
0x36: {  	[sflag:s14] =	ssyncadd.s32 $0xFFFFFF80  }
0x37: {  	v18 =	vld [tilespmem:$0x2000];
	_ =	sdelay $0x4  }
0x38: {  	(xrf0) =	vmin.scan.msk.f32 $0xffff, v18;
	_ =	sdelay $0x3  }
0x39: {  	v19 =	vimm.s32 $0x0;
	_ =	sdelay $0x1  }
0x3a: {  	v18, _, _ =	vpop (xrf0)  }
0x3b: {  	v18 =	vbroadcast v18, $0xF;
	_ =	sdelay $0x1  }
0x3c: {  	[tilespmem:v19+s22+$0x0] =	vst.idx.msk $0x1, v18  }
0x3d: {  	v18 =	vld [tilespmem:$0x2010];
	_ =	sdelay $0x4  }
0x3e: {  	(xrf0) =	vmin.scan.msk.f32 $0xffff, v18;
	_ =	sdelay $0x3  }
0x3f: {  	v19 =	vimm.s32 $0x1;
	_ =	sdelay $0x1  }
0x40: {  	v18, _, _ =	vpop (xrf0)  }
0x41: {  	v18 =	vbroadcast v18, $0xF;
	_ =	sdelay $0x1  }
0x42: {  	[tilespmem:v19+s22+$0x0] =	vst.idx.msk $0x1, v18  }
0x43: {  	v18 =	vld [tilespmem:$0x2020];
	_ =	sdelay $0x4  }
0x44: {  	(xrf0) =	vmin.scan.msk.f32 $0xffff, v18;
	_ =	sdelay $0x3  }
0x45: {  	v19 =	vimm.s32 $0x2;
	_ =	sdelay $0x1  }
0x46: {  	v18, _, _ =	vpop (xrf0)  }
0x47: {  	v18 =	vbroadcast v18, $0xF;
	_ =	sdelay $0x1  }
0x48: {  	[tilespmem:v19+s22+$0x0] =	vst.idx.msk $0x1, v18  }
0x49: {  	v18 =	vld [tilespmem:$0x2030];
	_ =	sdelay $0x4  }
0x4a: {  	(xrf0) =	vmin.scan.msk.f32 $0xffff, v18;
	_ =	sdelay $0x3  }
0x4b: {  	v19 =	vimm.s32 $0x3;
	_ =	sdelay $0x1  }
0x4c: {  	v18, _, _ =	vpop (xrf0)  }
0x4d: {  	v18 =	vbroadcast v18, $0xF;
	_ =	sdelay $0x1  }
0x4e: {  	[tilespmem:v19+s22+$0x0] =	vst.idx.msk $0x1, v18  }
0x4f: {  	v18 =	vld [tilespmem:$0x2040];
	_ =	sdelay $0x4  }
0x50: {  	(xrf0) =	vmin.scan.msk.f32 $0xffff, v18;
	_ =	sdelay $0x3  }
0x51: {  	v19 =	vimm.s32 $0x4;
	_ =	sdelay $0x1  }
0x52: {  	v18, _, _ =	vpop (xrf0)  }
0x53: {  	v18 =	vbroadcast v18, $0xF;
	_ =	sdelay $0x1  }
0x54: {  	[tilespmem:v19+s22+$0x0] =	vst.idx.msk $0x1, v18  }
0x55: {  	v18 =	vld [tilespmem:$0x2050];
	_ =	sdelay $0x4  }
0x56: {  	(xrf0) =	vmin.scan.msk.f32 $0xffff, v18;
	_ =	sdelay $0x3  }
0x57: {  	v19 =	vimm.s32 $0x5;
	_ =	sdelay $0x1  }
0x58: {  	v18, _, _ =	vpop (xrf0)  }
0x59: {  	v18 =	vbroadcast v18, $0xF;
	_ =	sdelay $0x1  }
0x5a: {  	[tilespmem:v19+s22+$0x0] =	vst.idx.msk $0x1, v18  }
0x5b: {  	v18 =	vld [tilespmem:$0x2060];
	_ =	sdelay $0x4  }
0x5c: {  	(xrf0) =	vmin.scan.msk.f32 $0xffff, v18;
	_ =	sdelay $0x3  }
0x5d: {  	v19 =	vimm.s32 $0x6;
	_ =	sdelay $0x1  }
0x5e: {  	v18, _, _ =	vpop (xrf0)  }
0x5f: {  	v18 =	vbroadcast v18, $0xF;
	_ =	sdelay $0x1  }
0x60: {  	[tilespmem:v19+s22+$0x0] =	vst.idx.msk $0x1, v18  }
0x61: {  	v18 =	vld [tilespmem:$0x2070];
	_ =	sdelay $0x4  }
0x62: {  	(xrf0) =	vmin.scan.msk.f32 $0xffff, v18;
	_ =	sdelay $0x3  }
0x63: {  	v19 =	vimm.s32 $0x7;
	_ =	sdelay $0x1  }
0x64: {  	v18, _, _ =	vpop (xrf0)  }
0x65: {  	v18 =	vbroadcast v18, $0xF;
	_ =	sdelay $0x1  }
0x66: {  	[tilespmem:v19+s22+$0x0] =	vst.idx.msk $0x1, v18  }
0x67: {  	v18 =	vld [tilespmem:$0x2080];
	_ =	sdelay $0x4  }
0x68: {  	(xrf0) =	vmin.scan.msk.f32 $0xffff, v18;
	_ =	sdelay $0x3  }
0x69: {  	v19 =	vimm.s32 $0x8;
	_ =	sdelay $0x1  }
0x6a: {  	v18, _, _ =	vpop (xrf0)  }
0x6b: {  	v18 =	vbroadcast v18, $0xF;
	_ =	sdelay $0x1  }
0x6c: {  	[tilespmem:v19+s22+$0x0] =	vst.idx.msk $0x1, v18  }
0x6d: {  	v18 =	vld [tilespmem:$0x2090];
	_ =	sdelay $0x4  }
0x6e: {  	(xrf0) =	vmin.scan.msk.f32 $0xffff, v18;
	_ =	sdelay $0x3  }
0x6f: {  	v19 =	vimm.s32 $0x9;
	_ =	sdelay $0x1  }
0x70: {  	v18, _, _ =	vpop (xrf0)  }
0x71: {  	v18 =	vbroadcast v18, $0xF;
	_ =	sdelay $0x1  }
0x72: {  	[tilespmem:v19+s22+$0x0] =	vst.idx.msk $0x1, v18  }
0x73: {  	v18 =	vld [tilespmem:$0x20A0];
	_ =	sdelay $0x4  }
0x74: {  	(xrf0) =	vmin.scan.msk.f32 $0xffff, v18;
	_ =	sdelay $0x3  }
0x75: {  	v19 =	vimm.s32 $0xA;
	_ =	sdelay $0x1  }
0x76: {  	v18, _, _ =	vpop (xrf0)  }
0x77: {  	v18 =	vbroadcast v18, $0xF;
	_ =	sdelay $0x1  }
0x78: {  	[tilespmem:v19+s22+$0x0] =	vst.idx.msk $0x1, v18  }
0x79: {  	v18 =	vld [tilespmem:$0x20B0];
	_ =	sdelay $0x4  }
0x7a: {  	(xrf0) =	vmin.scan.msk.f32 $0xffff, v18;
	_ =	sdelay $0x3  }
0x7b: {  	v19 =	vimm.s32 $0xB;
	_ =	sdelay $0x1  }
0x7c: {  	v18, _, _ =	vpop (xrf0)  }
0x7d: {  	v18 =	vbroadcast v18, $0xF;
	_ =	sdelay $0x1  }
0x7e: {  	[tilespmem:v19+s22+$0x0] =	vst.idx.msk $0x1, v18  }
0x7f: {  	v18 =	vld [tilespmem:$0x20C0];
	_ =	sdelay $0x4  }
0x80: {  	(xrf0) =	vmin.scan.msk.f32 $0xffff, v18;
	_ =	sdelay $0x3  }
0x81: {  	v19 =	vimm.s32 $0xC;
	_ =	sdelay $0x1  }
0x82: {  	v18, _, _ =	vpop (xrf0)  }
0x83: {  	v18 =	vbroadcast v18, $0xF;
	_ =	sdelay $0x1  }
0x84: {  	[tilespmem:v19+s22+$0x0] =	vst.idx.msk $0x1, v18  }
0x85: {  	v18 =	vld [tilespmem:$0x20D0];
	_ =	sdelay $0x4  }
0x86: {  	(xrf0) =	vmin.scan.msk.f32 $0xffff, v18;
	_ =	sdelay $0x3  }
0x87: {  	v19 =	vimm.s32 $0xD;
	_ =	sdelay $0x1  }
0x88: {  	v18, _, _ =	vpop (xrf0)  }
0x89: {  	v18 =	vbroadcast v18, $0xF;
	_ =	sdelay $0x1  }
0x8a: {  	[tilespmem:v19+s22+$0x0] =	vst.idx.msk $0x1, v18  }
0x8b: {  	v18 =	vld [tilespmem:$0x20E0];
	_ =	sdelay $0x4  }
0x8c: {  	(xrf0) =	vmin.scan.msk.f32 $0xffff, v18;
	_ =	sdelay $0x3  }
0x8d: {  	v19 =	vimm.s32 $0xE;
	_ =	sdelay $0x1  }
0x8e: {  	v18, _, _ =	vpop (xrf0)  }
0x8f: {  	v18 =	vbroadcast v18, $0xF;
	_ =	sdelay $0x1  }
0x90: {  	[tilespmem:v19+s22+$0x0] =	vst.idx.msk $0x1, v18  }
0x91: {  	v18 =	vld [tilespmem:$0x20F0];
	_ =	sdelay $0x4  }
0x92: {  	(xrf0) =	vmin.scan.msk.f32 $0xffff, v18;
	_ =	sdelay $0x3  }
0x93: {  	v19 =	vimm.s32 $0xF;
	_ =	sdelay $0x1  }
0x94: {  	v18, _, _ =	vpop (xrf0)  }
0x95: {  	v18 =	vbroadcast v18, $0xF;
	_ =	sdelay $0x1  }
0x96: {  	[tilespmem:v19+s22+$0x0] =	vst.idx.msk $0x1, v18  }
0x97: {  	v18 =	vld [tilespmem:$0x2100];
	_ =	sdelay $0x4  }
0x98: {  	(xrf0) =	vmin.scan.msk.f32 $0xffff, v18;
	_ =	sdelay $0x3  }
0x99: {  	v19 =	vimm.s32 $0x10;
	_ =	sdelay $0x1  }
0x9a: {  	v18, _, _ =	vpop (xrf0)  }
0x9b: {  	v18 =	vbroadcast v18, $0xF;
	_ =	sdelay $0x1  }
0x9c: {  	[tilespmem:v19+s22+$0x0] =	vst.idx.msk $0x1, v18  }
0x9d: {  	v18 =	vld [tilespmem:$0x2110];
	_ =	sdelay $0x4  }
0x9e: {  	(xrf0) =	vmin.scan.msk.f32 $0xffff, v18;
	_ =	sdelay $0x3  }
0x9f: {  	v19 =	vimm.s32 $0x11;
	_ =	sdelay $0x1  }
0xa0: {  	v18, _, _ =	vpop (xrf0)  }
0xa1: {  	v18 =	vbroadcast v18, $0xF;
	_ =	sdelay $0x1  }
0xa2: {  	[tilespmem:v19+s22+$0x0] =	vst.idx.msk $0x1, v18  }
0xa3: {  	v18 =	vld [tilespmem:$0x2120];
	_ =	sdelay $0x4  }
0xa4: {  	(xrf0) =	vmin.scan.msk.f32 $0xffff, v18;
	_ =	sdelay $0x3  }
0xa5: {  	v19 =	vimm.s32 $0x12;
	_ =	sdelay $0x1  }
0xa6: {  	v18, _, _ =	vpop (xrf0)  }
0xa7: {  	v18 =	vbroadcast v18, $0xF;
	_ =	sdelay $0x1  }
0xa8: {  	[tilespmem:v19+s22+$0x0] =	vst.idx.msk $0x1, v18  }
0xa9: {  	v18 =	vld [tilespmem:$0x2130];
	_ =	sdelay $0x4  }
0xaa: {  	(xrf0) =	vmin.scan.msk.f32 $0xffff, v18;
	_ =	sdelay $0x3  }
0xab: {  	v19 =	vimm.s32 $0x13;
	_ =	sdelay $0x1  }
0xac: {  	v18, _, _ =	vpop (xrf0)  }
0xad: {  	v18 =	vbroadcast v18, $0xF;
	_ =	sdelay $0x1  }
0xae: {  	[tilespmem:v19+s22+$0x0] =	vst.idx.msk $0x1, v18  }
0xaf: {  	v18 =	vld [tilespmem:$0x2140];
	_ =	sdelay $0x4  }
0xb0: {  	(xrf0) =	vmin.scan.msk.f32 $0xffff, v18;
	_ =	sdelay $0x3  }
0xb1: {  	v19 =	vimm.s32 $0x14;
	_ =	sdelay $0x1  }
0xb2: {  	v18, _, _ =	vpop (xrf0)  }
0xb3: {  	v18 =	vbroadcast v18, $0xF;
	_ =	sdelay $0x1  }
0xb4: {  	[tilespmem:v19+s22+$0x0] =	vst.idx.msk $0x1, v18  }
0xb5: {  	v18 =	vld [tilespmem:$0x2150];
	_ =	sdelay $0x4  }
0xb6: {  	(xrf0) =	vmin.scan.msk.f32 $0xffff, v18;
	_ =	sdelay $0x3  }
0xb7: {  	v19 =	vimm.s32 $0x15;
	_ =	sdelay $0x1  }
0xb8: {  	v18, _, _ =	vpop (xrf0)  }
0xb9: {  	v18 =	vbroadcast v18, $0xF;
	_ =	sdelay $0x1  }
0xba: {  	[tilespmem:v19+s22+$0x0] =	vst.idx.msk $0x1, v18  }
0xbb: {  	v18 =	vld [tilespmem:$0x2160];
	_ =	sdelay $0x4  }
0xbc: {  	(xrf0) =	vmin.scan.msk.f32 $0xffff, v18;
	_ =	sdelay $0x3  }
0xbd: {  	v19 =	vimm.s32 $0x16;
	_ =	sdelay $0x1  }
0xbe: {  	v18, _, _ =	vpop (xrf0)  }
0xbf: {  	v18 =	vbroadcast v18, $0xF;
	_ =	sdelay $0x1  }
0xc0: {  	[tilespmem:v19+s22+$0x0] =	vst.idx.msk $0x1, v18  }
0xc1: {  	v18 =	vld [tilespmem:$0x2170];
	_ =	sdelay $0x4  }
0xc2: {  	(xrf0) =	vmin.scan.msk.f32 $0xffff, v18;
	_ =	sdelay $0x3  }
0xc3: {  	v19 =	vimm.s32 $0x17;
	_ =	sdelay $0x1  }
0xc4: {  	v18, _, _ =	vpop (xrf0)  }
0xc5: {  	v18 =	vbroadcast v18, $0xF;
	_ =	sdelay $0x1  }
0xc6: {  	[tilespmem:v19+s22+$0x0] =	vst.idx.msk $0x1, v18  }
0xc7: {  	v18 =	vld [tilespmem:$0x2180];
	_ =	sdelay $0x4  }
0xc8: {  	(xrf0) =	vmin.scan.msk.f32 $0xffff, v18;
	_ =	sdelay $0x3  }
0xc9: {  	v19 =	vimm.s32 $0x18;
	_ =	sdelay $0x1  }
0xca: {  	v18, _, _ =	vpop (xrf0)  }
0xcb: {  	v18 =	vbroadcast v18, $0xF;
	_ =	sdelay $0x1  }
0xcc: {  	[tilespmem:v19+s22+$0x0] =	vst.idx.msk $0x1, v18  }
0xcd: {  	v18 =	vld [tilespmem:$0x2190];
	_ =	sdelay $0x4  }
0xce: {  	(xrf0) =	vmin.scan.msk.f32 $0xffff, v18;
	_ =	sdelay $0x3  }
0xcf: {  	v19 =	vimm.s32 $0x19;
	_ =	sdelay $0x1  }
0xd0: {  	v18, _, _ =	vpop (xrf0)  }
0xd1: {  	v18 =	vbroadcast v18, $0xF;
	_ =	sdelay $0x1  }
0xd2: {  	[tilespmem:v19+s22+$0x0] =	vst.idx.msk $0x1, v18  }
0xd3: {  	v18 =	vld [tilespmem:$0x21A0];
	_ =	sdelay $0x4  }
0xd4: {  	(xrf0) =	vmin.scan.msk.f32 $0xffff, v18;
	_ =	sdelay $0x3  }
0xd5: {  	v19 =	vimm.s32 $0x1A;
	_ =	sdelay $0x1  }
0xd6: {  	v18, _, _ =	vpop (xrf0)  }
0xd7: {  	v18 =	vbroadcast v18, $0xF;
	_ =	sdelay $0x1  }
0xd8: {  	[tilespmem:v19+s22+$0x0] =	vst.idx.msk $0x1, v18  }
0xd9: {  	v18 =	vld [tilespmem:$0x21B0];
	_ =	sdelay $0x4  }
0xda: {  	(xrf0) =	vmin.scan.msk.f32 $0xffff, v18;
	_ =	sdelay $0x3  }
0xdb: {  	v19 =	vimm.s32 $0x1B;
	_ =	sdelay $0x1  }
0xdc: {  	v18, _, _ =	vpop (xrf0)  }
0xdd: {  	v18 =	vbroadcast v18, $0xF;
	_ =	sdelay $0x1  }
0xde: {  	[tilespmem:v19+s22+$0x0] =	vst.idx.msk $0x1, v18  }
0xdf: {  	v18 =	vld [tilespmem:$0x21C0];
	_ =	sdelay $0x4  }
0xe0: {  	(xrf0) =	vmin.scan.msk.f32 $0xffff, v18;
	_ =	sdelay $0x3  }
0xe1: {  	v19 =	vimm.s32 $0x1C;
	_ =	sdelay $0x1  }
0xe2: {  	v18, _, _ =	vpop (xrf0)  }
0xe3: {  	v18 =	vbroadcast v18, $0xF;
	_ =	sdelay $0x1  }
0xe4: {  	[tilespmem:v19+s22+$0x0] =	vst.idx.msk $0x1, v18  }
0xe5: {  	v18 =	vld [tilespmem:$0x21D0];
	_ =	sdelay $0x4  }
0xe6: {  	(xrf0) =	vmin.scan.msk.f32 $0xffff, v18;
	_ =	sdelay $0x3  }
0xe7: {  	v19 =	vimm.s32 $0x1D;
	_ =	sdelay $0x1  }
0xe8: {  	v18, _, _ =	vpop (xrf0)  }
0xe9: {  	v18 =	vbroadcast v18, $0xF;
	_ =	sdelay $0x1  }
0xea: {  	[tilespmem:v19+s22+$0x0] =	vst.idx.msk $0x1, v18  }
0xeb: {  	v18 =	vld [tilespmem:$0x21E0];
	_ =	sdelay $0x4  }
0xec: {  	(xrf0) =	vmin.scan.msk.f32 $0xffff, v18;
	_ =	sdelay $0x3  }
0xed: {  	v19 =	vimm.s32 $0x1E;
	_ =	sdelay $0x1  }
0xee: {  	v18, _, _ =	vpop (xrf0)  }
0xef: {  	v18 =	vbroadcast v18, $0xF;
	_ =	sdelay $0x1  }
0xf0: {  	[tilespmem:v19+s22+$0x0] =	vst.idx.msk $0x1, v18  }
0xf1: {  	v18 =	vld [tilespmem:$0x21F0];
	_ =	sdelay $0x4  }
0xf2: {  	(xrf0) =	vmin.scan.msk.f32 $0xffff, v18;
	_ =	sdelay $0x3  }
0xf3: {  	v19 =	vimm.s32 $0x1F;
	_ =	sdelay $0x1  }
0xf4: {  	v18, _, _ =	vpop (xrf0)  }
0xf5: {  	v18 =	vbroadcast v18, $0xF;
	_ =	sdelay $0x1  }
0xf6: {  	[tilespmem:v19+s22+$0x0] =	vst.idx.msk $0x1, v18  }
0xf7: {  	v18 =	vld [tilespmem:$0x2200];
	_ =	sdelay $0x4  }
0xf8: {  	(xrf0) =	vmin.scan.msk.f32 $0xffff, v18;
	_ =	sdelay $0x5  }
0xf9: {  	v18, _, _ =	vpop (xrf0)  }
0xfa: {  	v18 =	vbroadcast v18, $0xF;
	_ =	sdelay $0x1  }
0xfb: {  	[tilespmem:v40+s22+$0x0] =	vst.idx.msk $0x1, v18  }
0xfc: {  	v18 =	vld [tilespmem:$0x2210];
	_ =	sdelay $0x4  }
0xfd: {  	(xrf0) =	vmin.scan.msk.f32 $0xffff, v18;
	_ =	sdelay $0x5  }
0xfe: {  	v18, _, _ =	vpop (xrf0)  }
0xff: {  	v18 =	vbroadcast v18, $0xF;
	_ =	sdelay $0x1  }
0x100: {  	[tilespmem:v41+s22+$0x0] =	vst.idx.msk $0x1, v18  }
0x101: {  	v18 =	vld [tilespmem:$0x2220];
	_ =	sdelay $0x4  }
0x102: {  	(xrf0) =	vmin.scan.msk.f32 $0xffff, v18;
	_ =	sdelay $0x5  }
0x103: {  	v18, _, _ =	vpop (xrf0)  }
0x104: {  	v18 =	vbroadcast v18, $0xF;
	_ =	sdelay $0x1  }
0x105: {  	[tilespmem:v42+s22+$0x0] =	vst.idx.msk $0x1, v18  }
0x106: {  	v18 =	vld [tilespmem:$0x2230];
	_ =	sdelay $0x4  }
0x107: {  	(xrf0) =	vmin.scan.msk.f32 $0xffff, v18;
	_ =	sdelay $0x5  }
0x108: {  	v18, _, _ =	vpop (xrf0)  }
0x109: {  	v18 =	vbroadcast v18, $0xF;
	_ =	sdelay $0x1  }
0x10a: {  	[tilespmem:v43+s22+$0x0] =	vst.idx.msk $0x1, v18  }
0x10b: {  	v18 =	vld [tilespmem:$0x2240];
	_ =	sdelay $0x4  }
0x10c: {  	(xrf0) =	vmin.scan.msk.f32 $0xffff, v18;
	_ =	sdelay $0x5  }
0x10d: {  	v18, _, _ =	vpop (xrf0)  }
0x10e: {  	v18 =	vbroadcast v18, $0xF;
	_ =	sdelay $0x1  }
0x10f: {  	[tilespmem:v44+s22+$0x0] =	vst.idx.msk $0x1, v18  }
0x110: {  	v18 =	vld [tilespmem:$0x2250];
	_ =	sdelay $0x4  }
0x111: {  	(xrf0) =	vmin.scan.msk.f32 $0xffff, v18;
	_ =	sdelay $0x5  }
0x112: {  	v18, _, _ =	vpop (xrf0)  }
0x113: {  	v18 =	vbroadcast v18, $0xF;
	_ =	sdelay $0x1  }
0x114: {  	[tilespmem:v45+s22+$0x0] =	vst.idx.msk $0x1, v18  }
0x115: {  	v18 =	vld [tilespmem:$0x2260];
	_ =	sdelay $0x4  }
0x116: {  	(xrf0) =	vmin.scan.msk.f32 $0xffff, v18;
	_ =	sdelay $0x5  }
0x117: {  	v18, _, _ =	vpop (xrf0)  }
0x118: {  	v18 =	vbroadcast v18, $0xF;
	_ =	sdelay $0x1  }
0x119: {  	[tilespmem:v46+s22+$0x0] =	vst.idx.msk $0x1, v18  }
0x11a: {  	v18 =	vld [tilespmem:$0x2270];
	_ =	sdelay $0x4  }
0x11b: {  	(xrf0) =	vmin.scan.msk.f32 $0xffff, v18;
	_ =	sdelay $0x5  }
0x11c: {  	v18, _, _ =	vpop (xrf0)  }
0x11d: {  	v18 =	vbroadcast v18, $0xF;
	_ =	sdelay $0x1  }
0x11e: {  	[tilespmem:v47+s22+$0x0] =	vst.idx.msk $0x1, v18  }
0x11f: {  	v18 =	vld [tilespmem:$0x2280];
	_ =	sdelay $0x4  }
0x120: {  	(xrf0) =	vmin.scan.msk.f32 $0xffff, v18;
	_ =	sdelay $0x5  }
0x121: {  	v18, _, _ =	vpop (xrf0)  }
0x122: {  	v18 =	vbroadcast v18, $0xF;
	_ =	sdelay $0x1  }
0x123: {  	[tilespmem:v48+s22+$0x0] =	vst.idx.msk $0x1, v18  }
0x124: {  	v18 =	vld [tilespmem:$0x2290];
	_ =	sdelay $0x4  }
0x125: {  	(xrf0) =	vmin.scan.msk.f32 $0xffff, v18;
	_ =	sdelay $0x5  }
0x126: {  	v18, _, _ =	vpop (xrf0)  }
0x127: {  	v18 =	vbroadcast v18, $0xF;
	_ =	sdelay $0x1  }
0x128: {  	[tilespmem:v49+s22+$0x0] =	vst.idx.msk $0x1, v18  }
0x129: {  	v18 =	vld [tilespmem:$0x22A0];
	_ =	sdelay $0x4  }
0x12a: {  	(xrf0) =	vmin.scan.msk.f32 $0xffff, v18;
	_ =	sdelay $0x5  }
0x12b: {  	v18, _, _ =	vpop (xrf0)  }
0x12c: {  	v18 =	vbroadcast v18, $0xF;
	_ =	sdelay $0x1  }
0x12d: {  	[tilespmem:v50+s22+$0x0] =	vst.idx.msk $0x1, v18  }
0x12e: {  	v18 =	vld [tilespmem:$0x22B0];
	_ =	sdelay $0x4  }
0x12f: {  	(xrf0) =	vmin.scan.msk.f32 $0xffff, v18;
	_ =	sdelay $0x5  }
0x130: {  	v18, _, _ =	vpop (xrf0)  }
0x131: {  	v18 =	vbroadcast v18, $0xF;
	_ =	sdelay $0x1  }
0x132: {  	[tilespmem:v51+s22+$0x0] =	vst.idx.msk $0x1, v18  }
0x133: {  	v18 =	vld [tilespmem:$0x22C0];
	_ =	sdelay $0x4  }
0x134: {  	(xrf0) =	vmin.scan.msk.f32 $0xffff, v18;
	_ =	sdelay $0x5  }
0x135: {  	v18, _, _ =	vpop (xrf0)  }
0x136: {  	v18 =	vbroadcast v18, $0xF;
	_ =	sdelay $0x1  }
0x137: {  	[tilespmem:v52+s22+$0x0] =	vst.idx.msk $0x1, v18  }
0x138: {  	v18 =	vld [tilespmem:$0x22D0];
	_ =	sdelay $0x4  }
0x139: {  	(xrf0) =	vmin.scan.msk.f32 $0xffff, v18;
	_ =	sdelay $0x5  }
0x13a: {  	v18, _, _ =	vpop (xrf0)  }
0x13b: {  	v18 =	vbroadcast v18, $0xF;
	_ =	sdelay $0x1  }
0x13c: {  	[tilespmem:v53+s22+$0x0] =	vst.idx.msk $0x1, v18  }
0x13d: {  	v18 =	vld [tilespmem:$0x22E0];
	_ =	sdelay $0x4  }
0x13e: {  	(xrf0) =	vmin.scan.msk.f32 $0xffff, v18;
	_ =	sdelay $0x5  }
0x13f: {  	v18, _, _ =	vpop (xrf0)  }
0x140: {  	v18 =	vbroadcast v18, $0xF;
	_ =	sdelay $0x1  }
0x141: {  	[tilespmem:v54+s22+$0x0] =	vst.idx.msk $0x1, v18  }
0x142: {  	v18 =	vld [tilespmem:$0x22F0];
	_ =	sdelay $0x4  }
0x143: {  	(xrf0) =	vmin.scan.msk.f32 $0xffff, v18;
	_ =	sdelay $0x5  }
0x144: {  	v18, _, _ =	vpop (xrf0)  }
0x145: {  	v18 =	vbroadcast v18, $0xF;
	_ =	sdelay $0x1  }
0x146: {  	[tilespmem:v55+s22+$0x0] =	vst.idx.msk $0x1, v18  }
0x147: {  	v18 =	vld [tilespmem:$0x2300];
	_ =	sdelay $0x4  }
0x148: {  	(xrf0) =	vmin.scan.msk.f32 $0xffff, v18;
	_ =	sdelay $0x5  }
0x149: {  	v18, _, _ =	vpop (xrf0)  }
0x14a: {  	v18 =	vbroadcast v18, $0xF;
	_ =	sdelay $0x1  }
0x14b: {  	[tilespmem:v56+s22+$0x0] =	vst.idx.msk $0x1, v18  }
0x14c: {  	v18 =	vld [tilespmem:$0x2310];
	_ =	sdelay $0x4  }
0x14d: {  	(xrf0) =	vmin.scan.msk.f32 $0xffff, v18;
	_ =	sdelay $0x5  }
0x14e: {  	v18, _, _ =	vpop (xrf0)  }
0x14f: {  	v18 =	vbroadcast v18, $0xF;
	_ =	sdelay $0x1  }
0x150: {  	[tilespmem:v57+s22+$0x0] =	vst.idx.msk $0x1, v18  }
0x151: {  	v18 =	vld [tilespmem:$0x2320];
	_ =	sdelay $0x4  }
0x152: {  	(xrf0) =	vmin.scan.msk.f32 $0xffff, v18;
	_ =	sdelay $0x5  }
0x153: {  	v18, _, _ =	vpop (xrf0)  }
0x154: {  	v18 =	vbroadcast v18, $0xF;
	_ =	sdelay $0x1  }
0x155: {  	[tilespmem:v58+s22+$0x0] =	vst.idx.msk $0x1, v18  }
0x156: {  	v18 =	vld [tilespmem:$0x2330];
	_ =	sdelay $0x4  }
0x157: {  	(xrf0) =	vmin.scan.msk.f32 $0xffff, v18;
	_ =	sdelay $0x5  }
0x158: {  	v18, _, _ =	vpop (xrf0)  }
0x159: {  	v18 =	vbroadcast v18, $0xF;
	_ =	sdelay $0x1  }
0x15a: {  	[tilespmem:v59+s22+$0x0] =	vst.idx.msk $0x1, v18  }
0x15b: {  	v18 =	vld [tilespmem:$0x2340];
	_ =	sdelay $0x4  }
0x15c: {  	(xrf0) =	vmin.scan.msk.f32 $0xffff, v18;
	_ =	sdelay $0x5  }
0x15d: {  	v18, _, _ =	vpop (xrf0)  }
0x15e: {  	v18 =	vbroadcast v18, $0xF;
	_ =	sdelay $0x1  }
0x15f: {  	[tilespmem:v60+s22+$0x0] =	vst.idx.msk $0x1, v18  }
0x160: {  	v18 =	vld [tilespmem:$0x2350];
	_ =	sdelay $0x4  }
0x161: {  	(xrf0) =	vmin.scan.msk.f32 $0xffff, v18;
	_ =	sdelay $0x5  }
0x162: {  	v18, _, _ =	vpop (xrf0)  }
0x163: {  	v18 =	vbroadcast v18, $0xF;
	_ =	sdelay $0x1  }
0x164: {  	[tilespmem:v61+s22+$0x0] =	vst.idx.msk $0x1, v18  }
0x165: {  	v18 =	vld [tilespmem:$0x2360];
	_ =	sdelay $0x4  }
0x166: {  	(xrf0) =	vmin.scan.msk.f32 $0xffff, v18;
	_ =	sdelay $0x5  }
0x167: {  	v18, _, _ =	vpop (xrf0)  }
0x168: {  	v18 =	vbroadcast v18, $0xF;
	_ =	sdelay $0x1  }
0x169: {  	[tilespmem:v62+s22+$0x0] =	vst.idx.msk $0x1, v18  }
0x16a: {  	v18 =	vld [tilespmem:$0x2370];
	_ =	sdelay $0x4  }
0x16b: {  	(xrf0) =	vmin.scan.msk.f32 $0xffff, v18;
	_ =	sdelay $0x5  }
0x16c: {  	v18, _, _ =	vpop (xrf0)  }
0x16d: {  	v18 =	vbroadcast v18, $0xF;
	_ =	sdelay $0x1  }
0x16e: {  	[tilespmem:v63+s22+$0x0] =	vst.idx.msk $0x1, v18  }
0x16f: {  	v18 =	vld [tilespmem:$0x2380];
	_ =	sdelay $0x4  }
0x170: {  	(xrf0) =	vmin.scan.msk.f32 $0xffff, v18;
	_ =	sdelay $0x5  }
0x171: {  	v18, _, _ =	vpop (xrf0)  }
0x172: {  	v18 =	vbroadcast v18, $0xF;
	_ =	sdelay $0x1  }
0x173: {  	[tilespmem:v8+s22+$0x0] =	vst.idx.msk $0x1, v18  }
0x174: {  	v18 =	vld [tilespmem:$0x2390];
	_ =	sdelay $0x4  }
0x175: {  	(xrf0) =	vmin.scan.msk.f32 $0xffff, v18;
	_ =	sdelay $0x5  }
0x176: {  	v18, _, _ =	vpop (xrf0)  }
0x177: {  	v18 =	vbroadcast v18, $0xF;
	_ =	sdelay $0x1  }
0x178: {  	[tilespmem:v9+s22+$0x0] =	vst.idx.msk $0x1, v18  }
0x179: {  	v18 =	vld [tilespmem:$0x23A0];
	_ =	sdelay $0x4  }
0x17a: {  	(xrf0) =	vmin.scan.msk.f32 $0xffff, v18;
	_ =	sdelay $0x5  }
0x17b: {  	v18, _, _ =	vpop (xrf0)  }
0x17c: {  	v18 =	vbroadcast v18, $0xF;
	_ =	sdelay $0x1  }
0x17d: {  	[tilespmem:v10+s22+$0x0] =	vst.idx.msk $0x1, v18  }
0x17e: {  	v18 =	vld [tilespmem:$0x23B0];
	_ =	sdelay $0x4  }
0x17f: {  	(xrf0) =	vmin.scan.msk.f32 $0xffff, v18;
	_ =	sdelay $0x5  }
0x180: {  	v18, _, _ =	vpop (xrf0)  }
0x181: {  	v18 =	vbroadcast v18, $0xF;
	_ =	sdelay $0x1  }
0x182: {  	[tilespmem:v11+s22+$0x0] =	vst.idx.msk $0x1, v18  }
0x183: {  	v18 =	vld [tilespmem:$0x23C0];
	_ =	sdelay $0x4  }
0x184: {  	(xrf0) =	vmin.scan.msk.f32 $0xffff, v18;
	_ =	sdelay $0x5  }
0x185: {  	v18, _, _ =	vpop (xrf0)  }
0x186: {  	v18 =	vbroadcast v18, $0xF;
	_ =	sdelay $0x1  }
0x187: {  	[tilespmem:v12+s22+$0x0] =	vst.idx.msk $0x1, v18  }
0x188: {  	v18 =	vld [tilespmem:$0x23D0];
	_ =	sdelay $0x4  }
0x189: {  	(xrf0) =	vmin.scan.msk.f32 $0xffff, v18;
	_ =	sdelay $0x5  }
0x18a: {  	v18, _, _ =	vpop (xrf0)  }
0x18b: {  	v18 =	vbroadcast v18, $0xF;
	_ =	sdelay $0x1  }
0x18c: {  	[tilespmem:v13+s22+$0x0] =	vst.idx.msk $0x1, v18  }
0x18d: {  	v18 =	vld [tilespmem:$0x23E0];
	_ =	sdelay $0x4  }
0x18e: {  	(xrf0) =	vmin.scan.msk.f32 $0xffff, v18;
	_ =	sdelay $0x5  }
0x18f: {  	v18, _, _ =	vpop (xrf0)  }
0x190: {  	v18 =	vbroadcast v18, $0xF;
	_ =	sdelay $0x1  }
0x191: {  	[tilespmem:v14+s22+$0x0] =	vst.idx.msk $0x1, v18  }
0x192: {  	v18 =	vld [tilespmem:$0x23F0];
	_ =	sdelay $0x4  }
0x193: {  	(xrf0) =	vmin.scan.msk.f32 $0xffff, v18;
	_ =	sdelay $0x5  }
0x194: {  	v18, _, _ =	vpop (xrf0)  }
0x195: {  	v18 =	vbroadcast v18, $0xF;
	_ =	sdelay $0x1  }
0x196: {  	[tilespmem:v15+s22+$0x0] =	vst.idx.msk $0x1, v18  }
0x197: {  	v18 =	vld [tilespmem:$0x2400]  }
0x198: {  	v19 =	vld [tilespmem:$0x2420]  }
0x199: {  	v20 =	vld [tilespmem:$0x2430]  }
0x19a: {  	v21 =	vld [tilespmem:$0x2410];
	_ =	sdelay $0x4  }
0x19b: {  	v22 =	vmin.f32 v18, v21;
	v23 =	vmin.f32 v19, v20  }
0x19c: {  	v22 =	vmin.f32 v22, v23  }
0x19d: {  	(xrf0) =	vmin.scan.msk.f32 $0xffff, v22;
	_ =	sdelay $0x5  }
0x19e: {  	v22, _, _ =	vpop (xrf0)  }
0x19f: {  	v22 =	vbroadcast v22, $0xF;
	_ =	sdelay $0x1  }
0x1a0: {  	vm0 =	veq.f32 v19, v22  }
0x1a1: {  	vm1 =	veq.f32 v21, v22;
	v19 =	vmctz.xlane vm0  }
0x1a2: {  	vm13 =	veq.f32 v20, v22;
	v20 =	vmctz.xlane vm1  }
0x1a3: {  	vm14 =	veq.f32 v18, v22;
	v18 =	vmctz.xlane vm13;
	v19 =	vxor.u32 $0x80000000, v19  }
0x1a4: {  	v20 =	vxor.u32 $0x80000000, v20;
	(xrf0) =	vmax.scan.msk.u32 $0xffff, v19;
	v19 =	vmctz.xlane vm14  }
0x1a5: {  	v18 =	vxor.u32 $0x80000000, v18;
	(xrf0) =	vmax.scan.msk.u32 $0xffff, v20  }
0x1a6: {  	v19 =	vxor.u32 $0x80000000, v19;
	(xrf0) =	vmax.scan.msk.u32 $0xffff, v18  }
0x1a7: {  	(xrf0) =	vmax.scan.msk.u32 $0xffff, v19;
	_ =	sdelay $0x2  }
0x1a8: {  	v18, _, _ =	vpop (xrf0)  }
0x1a9: {  	v19, _, _ =	vpop (xrf0);
	(v2sf) =	vpush v18, $0xF  }
0x1aa: {  	(v2sf) =	vpush v19, $0xF;
	v18, _, _ =	vpop (xrf0)  }
0x1ab: {  	v19, _, _ =	vpop (xrf0);
	(v2sf) =	vpush v18, $0xF  }
0x1ac: {  	(v2sf) =	vpush v19, $0xF;
	_ =	sdelay $0xb  }
0x1ad: {  	s17 =	spop (v2sf)  }
0x1ae: {  	s21 =	spop (v2sf)  }
0x1af: {  	s19 =	sadd.s32 $0x80000020, s17;
	p0 =	slt.u32 s17, $0x80000010;
	s20 =	spop (v2sf)  }
0x1b0: {  	s18 =	sadd.s32 $0x80000010, s21;
	s16 =	sadd.s32 $0x80000030, s20;
	s28 =	spop (v2sf)  }
0x1b1: {  	p1 =	slt.u32 s21, $0x80000010;
	s20 =	sxor.u32 $0x80000000, s28;
	s16 =	smov.u32 @p0 s19  }
0x1b2: {  	p0 =	slt.s32 s20, $0x10;
	s16 =	smov.u32 @p1 s18  }
0x1b3: {  	s16 =	smov.u32 @p0 s20  }
0x1b4: {  	s17 =	sshll.u32 s16, $0x4  }
0x1b5: {  	v18 =	vld [tilespmem:s17+$0x2000];
	_ =	sdelay $0x4  }
0x1b6: {  	vm15 =	veq.f32 v18, v22  }
0x1b7: {  	v18 =	vmctz.xlane vm15;
	_ =	sdelay $0x1  }
0x1b8: {  	v18 =	vxor.u32 $0x80000000, v18  }
0x1b9: {  	(xrf0) =	vmax.scan.msk.u32 $0xffff, v18;
	_ =	sdelay $0x5  }
0x1ba: {  	v18, _, _ =	vpop (xrf0)  }
0x1bb: {  	(v2sf) =	vpush v18, $0xF;
	_ =	sdelay $0xe  }
0x1bc: {  	s20 =	spop (v2sf)  }
0x1bd: {  	s18 =	sadd.s32 s20, s17  }
0x1be: {  	s18 =	sadd.s32 $0x80000000, s18  }
0x1bf: {  	s21 =	smul.u32 $0xC8000, s31;
	s28 =	sshrl.u32 s18, $0x7  }
0x1c0: {  	s15 =	sor.u32 s10, s15;
	s31 =	sshll.u32 s18, $0x7;
	s20 =	smul.u32 $0x3200, s28  }
0x1c1: {  	s15 =	sadd.s32 s21, s15;
	s21 =	sand.u32 $0x3F80, s31  }
0x1c2: {  	s15 =	sshrl.u32 s15, $0x3;
	v18 =	vmov s12;
	s19 =	sadd.s32 s21, s20  }
0x1c3: {  	v19 =	vmov s18;
	s28 =	sadd.s32 s19, s15  }
0x1c4: {  	s18 =	sand.u32 $0x1FFFFFF0, s28  }
0x1c5: {  	s18 =	sadd.s32 s4, s18  }
0x1c6: {  	[tilespmem:s12], [sflag:$0x1] =	stream.linear.gather [hbm4b:s18+s3], $0x80, $0x38;
	[tilespmem:$0x4680] =	vst v63  }
0x1c7: {  	[tilespmem:v18+s23+$0x0] =	vst.idx.msk $0x1, v22  }
0x1c8: {  	[tilespmem:v19+s13+$0x0] =	vst.idx.msk $0x1, v16  }
0x1c9: {  	v18 =	vld [tilespmem:s17+$0x2000];
	_ =	sdelay $0x4  }
0x1ca: {  	(xrf0) =	vmin.scan.msk.f32 $0xffff, v18;
	_ =	sdelay $0x3  }
0x1cb: {  	v18 =	vmov s16;
	_ =	sdelay $0x1  }
0x1cc: {  	s31 =	simm.s32 $0x1;
	[smem:s12] =	sst s19;
	s16 =	simm.s32 $0x0;
	v19, _, _ =	vpop (xrf0)  }
.LBB2_3:
0x1cd: {  	p0 =	sne.s32 s31, $0x3F;
	v19 =	vbroadcast v19, $0xF;
	s12 =	sadd.s32 $0x80, s12;
	s16 =	sadd.s32 $0x1, s16  }
0x1ce: {  	s17 =	smov.u32 s31;
	s31 =	sadd.s32 $0x1, s31  }
0x1cf: {  	[tilespmem:v18+s22+$0x0] =	vst.idx.msk $0x1, v19  }
0x1d0: {  	v19 =	vld [tilespmem:$0x2400]  }
0x1d1: {  	v20 =	vld [tilespmem:$0x2420]  }
0x1d2: {  	v21 =	vld [tilespmem:$0x2430]  }
0x1d3: {  	v22 =	vld [tilespmem:$0x2410];
	_ =	sdelay $0x4  }
0x1d4: {  	v23 =	vmin.f32 v20, v21;
	v18 =	vmin.f32 v19, v22  }
0x1d5: {  	v18 =	vmin.f32 v18, v23  }
0x1d6: {  	(xrf0) =	vmin.scan.msk.f32 $0xffff, v18;
	_ =	sdelay $0x5  }
0x1d7: {  	v18, _, _ =	vpop (xrf0)  }
0x1d8: {  	v18 =	vbroadcast v18, $0xF;
	_ =	sdelay $0x1  }
0x1d9: {  	vm0 =	veq.f32 v22, v18;
	vm1 =	veq.f32 v20, v18;
	vm2 =	veq.f32 v21, v18  }
0x1da: {  	vm3 =	veq.f32 v19, v18;
	v19 =	vmctz.xlane vm0;
	v20 =	vmctz.xlane vm1  }
0x1db: {  	v21 =	vmctz.xlane vm3;
	v22 =	vmctz.xlane vm2  }
0x1dc: {  	v19 =	vxor.u32 $0x80000000, v19;
	v20 =	vxor.u32 $0x80000000, v20  }
0x1dd: {  	v21 =	vxor.u32 $0x80000000, v21;
	v22 =	vxor.u32 $0x80000000, v22;
	(xrf0) =	vmax.scan.msk.u32 $0xffff, v20  }
0x1de: {  	(xrf0) =	vmax.scan.msk.u32 $0xffff, v19  }
0x1df: {  	(xrf0) =	vmax.scan.msk.u32 $0xffff, v22  }
0x1e0: {  	(xrf0) =	vmax.scan.msk.u32 $0xffff, v21;
	_ =	sdelay $0x2  }
0x1e1: {  	v19, _, _ =	vpop (xrf0)  }
0x1e2: {  	v20, _, _ =	vpop (xrf0);
	(v2sf) =	vpush v19, $0xF  }
0x1e3: {  	(v2sf) =	vpush v20, $0xF;
	v19, _, _ =	vpop (xrf0)  }
0x1e4: {  	v20, _, _ =	vpop (xrf0);
	(v2sf) =	vpush v19, $0xF  }
0x1e5: {  	(v2sf) =	vpush v20, $0xF;
	_ =	sdelay $0xb  }
0x1e6: {  	s18 =	spop (v2sf)  }
0x1e7: {  	s19 =	spop (v2sf)  }
0x1e8: {  	s21 =	sadd.s32 $0x80000020, s18;
	s20 =	sadd.s32 $0x80000010, s19;
	s28 =	spop (v2sf)  }
0x1e9: {  	p1 =	slt.u32 s18, $0x80000010;
	s18 =	sadd.s32 $0x80000030, s28;
	s28 =	spop (v2sf)  }
0x1ea: {  	p2 =	slt.u32 s19, $0x80000010;
	s28 =	sxor.u32 $0x80000000, s28;
	s18 =	smov.u32 @p1 s21  }
0x1eb: {  	p1 =	slt.s32 s28, $0x10;
	s18 =	smov.u32 @p2 s20  }
0x1ec: {  	s18 =	smov.u32 @p1 s28  }
0x1ed: {  	s19 =	sshll.u32 s18, $0x4  }
0x1ee: {  	v19 =	vld [tilespmem:s19+$0x2000];
	_ =	sdelay $0x4  }
0x1ef: {  	vm0 =	veq.f32 v19, v18  }
0x1f0: {  	v19 =	vmctz.xlane vm0;
	_ =	sdelay $0x1  }
0x1f1: {  	v19 =	vxor.u32 $0x80000000, v19  }
0x1f2: {  	(xrf0) =	vmax.scan.msk.u32 $0xffff, v19;
	_ =	sdelay $0x5  }
0x1f3: {  	v19, _, _ =	vpop (xrf0)  }
0x1f4: {  	(v2sf) =	vpush v19, $0xF;
	_ =	sdelay $0xe  }
0x1f5: {  	s20 =	spop (v2sf)  }
0x1f6: {  	s20 =	sadd.s32 s20, s19  }
0x1f7: {  	s20 =	sadd.s32 $0x80000000, s20  }
0x1f8: {  	s21 =	sshrl.u32 s20, $0x7;
	s28 =	sshll.u32 s20, $0x7  }
0x1f9: {  	s21 =	smul.u32 $0x3200, s21  }
0x1fa: {  	s28 =	sand.u32 $0x3F80, s28  }
0x1fb: {  	v19 =	vmov s17;
	s21 =	sadd.s32 s28, s21  }
0x1fc: {  	v20 =	vmov s20;
	[smem:s16] =	sst s21;
	s17 =	sadd.s32 s21, s15  }
0x1fd: {  	s17 =	sand.u32 $0x1FFFFFF0, s17  }
0x1fe: {  	s17 =	sadd.s32 s4, s17  }
0x1ff: {  	[tilespmem:s12], [sflag:$0x1] =	stream.linear.gather [hbm4b:s17+s3], $0x80, $0x38;
	[tilespmem:$0x4680] =	vst v63  }
0x200: {  	[tilespmem:v19+s23+$0x0] =	vst.idx.msk $0x1, v18  }
0x201: {  	[tilespmem:v20+s13+$0x0] =	vst.idx.msk $0x1, v16  }
0x202: {  	v18 =	vld [tilespmem:s19+$0x2000];
	_ =	sdelay $0x4  }
0x203: {  	(xrf0) =	vmin.scan.msk.f32 $0xffff, v18;
	_ =	sdelay $0x1  }
.Ltmp0:
0x204: {  	(pc) =	sbr.rel @p0 .LBB2_3-.Ltmp0, $3  }
0x205: {  	_ = 	snop  }
0x206: {  	v18 =	vmov s18;
	_ =	sdelay $0x1  }
0x207: {  	v19, _, _ =	vpop (xrf0)  }
0x208: {  	_ =	sdelay $0x1  }
0x209: {  	v19 =	vbroadcast v19, $0xF;
	_ =	sdelay $0x1  }
0x20a: {  	[tilespmem:v18+s22+$0x0] =	vst.idx.msk $0x1, v19  }
0x20b: {  	[tilespmem:$0x2500] =	vst v1  }
0x20c: {  	[tilespmem:$0x4600] =	vst v17  }
0x20d: {  	[tilespmem:$0x2510] =	vst v5  }
0x20e: {  	[tilespmem:$0x4610] =	vst v17  }
0x20f: {  	[tilespmem:$0x2520] =	vst v6  }
0x210: {  	[tilespmem:$0x4620] =	vst v17  }
0x211: {  	[tilespmem:$0x2530] =	vst v7  }
0x212: {  	[tilespmem:$0x4630] =	vst v17  }
0x213: {  	_ =	swait.ge [sflag:s24], $0x2000  }
0x214: {  	[sflag:s24] =	ssyncset.done $0x0  }
0x215: {  	[sflag:s24] =	ssyncadd.s32 $0xFFFFE000  }
0x216: {  	v18 =	vld [tilespmem:$0x2490]  }
0x217: {  	v19 =	vld [tilespmem:$0x24A0]  }
0x218: {  	v20 =	vld [tilespmem:$0x24B0]  }
0x219: {  	v21 =	vld [tilespmem:$0x2480];
	_ =	sdelay $0x4  }
0x21a: {  	v22 =	vmin.f32 v19, v20;
	v23 =	vmin.f32 v21, v18  }
0x21b: {  	v22 =	vmin.f32 v23, v22  }
0x21c: {  	(xrf0) =	vmin.scan.msk.f32 $0xffff, v22;
	_ =	sdelay $0x5  }
0x21d: {  	v22, _, _ =	vpop (xrf0)  }
0x21e: {  	v30 =	vbroadcast v22, $0xF;
	_ =	sdelay $0x1  }
0x21f: {  	vm0 =	veq.f32 v19, v30  }
0x220: {  	vm1 =	veq.f32 v18, v30;
	v18 =	vmctz.xlane vm0  }
0x221: {  	vm6 =	veq.f32 v20, v30;
	v19 =	vmctz.xlane vm1  }
0x222: {  	vm7 =	veq.f32 v21, v30;
	v20 =	vmctz.xlane vm6;
	v18 =	vxor.u32 $0x80000000, v18  }
0x223: {  	v21 =	vmctz.xlane vm7;
	v19 =	vxor.u32 $0x80000000, v19;
	(xrf0) =	vmax.scan.msk.u32 $0xffff, v18  }
0x224: {  	v18 =	vxor.u32 $0x80000000, v20;
	(xrf0) =	vmax.scan.msk.u32 $0xffff, v19  }
0x225: {  	v19 =	vxor.u32 $0x80000000, v21;
	(xrf0) =	vmax.scan.msk.u32 $0xffff, v18  }
0x226: {  	(xrf0) =	vmax.scan.msk.u32 $0xffff, v19;
	_ =	sdelay $0x2  }
0x227: {  	(v2sf) =	vpush v22, $0xF;
	v18, _, _ =	vpop (xrf0)  }
0x228: {  	v19, _, _ =	vpop (xrf0);
	(v2sf) =	vpush v18, $0xF  }
0x229: {  	(v2sf) =	vpush v19, $0xF;
	v18, _, _ =	vpop (xrf0)  }
0x22a: {  	v19, _, _ =	vpop (xrf0);
	(v2sf) =	vpush v18, $0xF  }
0x22b: {  	(v2sf) =	vpush v19, $0xF;
	_ =	sdelay $0xa  }
0x22c: {  	s15 =	spop (v2sf)  }
0x22d: {  	s12 =	spop (v2sf)  }
0x22e: {  	s16 =	spop (v2sf)  }
0x22f: {  	s18 =	sadd.s32 $0x80000020, s12;
	p0 =	slt.u32 s12, $0x80000010;
	s19 =	spop (v2sf)  }
0x230: {  	s17 =	sadd.s32 $0x80000010, s16;
	s12 =	sadd.s32 $0x80000030, s19;
	s31 =	spop (v2sf)  }
0x231: {  	p1 =	slt.u32 s16, $0x80000010;
	s19 =	sxor.u32 $0x80000000, s31;
	s12 =	smov.u32 @p0 s18  }
0x232: {  	p0 =	slt.s32 s19, $0x10;
	s12 =	smov.u32 @p1 s17  }
0x233: {  	s12 =	smov.u32 @p0 s19  }
0x234: {  	v22 =	vmov s12  }
0x235: {  	v28 =	vshll.u32 v22, $0x7  }
0x236: {  	v23 =	vor.u32 v0, v28;
	_ =	sdelay $0x2  }
0x237: {  	v24 =	vor.u32 v2, v28;
	_ =	sdelay $0x1  }
0x238: {  	v18 =	vld.idx.msk [tilespmem:v23+s3+$0x0], $0xffff  }
0x239: {  	v25 =	vor.u32 v3, v28;
	_ =	sdelay $0x1  }
0x23a: {  	v19 =	vld.idx.msk [tilespmem:v24+s3+$0x0], $0xffff  }
0x23b: {  	v26 =	vor.u32 v4, v28  }
0x23c: {  	vm8 =	veq.f32 v18, v30  }
0x23d: {  	v20 =	vld.idx.msk [tilespmem:v25+s3+$0x0], $0xffff;
	v18 =	vor.u32 $0x40, v0;
	v21 =	vmctz.xlane vm8  }
0x23e: {  	v27 =	vor.u32 v18, v28  }
0x23f: {  	vm9 =	veq.f32 v19, v30;
	v19 =	vor.u32 $0x50, v0;
	v21 =	vxor.u32 $0x80000000, v21  }
0x240: {  	v31 =	vld.idx.msk [tilespmem:v26+s3+$0x0], $0xffff;
	v32 =	vmctz.xlane vm9;
	v29 =	vor.u32 v19, v28;
	(xrf0) =	vmax.scan.msk.u32 $0xffff, v21;
	_ =	sdelay $0x1  }
0x241: {  	vm10 =	veq.f32 v20, v30;
	v21 =	vxor.u32 $0x80000000, v32  }
0x242: {  	v20 =	vor.u32 $0x60, v0;
	v33 =	vmctz.xlane vm10;
	(xrf0) =	vmax.scan.msk.u32 $0xffff, v21;
	v32 =	vld.idx.msk [tilespmem:v27+s3+$0x0], $0xffff  }
0x243: {  	v34 =	vor.u32 v20, v28  }
0x244: {  	vm11 =	veq.f32 v31, v30;
	v33 =	vxor.u32 $0x80000000, v33;
	v31 =	vld.idx.msk [tilespmem:v29+s3+$0x0], $0xffff  }
0x245: {  	v35 =	vmctz.xlane vm11;
	v21 =	vor.u32 $0x70, v0;
	v36, _, _ =	vpop (xrf0);
	(xrf0) =	vmax.scan.msk.u32 $0xffff, v33  }
0x246: {  	v33 =	vor.u32 v21, v28;
	(v2sf) =	vpush v36, $0xF  }
0x247: {  	v35 =	vxor.u32 $0x80000000, v35;
	vm12 =	veq.f32 v32, v30  }
0x248: {  	v32 =	vld.idx.msk [tilespmem:v34+s3+$0x0], $0xffff;
	v37, _, _ =	vpop (xrf0);
	(xrf0) =	vmax.scan.msk.u32 $0xffff, v35;
	v36 =	vmctz.xlane vm12  }
0x249: {  	vm13 =	veq.f32 v31, v30;
	(v2sf) =	vpush v37, $0xF  }
0x24a: {  	v35 =	vxor.u32 $0x80000000, v36;
	v36 =	vmctz.xlane vm13  }
0x24b: {  	v31 =	vld.idx.msk [tilespmem:v33+s3+$0x0], $0xffff;
	v37, _, _ =	vpop (xrf0);
	(xrf0) =	vmax.scan.msk.u32 $0xffff, v35  }
0x24c: {  	(v2sf) =	vpush v37, $0xF  }
0x24d: {  	v35 =	vxor.u32 $0x80000000, v36;
	vm14 =	veq.f32 v32, v30  }
0x24e: {  	v32 =	vmctz.xlane vm14;
	v36, _, _ =	vpop (xrf0);
	(xrf0) =	vmax.scan.msk.u32 $0xffff, v35  }
0x24f: {  	(v2sf) =	vpush v36, $0xF  }
0x250: {  	v32 =	vxor.u32 $0x80000000, v32;
	vm15 =	veq.f32 v31, v30  }
0x251: {  	v30 =	vmctz.xlane vm15;
	v37, _, _ =	vpop (xrf0);
	(xrf0) =	vmax.scan.msk.u32 $0xffff, v32  }
0x252: {  	(v2sf) =	vpush v37, $0xF  }
0x253: {  	v30 =	vxor.u32 $0x80000000, v30  }
0x254: {  	v38, _, _ =	vpop (xrf0);
	(xrf0) =	vmax.scan.msk.u32 $0xffff, v30  }
0x255: {  	s19 =	spop (v2sf);
	(v2sf) =	vpush v38, $0xF  }
0x256: {  	s16 =	sxor.u32 $0x80000000, s19  }
0x257: {  	p0 =	slt.s32 s16, $0x10;
	v39, _, _ =	vpop (xrf0)  }
0x258: {  	s20 =	spop (v2sf);
	s16 =	simm.s32 @!p0 $0xFFFFFFFF;
	(v2sf) =	vpush v39, $0xF  }
0x259: {  	s18 =	sadd.s32 $0x80000010, s20;
	p0 =	slt.s32 s16, $0x0;
	s19 =	smov.u32 s16  }
0x25a: {  	p1 =	slt.u32 s20, $0x80000010;
	v35, _, _ =	vpop (xrf0);
	s19 =	smov.u32 @p0 s18  }
0x25b: {  	s16 =	smov.u32 @p1 s19;
	s21 =	spop (v2sf);
	(v2sf) =	vpush v35, $0xF  }
0x25c: {  	p0 =	slt.s32 s16, $0x0;
	s18 =	sadd.s32 $0x80000020, s21;
	s19 =	smov.u32 s16  }
0x25d: {  	p1 =	slt.u32 s21, $0x80000010;
	s19 =	smov.u32 @p0 s18  }
0x25e: {  	s28 =	spop (v2sf);
	s16 =	smov.u32 @p1 s19  }
0x25f: {  	s18 =	sadd.s32 $0x80000030, s28;
	p0 =	slt.s32 s16, $0x0;
	s19 =	smov.u32 s16  }
0x260: {  	p1 =	slt.u32 s28, $0x80000010;
	s19 =	smov.u32 @p0 s18  }
0x261: {  	s16 =	smov.u32 @p1 s19;
	s31 =	spop (v2sf)  }
0x262: {  	p0 =	slt.s32 s16, $0x0;
	s18 =	sadd.s32 $0x80000040, s31;
	s19 =	smov.u32 s16  }
0x263: {  	p1 =	slt.u32 s31, $0x80000010;
	s19 =	smov.u32 @p0 s18  }
0x264: {  	s16 =	smov.u32 @p1 s19;
	s20 =	spop (v2sf)  }
0x265: {  	p0 =	slt.s32 s16, $0x0;
	s18 =	sadd.s32 $0x80000050, s20;
	s19 =	smov.u32 s16  }
0x266: {  	s15 =	smax.f32 s15, $0.0e+00;
	p1 =	slt.u32 s20, $0x80000010;
	s19 =	smov.u32 @p0 s18  }
0x267: {  	s15 =	sadd.f32 $1.000000050e-03, s15;
	s16 =	smov.u32 @p1 s19;
	s21 =	spop (v2sf)  }
0x268: {  	p0 =	slt.s32 s16, $0x0;
	s18 =	sadd.s32 $0x80000060, s21;
	s19 =	smov.u32 s16  }
0x269: {  	p1 =	slt.u32 s21, $0x80000010;
	s19 =	smov.u32 @p0 s18  }
0x26a: {  	v36 =	vmov s15;
	s16 =	smov.u32 @p1 s19;
	s28 =	spop (v2sf)  }
0x26b: {  	(erf) = vrcp.f32 v36;
	p0 =	slt.s32 s16, $0x0;
	s17 =	sadd.s32 $0x80000070, s28;
	s18 =	smov.u32 s16  }
0x26c: {  	s12 =	sld [smem:s12+$0x0];
	p1 =	slt.u32 s28, $0x80000010;
	s18 =	smov.u32 @p0 s17  }
0x26d: {  	s16 =	smov.u32 @p1 s18  }
0x26e: {  	s31 =	simm.s32 $0x0;
	v37 =	vmov s16  }
0x26f: {  	v38 =	vmov s31;
	s12 =	sadd.s32 s12, s16;
	v39 =	vand.u32 $0xFFFFFF80, v37  }
0x270: {  	p0 =	slt.s32 s12, $0x1869F;
	v30 =	vand.u32 $0x7F, v37;
	v28 =	vadd.s32 v28, v39  }
0x271: {  	s12 =	simm.s32 @!p0 $0x1869F;
	v28 =	vor.u32 v30, v28  }
0x272: {  	s12 =	sadd.s32 s1, s12  }
0x273: {  	v36 =	vmov s12  }
0x274: {  	v37 =	vpop (erf);
	[tilespmem:v38+s25+$0x0] =	vst.idx.msk $0x1, v36  }
0x275: {  	[tilespmem:v38+s26+$0x0] =	vst.idx.msk $0x1, v37  }
0x276: {  	[tilespmem:v28+s3+$0x0] =	vst.idx.msk $0x1, v16  }
0x277: {  	v23 =	vld.idx.msk [tilespmem:v23+s3+$0x0], $0xffff  }
0x278: {  	v24 =	vld.idx.msk [tilespmem:v24+s3+$0x0], $0xffff  }
0x279: {  	v25 =	vld.idx.msk [tilespmem:v25+s3+$0x0], $0xffff  }
0x27a: {  	v26 =	vld.idx.msk [tilespmem:v26+s3+$0x0], $0xffff  }
0x27b: {  	v27 =	vld.idx.msk [tilespmem:v27+s3+$0x0], $0xffff  }
0x27c: {  	v28 =	vld.idx.msk [tilespmem:v29+s3+$0x0], $0xffff  }
0x27d: {  	v38 =	vld.idx.msk [tilespmem:v34+s3+$0x0], $0xffff;
	v23 =	vmin.f32 v23, v24  }
0x27e: {  	v39 =	vld.idx.msk [tilespmem:v33+s3+$0x0], $0xffff;
	v23 =	vmin.f32 v23, v25  }
0x27f: {  	v23 =	vmin.f32 v23, v26  }
0x280: {  	v23 =	vmin.f32 v23, v27  }
0x281: {  	v23 =	vmin.f32 v23, v28  }
0x282: {  	v23 =	vmin.f32 v23, v38  }
0x283: {  	v23 =	vmin.f32 v23, v39  }
0x284: {  	s12 =	simm.s32 $0x1;
	(xrf0) =	vmin.scan.msk.f32 $0xffff, v23  }
.LBB2_5:
0x285: {  	_ =	sdelay $0x3  }
0x286: {  	p0 =	sne.s32 s12, $0x31;
	s15 =	smov.u32 s12;
	s12 =	sadd.s32 $0x1, s12  }
0x287: {  	v23, _, _ =	vpop (xrf0)  }
0x288: {  	v23 =	vbroadcast v23, $0xF;
	_ =	sdelay $0x1  }
0x289: {  	[tilespmem:v22+s23+$0x0] =	vst.idx.msk $0x1, v23  }
0x28a: {  	v22 =	vld [tilespmem:$0x2490]  }
0x28b: {  	v23 =	vld [tilespmem:$0x24A0]  }
0x28c: {  	v24 =	vld [tilespmem:$0x24B0]  }
0x28d: {  	v25 =	vld [tilespmem:$0x2480];
	_ =	sdelay $0x3  }
0x28e: {  	v26 =	vmin.f32 v23, v24  }
0x28f: {  	v27 =	vmin.f32 v25, v22  }
0x290: {  	v26 =	vmin.f32 v27, v26  }
0x291: {  	(xrf0) =	vmin.scan.msk.f32 $0xffff, v26;
	_ =	sdelay $0x5  }
0x292: {  	v26, _, _ =	vpop (xrf0)  }
0x293: {  	v33 =	vbroadcast v26, $0xF;
	(v2sf) =	vpush v26, $0xF;
	_ =	sdelay $0x1  }
0x294: {  	vm0 =	veq.f32 v22, v33;
	vm1 =	veq.f32 v23, v33;
	vm2 =	veq.f32 v24, v33  }
0x295: {  	vm3 =	veq.f32 v25, v33;
	v22 =	vmctz.xlane vm1;
	v23 =	vmctz.xlane vm2  }
0x296: {  	v24 =	vmctz.xlane vm3;
	v25 =	vmctz.xlane vm0  }
0x297: {  	v22 =	vxor.u32 $0x80000000, v22;
	v23 =	vxor.u32 $0x80000000, v23  }
0x298: {  	v24 =	vxor.u32 $0x80000000, v24;
	v25 =	vxor.u32 $0x80000000, v25;
	(xrf0) =	vmax.scan.msk.u32 $0xffff, v22  }
0x299: {  	(xrf0) =	vmax.scan.msk.u32 $0xffff, v25  }
0x29a: {  	(xrf0) =	vmax.scan.msk.u32 $0xffff, v23  }
0x29b: {  	(xrf0) =	vmax.scan.msk.u32 $0xffff, v24;
	_ =	sdelay $0x2  }
0x29c: {  	v22, _, _ =	vpop (xrf0)  }
0x29d: {  	v23, _, _ =	vpop (xrf0);
	(v2sf) =	vpush v22, $0xF  }
0x29e: {  	(v2sf) =	vpush v23, $0xF;
	v22, _, _ =	vpop (xrf0)  }
0x29f: {  	s16 =	spop (v2sf);
	v23, _, _ =	vpop (xrf0);
	(v2sf) =	vpush v22, $0xF  }
0x2a0: {  	s16 =	smax.f32 s16, $0.0e+00;
	(v2sf) =	vpush v23, $0xF  }
0x2a1: {  	s16 =	sadd.f32 $1.000000050e-03, s16;
	_ =	sdelay $0x1  }
0x2a2: {  	v24 =	vmov s16;
	_ =	sdelay $0x8  }
0x2a3: {  	s16 =	spop (v2sf)  }
0x2a4: {  	s17 =	spop (v2sf)  }
0x2a5: {  	s19 =	sadd.s32 $0x80000020, s16;
	s18 =	sadd.s32 $0x80000010, s17;
	s20 =	spop (v2sf)  }
0x2a6: {  	p1 =	slt.u32 s16, $0x80000010;
	s16 =	sadd.s32 $0x80000030, s20;
	s20 =	spop (v2sf)  }
0x2a7: {  	p2 =	slt.u32 s17, $0x80000010;
	s20 =	sxor.u32 $0x80000000, s20;
	s16 =	smov.u32 @p1 s19  }
0x2a8: {  	p1 =	slt.s32 s20, $0x10;
	s16 =	smov.u32 @p2 s18  }
0x2a9: {  	s16 =	smov.u32 @p1 s20  }
0x2aa: {  	v22 =	vmov s16  }
0x2ab: {  	v28 =	vshll.u32 v22, $0x7  }
0x2ac: {  	v23 =	vor.u32 v0, v28;
	_ =	sdelay $0x2  }
0x2ad: {  	v25 =	vor.u32 v2, v28;
	_ =	sdelay $0x1  }
0x2ae: {  	v29 =	vld.idx.msk [tilespmem:v23+s3+$0x0], $0xffff  }
0x2af: {  	v26 =	vor.u32 v3, v28;
	_ =	sdelay $0x1  }
0x2b0: {  	v30 =	vld.idx.msk [tilespmem:v25+s3+$0x0], $0xffff  }
0x2b1: {  	v27 =	vor.u32 v4, v28;
	_ =	sdelay $0x1  }
0x2b2: {  	vm0 =	veq.f32 v29, v33;
	v31 =	vld.idx.msk [tilespmem:v26+s3+$0x0], $0xffff  }
0x2b3: {  	v29 =	vor.u32 v18, v28;
	v32 =	vmctz.xlane vm0;
	_ =	sdelay $0x1  }
0x2b4: {  	v32 =	vxor.u32 $0x80000000, v32;
	vm0 =	veq.f32 v30, v33;
	v34 =	vld.idx.msk [tilespmem:v27+s3+$0x0], $0xffff  }
0x2b5: {  	v30 =	vor.u32 v19, v28;
	v35 =	vmctz.xlane vm0;
	(xrf0) =	vmax.scan.msk.u32 $0xffff, v32;
	_ =	sdelay $0x1  }
0x2b6: {  	v32 =	vxor.u32 $0x80000000, v35;
	vm0 =	veq.f32 v31, v33;
	v35 =	vld.idx.msk [tilespmem:v29+s3+$0x0], $0xffff  }
0x2b7: {  	v31 =	vor.u32 v20, v28;
	v36 =	vmctz.xlane vm0;
	(xrf0) =	vmax.scan.msk.u32 $0xffff, v32;
	_ =	sdelay $0x1  }
0x2b8: {  	v36 =	vxor.u32 $0x80000000, v36;
	vm0 =	veq.f32 v34, v33;
	v34 =	vld.idx.msk [tilespmem:v30+s3+$0x0], $0xffff  }
0x2b9: {  	v32 =	vor.u32 v21, v28;
	v37 =	vmctz.xlane vm0;
	v38, _, _ =	vpop (xrf0);
	(xrf0) =	vmax.scan.msk.u32 $0xffff, v36  }
0x2ba: {  	(v2sf) =	vpush v38, $0xF  }
0x2bb: {  	v36 =	vxor.u32 $0x80000000, v37;
	vm0 =	veq.f32 v35, v33;
	v35 =	vld.idx.msk [tilespmem:v31+s3+$0x0], $0xffff  }
0x2bc: {  	v37 =	vmctz.xlane vm0;
	v38, _, _ =	vpop (xrf0);
	(xrf0) =	vmax.scan.msk.u32 $0xffff, v36  }
0x2bd: {  	(v2sf) =	vpush v38, $0xF  }
0x2be: {  	v36 =	vxor.u32 $0x80000000, v37;
	vm0 =	veq.f32 v34, v33;
	v34 =	vld.idx.msk [tilespmem:v32+s3+$0x0], $0xffff  }
0x2bf: {  	v39 =	vmctz.xlane vm0;
	v38, _, _ =	vpop (xrf0);
	(xrf0) =	vmax.scan.msk.u32 $0xffff, v36  }
0x2c0: {  	(v2sf) =	vpush v38, $0xF  }
0x2c1: {  	v36 =	vxor.u32 $0x80000000, v39;
	vm0 =	veq.f32 v35, v33  }
0x2c2: {  	v35 =	vmctz.xlane vm0;
	v37, _, _ =	vpop (xrf0);
	(xrf0) =	vmax.scan.msk.u32 $0xffff, v36  }
0x2c3: {  	(v2sf) =	vpush v37, $0xF  }
0x2c4: {  	v35 =	vxor.u32 $0x80000000, v35;
	vm0 =	veq.f32 v34, v33  }
0x2c5: {  	v33 =	vmctz.xlane vm0;
	v34, _, _ =	vpop (xrf0);
	(xrf0) =	vmax.scan.msk.u32 $0xffff, v35  }
0x2c6: {  	(v2sf) =	vpush v34, $0xF  }
0x2c7: {  	v33 =	vxor.u32 $0x80000000, v33  }
0x2c8: {  	v34, _, _ =	vpop (xrf0);
	(xrf0) =	vmax.scan.msk.u32 $0xffff, v33  }
0x2c9: {  	s17 =	spop (v2sf)  }
0x2ca: {  	(v2sf) =	vpush v34, $0xF;
	s17 =	sxor.u32 $0x80000000, s17  }
0x2cb: {  	p1 =	slt.s32 s17, $0x10  }
0x2cc: {  	v33, _, _ =	vpop (xrf0);
	s17 =	simm.s32 @!p1 $0xFFFFFFFF  }
0x2cd: {  	s18 =	spop (v2sf);
	p1 =	slt.s32 s17, $0x0  }
0x2ce: {  	(v2sf) =	vpush v33, $0xF;
	s19 =	sadd.s32 $0x80000010, s18;
	p2 =	slt.u32 s18, $0x80000010;
	s18 =	smov.u32 s17  }
0x2cf: {  	s18 =	smov.u32 @p1 s19  }
0x2d0: {  	v33, _, _ =	vpop (xrf0);
	s17 =	smov.u32 @p2 s18  }
0x2d1: {  	s18 =	spop (v2sf);
	p1 =	slt.s32 s17, $0x0  }
0x2d2: {  	(v2sf) =	vpush v33, $0xF;
	s19 =	sadd.s32 $0x80000020, s18;
	p2 =	slt.u32 s18, $0x80000010;
	s18 =	smov.u32 s17  }
0x2d3: {  	s18 =	smov.u32 @p1 s19  }
0x2d4: {  	s17 =	smov.u32 @p2 s18  }
0x2d5: {  	s18 =	spop (v2sf);
	p1 =	slt.s32 s17, $0x0  }
0x2d6: {  	s19 =	sadd.s32 $0x80000030, s18;
	p2 =	slt.u32 s18, $0x80000010;
	s18 =	smov.u32 s17  }
0x2d7: {  	s18 =	smov.u32 @p1 s19  }
0x2d8: {  	s17 =	smov.u32 @p2 s18  }
0x2d9: {  	s18 =	spop (v2sf);
	p1 =	slt.s32 s17, $0x0  }
0x2da: {  	s19 =	sadd.s32 $0x80000040, s18;
	p2 =	slt.u32 s18, $0x80000010;
	s18 =	smov.u32 s17  }
0x2db: {  	s18 =	smov.u32 @p1 s19  }
0x2dc: {  	s17 =	smov.u32 @p2 s18  }
0x2dd: {  	s18 =	spop (v2sf);
	p1 =	slt.s32 s17, $0x0  }
0x2de: {  	s19 =	sadd.s32 $0x80000050, s18;
	p2 =	slt.u32 s18, $0x80000010;
	s18 =	smov.u32 s17  }
0x2df: {  	s18 =	smov.u32 @p1 s19  }
0x2e0: {  	s17 =	smov.u32 @p2 s18  }
0x2e1: {  	s18 =	spop (v2sf);
	p1 =	slt.s32 s17, $0x0  }
0x2e2: {  	s19 =	sadd.s32 $0x80000060, s18;
	p2 =	slt.u32 s18, $0x80000010;
	s18 =	smov.u32 s17  }
0x2e3: {  	s18 =	smov.u32 @p1 s19  }
0x2e4: {  	s17 =	smov.u32 @p2 s18;
	s18 =	spop (v2sf);
	(erf) = vrcp.f32 v24  }
0x2e5: {  	s16 =	sld [smem:s16+$0x0];
	p1 =	slt.s32 s17, $0x0  }
0x2e6: {  	s19 =	sadd.s32 $0x80000070, s18;
	p2 =	slt.u32 s18, $0x80000010;
	s18 =	smov.u32 s17  }
0x2e7: {  	s18 =	smov.u32 @p1 s19  }
0x2e8: {  	s17 =	smov.u32 @p2 s18  }
0x2e9: {  	v24 =	vmov s15;
	s16 =	sadd.s32 s16, s17;
	v33 =	vmov s17  }
0x2ea: {  	p1 =	slt.s32 s16, $0x1869F;
	v34 =	vand.u32 $0xFFFFFF80, v33  }
0x2eb: {  	v33 =	vand.u32 $0x7F, v33;
	s16 =	simm.s32 @!p1 $0x1869F;
	v28 =	vadd.s32 v28, v34  }
0x2ec: {  	s15 =	sadd.s32 s1, s16;
	v28 =	vor.u32 v33, v28  }
0x2ed: {  	v34 =	vmov s15  }
0x2ee: {  	[tilespmem:v24+s25+$0x0] =	vst.idx.msk $0x1, v34;
	v33 =	vpop (erf)  }
0x2ef: {  	[tilespmem:v24+s26+$0x0] =	vst.idx.msk $0x1, v33;
	_ =	sdelay $0x1  }
0x2f0: {  	[tilespmem:v28+s3+$0x0] =	vst.idx.msk $0x1, v16  }
0x2f1: {  	v23 =	vld.idx.msk [tilespmem:v23+s3+$0x0], $0xffff  }
0x2f2: {  	v24 =	vld.idx.msk [tilespmem:v25+s3+$0x0], $0xffff  }
0x2f3: {  	v25 =	vld.idx.msk [tilespmem:v26+s3+$0x0], $0xffff  }
0x2f4: {  	v26 =	vld.idx.msk [tilespmem:v27+s3+$0x0], $0xffff  }
0x2f5: {  	v27 =	vld.idx.msk [tilespmem:v29+s3+$0x0], $0xffff  }
0x2f6: {  	v28 =	vld.idx.msk [tilespmem:v30+s3+$0x0], $0xffff  }
0x2f7: {  	v29 =	vld.idx.msk [tilespmem:v31+s3+$0x0], $0xffff  }
0x2f8: {  	v23 =	vmin.f32 v23, v24;
	v24 =	vld.idx.msk [tilespmem:v32+s3+$0x0], $0xffff  }
0x2f9: {  	v23 =	vmin.f32 v23, v25  }
0x2fa: {  	v23 =	vmin.f32 v23, v26  }
.Ltmp1:
0x2fb: {  	v23 =	vmin.f32 v23, v27;
	(pc) =	sbr.rel @p0 .LBB2_5-.Ltmp1, $4  }
0x2fc: {  	v23 =	vmin.f32 v23, v28  }
0x2fd: {  	v23 =	vmin.f32 v23, v29  }
0x2fe: {  	v23 =	vmin.f32 v23, v24  }
0x2ff: {  	(xrf0) =	vmin.scan.msk.f32 $0xffff, v23  }
0x300: {  	_ =	sdelay $0x4  }
0x301: {  	v18, _, _ =	vpop (xrf0)  }
0x302: {  	s12 =	simm.s32 $0x0;
	v18 =	vbroadcast v18, $0xF  }
0x303: {  	v19 =	vmov s12  }
0x304: {  	s21 =	simm.s32 $0x40;
	[tilespmem:v22+s23+$0x0] =	vst.idx.msk $0x1, v18;
	v18 =	vshll.u32 v19, $0x7  }
0x305: {  	[tilespmem:s29], [sflag:$0x1] =	stream.indirect.gather [hbm4b:s6+s21], $0x80, s25, s21, $0xb8;
	v21 =	vor.u32 v0, v18;
	[tilespmem:$0x4680] =	vst v63  }
0x306: {  	v22 =	vor.u32 v3, v18;
	_ =	swait.ge [sflag:s24], $0x2000  }
0x307: {  	s28 =	simm.s32 $0x1;
	v23 =	vor.u32 v2, v18;
	[sflag:s24] =	ssyncset.done $0x0  }
0x308: {  	v24 =	vmov s28;
	v18 =	vor.u32 v4, v18;
	[sflag:s24] =	ssyncadd.s32 $0xFFFFE000  }
0x309: {  	v26 =	vshll.u32 v24, $0x7;
	v20 =	vld.idx.msk [tilespmem:v19+s26+$0x0], $0xffff  }
0x30a: {  	v29 =	vor.u32 v0, v26;
	v27 =	vld.idx.msk [tilespmem:v21+s29+$0x0], $0xffff  }
0x30b: {  	s31 =	simm.s32 $0x2;
	v36 =	vor.u32 v3, v26;
	v34 =	vld.idx.msk [tilespmem:v22+s29+$0x0], $0xffff  }
0x30c: {  	v25 =	vmov s31;
	v32 =	vor.u32 v2, v26;
	v21 =	vld.idx.msk [tilespmem:v23+s29+$0x0], $0xffff  }
0x30d: {  	v35 =	vshll.u32 v25, $0x7;
	v28 =	vor.u32 v4, v26;
	v22 =	vld.idx.msk [tilespmem:v18+s29+$0x0], $0xffff  }
0x30e: {  	v31 =	vor.u32 v0, v35;
	v33 =	vor.u32 v2, v35;
	v18 =	vld.idx.msk [tilespmem:v24+s26+$0x0], $0xffff  }
0x30f: {  	v26 =	vimm.f32 $0.0e+00;
	v19 =	vimm.f32 $0.0e+00;
	v23 =	vld.idx.msk [tilespmem:v29+s29+$0x0], $0xffff;
	v29 =	vimm.f32 $0.0e+00  }
0x310: {  	s12 =	simm.s32 $0x3;
	v24 =	vld.idx.msk [tilespmem:v36+s29+$0x0], $0xffff;
	v30 =	vmul.f32 v27, v20;
	v34 =	vmul.f32 v34, v20;
	v27 =	vimm.f32 $0.0e+00  }
.LBB2_7:
0x311: {  	p0 =	sne.s32 s12, $0x3F;
	v36 =	vor.u32 v3, v35;
	v35 =	vor.u32 v4, v35;
	v37 =	vmul.f32 v21, v20;
	v21 =	vld.idx.msk [tilespmem:v32+s29+$0x0], $0xffff;
	s15 =	smov.u32 s12;
	s12 =	sadd.s32 $0x1, s12  }
.Ltmp2:
0x312: {  	v32 =	vmovc v33;
	v19 =	vadd.f32 v34, v19;
	v34 =	vmul.f32 v22, v20;
	v22 =	vld.idx.msk [tilespmem:v28+s29+$0x0], $0xffff;
	v28 =	vmov v35;
	(pc) =	sbr.rel @p0 .LBB2_7-.Ltmp2, $4  }
0x313: {  	v29 =	vadd.f32 v30, v29;
	v26 =	vadd.f32 v37, v26  }
0x314: {  	v20 =	vmov v18;
	v27 =	vadd.f32 v34, v27;
	v18 =	vld.idx.msk [tilespmem:v25+s26+$0x0], $0xffff;
	v25 =	vmov s15  }
0x315: {  	v30 =	vmul.f32 v23, v20;
	v35 =	vshll.u32 v25, $0x7;
	v23 =	vld.idx.msk [tilespmem:v31+s29+$0x0], $0xffff  }
0x316: {  	v34 =	vmul.f32 v24, v20;
	v31 =	vor.u32 v0, v35;
	v33 =	vor.u32 v2, v35;
	v24 =	vld.idx.msk [tilespmem:v36+s29+$0x0], $0xffff  }
0x317: {  	v36 =	vld [tilespmem:$0x4600]  }
0x318: {  	v37 =	vld [tilespmem:$0x4610];
	_ =	sdelay $0x1  }
0x319: {  	v38 =	vld [tilespmem:$0x4620];
	_ =	sdelay $0x1  }
0x31a: {  	v39 =	vld [tilespmem:$0x4630]  }
0x31b: {  	v36 =	vadd.f32 v37, v36;
	_ =	sdelay $0x1  }
0x31c: {  	v36 =	vadd.f32 v38, v36;
	_ =	sdelay $0x1  }
0x31d: {  	v36 =	vadd.f32 v39, v36;
	_ =	sdelay $0x1  }
0x31e: {  	(xrf2) =	vadd.scan.msk.f32 $0xffff, v36;
	_ =	sdelay $0x9  }
0x31f: {  	v36, _, _ =	vpop (xrf2)  }
0x320: {  	v32 =	vld.idx.msk [tilespmem:v32+s29+$0x0], $0xffff;
	v37 =	vor.u32 v3, v35;
	v36 =	vbroadcast v36, $0xF  }
0x321: {  	v28 =	vld.idx.msk [tilespmem:v28+s29+$0x0], $0xffff;
	v39 =	vor.u32 v4, v35  }
0x322: {  	v25 =	vld.idx.msk [tilespmem:v25+s26+$0x0], $0xffff;
	(erf) = vrcp.f32 v36  }
0x323: {  	v31 =	vld.idx.msk [tilespmem:v31+s29+$0x0], $0xffff  }
0x324: {  	v33 =	vld.idx.msk [tilespmem:v33+s29+$0x0], $0xffff  }
0x325: {  	v21 =	vmul.f32 v21, v20;
	v29 =	vadd.f32 v30, v29;
	v38 =	vld.idx.msk [tilespmem:v37+s29+$0x0], $0xffff  }
0x326: {  	v19 =	vadd.f32 v34, v19;
	v23 =	vmul.f32 v23, v18;
	v24 =	vmul.f32 v24, v18;
	v39 =	vld.idx.msk [tilespmem:v39+s29+$0x0], $0xffff  }
0x327: {  	v21 =	vadd.f32 v21, v26;
	v32 =	vmul.f32 v32, v18;
	v36 =	vmul.f32 v22, v20  }
0x328: {  	v23 =	vadd.f32 v23, v29;
	v34 =	vmul.f32 v31, v25;
	v18 =	vmul.f32 v28, v18  }
0x329: {  	v21 =	vadd.f32 v32, v21;
	v35 =	vmul.f32 v33, v25;
	v20 =	vadd.f32 v36, v27  }
0x32a: {  	v19 =	vadd.f32 v24, v19;
	v23 =	vadd.f32 v34, v23;
	v22 =	vmul.f32 v38, v25  }
0x32b: {  	v21 =	vadd.f32 v35, v21;
	v36 =	vmul.f32 v39, v25;
	v18 =	vadd.f32 v18, v20;
	v37 =	vpop (erf)  }
0x32c: {  	v19 =	vadd.f32 v22, v19;
	v38 =	vmul.f32 v37, v23  }
0x32d: {  	v18 =	vadd.f32 v36, v18;
	v39 =	vmul.f32 v37, v21  }
0x32e: {  	s0 =	sshll.u32 s0, $0x9;
	v19 =	vmul.f32 v37, v19;
	[tilespmem:$0x4580] =	vst v38  }
0x32f: {  	s2 =	sadd.s32 $0x1, s2;
	s0 =	sor.u32 s11, s0;
	v18 =	vmul.f32 v37, v18;
	[tilespmem:$0x4590] =	vst v39  }
0x330: {  	p0 =	sne.s32 s2, $0x10;
	s0 =	sshrl.u32 s0, $0x3;
	[tilespmem:$0x45A0] =	vst v19  }
.Ltmp3:
0x331: {  	s0 =	sadd.s32 s7, s0;
	[tilespmem:$0x45B0] =	vst v18;
	(pc) =	sbr.rel @p0 .LBB2_2-.Ltmp3, $4  }
0x332: {  	[hbm4b:s0+s3] =	stream.linear.scatter [tilespmem:s30], [sflag:$0x2], $0x40, $0x38;
	[tilespmem:$0x4680] =	vst v63  }
0x333: {  	_ =	swait.ge [sflag:s14], $0x40  }
0x334: {  	[sflag:s14] =	ssyncset.done $0x0  }
0x335: {  	[sflag:s14] =	ssyncadd.s32 $0xFFFFFFC0  }
0x336: {  	s2 =	rddreg [dreg:$0x3]  }
0x337: {  	s0 =	rddreg [dreg:$0x2];
	s2 =	sadd.s32 $0x1, s2  }
0x338: {  	p0 =	sne.s32 s2, s0  }
.Ltmp4:
0x339: {  	_ = 	snop;
	(pc) =	sbr.rel @p0 .LBB2_1-.Ltmp4, $1  }
0x33a: {  	_ =	sdelay $0x3  }
0x33b: {  	_ =	sfence.sel $0x180000  }
0x33c: {  	[bflag:$0x0] =	sbarrier.arrive $0xFFFF  }
0x33d: {  	_ =	strace $0x90000047  }
0x33e: {  	s0 =	stileid.u32;
	[bflag:$0x2] =	sbarrier.arrive $0xFFFF  }
0x33f: {  	p0 =	sne.s32 s0, $0x0;
	s0 =	rddreg [dreg:$0x1]  }
0x340: {  	s0 =	sadd.s32 @!p0 $0x100000, s0  }
0x341: {  	[sflag:s0] =	ssyncadd.tile.s32 @!p0 $0x1;
	_ =	shalt  }
.Lfunc_end2:
_tile_overlayer_lowered:
.L_overlay_start_2:
0x342: {  	(tag) =	ssettag $0x2  }
0x343: {  	s0 =	rddreg [dreg:$0x0];
	s2 =	stileid.u32  }
0x344: {  	s1 =	rddreg [dreg:$0x1];
	p0 =	sne.s32 s2, $0x0  }
0x345: {  	s3 =	rddreg [dreg:$0x2];
	[bflag:$0x3] =	sbarrier.arrive $0xFFFF;
	s2 =	simm.s32 @!p0 $0x1C02  }
0x346: {  	[timem:s3], [sflag:s2] =	dma.local @!p0 [hbm:s0], s1  }
0x347: {  	s0 =	simm.s32 @!p0 $0x2  }
0x348: {  	_ =	swait.ge @!p0 [sflag:s0], s1  }
0x349: {  	s1 =	ssub.s32 @!p0 $0x0, s1;
	[sflag:s0] =	ssyncset.done @!p0 $0x0  }
0x34a: {  	[sflag:s0] =	ssyncadd.s32 @!p0 s1  }
0x34b: {  	[bflag:$0x3] =	sbarrier.arrive $0xFFFF  }
0x34c: {  	_ =	shalt  }

</sc_bundles>
